<compile_context>
chip_gen: v7x
topology: tpu7x:2x2x1
jax: 0.10.2.dev20260603
libtpu: 0.0.44.dev20260713+nightly
codegen_flags: <defaults>
</compile_context>

<pallas_src>
import functools
import math

import jax
import jax.numpy as jnp
from jax import lax
from jax.experimental import pallas as pl
from jax.experimental.pallas import tpu as pltpu
from jax.experimental.pallas import tpu_sc as plsc

D = 128
SCALE = math.sqrt(128.0)
NW = 32
RPC = 2


@functools.lru_cache(maxsize=None)
def _make_kernel(B: int, L: int):
    lp = (L + 7) // 8 * 8
    rows_per_w = B // NW
    n_chunks = rows_per_w // RPC
    kc = RPC * L
    assert n_chunks >= 4 and n_chunks % 2 == 0 and kc <= 128
    mesh = plsc.VectorSubcoreMesh(core_axis_name="c", subcore_axis_name="s")

    @functools.partial(
        pl.kernel,
        out_type=jax.ShapeDtypeStruct((B, lp, D), jnp.float32),
        mesh=mesh,
        compiler_params=pltpu.CompilerParams(use_tc_tiling_on_sc=False),
        scratch_types=[
            pltpu.VMEM((n_chunks, kc), jnp.int32),
            pltpu.VMEM((2, kc, D), jnp.float32),
            pltpu.VMEM((2, RPC, L, D), jnp.float32),
            pltpu.SemaphoreType.DMA,
            pltpu.SemaphoreType.DMA,
            pltpu.SemaphoreType.DMA,
            pltpu.SemaphoreType.DMA,
        ],
    )
    def emb(idx_hbm, table_hbm, out_hbm, idx_v, gbuf, sbuf,
            gsem0, gsem1, ssem0, ssem1):
        wid = lax.axis_index("s") * 2 + lax.axis_index("c")
        pltpu.sync_copy(idx_hbm.at[wid], idx_v)
        base = wid * rows_per_w
        gsems = (gsem0, gsem1)
        ssems = (ssem0, ssem1)

        def fire_gather(b, j):
            pltpu.async_copy(table_hbm.at[idx_v.at[j]], gbuf.at[b], gsems[b])

        def wait_gather(b, j):
            pltpu.make_async_copy(
                table_hbm.at[idx_v.at[j]], gbuf.at[b], gsems[b]).wait()

        def fire_store(b, j):
            pltpu.async_copy(
                sbuf.at[b],
                out_hbm.at[pl.ds(base + j * RPC, RPC), pl.ds(0, L)], ssems[b])

        def wait_store(b):
            pltpu.make_async_copy(
                sbuf.at[b],
                out_hbm.at[pl.ds(0, RPC), pl.ds(0, L)], ssems[b]).wait()

        def scale(b):
            def row(i, c):
                for r in range(RPC):
                    for c8 in range(D // 16):
                        s = pl.ds(c8 * 16, 16)
                        sbuf[b, r, i, s] = gbuf[b, r * L + i, s] * SCALE
                return c
            lax.fori_loop(0, L, row, 0)

        fire_gather(0, 0)
        fire_gather(1, 1)
        for j in range(2):
            b = j % 2
            wait_gather(b, j)
            scale(b)
            fire_store(b, j)
            fire_gather(b, j + 2)

        def group(j2, c):
            for b in range(2):
                j = 2 * j2 + b
                wait_gather(b, j)
                wait_store(b)
                scale(b)
                fire_store(b, j)
                fire_gather(b, j + 2)
            return c

        lax.fori_loop(1, n_chunks // 2 - 1, group, 0)

        for j in range(n_chunks - 2, n_chunks):
            b = j % 2
            wait_gather(b, j)
            wait_store(b)
            scale(b)
            fire_store(b, j)
        wait_store(0)
        wait_store(1)

    return emb


@functools.lru_cache(maxsize=None)
def _make_depad(B: int, L: int, lp: int):
    bb = 128

    def body(i_ref, o_ref):
        o_ref[...] = i_ref[:, :L, :]

    return pl.pallas_call(
        body,
        grid=(B // bb,),
        in_specs=[pl.BlockSpec((bb, lp, D), lambda i: (i, 0, 0))],
        out_specs=pl.BlockSpec((bb, L, D), lambda i: (i, 0, 0)),
        out_shape=jax.ShapeDtypeStruct((B, L, D), jnp.float32),
    )


def kernel(x, table):
    B, L = x.shape
    lp = (L + 7) // 8 * 8
    idx = x.reshape(NW, (B // NW) // RPC, RPC * L).astype(jnp.int32)
    out = _make_kernel(B, L)(idx, table)
    return _make_depad(B, L, lp)(out)

# --- scband reference (transcript-rebuilt; emitter-appended) ---
"""Pipeline reference for scband-embedding-10977936408752 (READ-ONLY COPY).

The authoritative reference and input builder live on the scoring server;
editing this copy changes nothing except your own understanding.
"""

import jax, jax.numpy as jnp
import numpy as np

VOCAB_SIZE = 100000
EMBEDDING_DIM = 128

def setup_inputs(seed: int = 0) -> dict:
    key = jax.random.key(seed)
    k_idx, k_tab = jax.random.split(key)
    x = jax.random.randint(k_idx, (4096, 50), 0, VOCAB_SIZE, dtype=jnp.int64 if jax.config.jax_enable_x64 else jnp.int32)
    # Keras Embedding default initializer is uniform(-0.05, 0.05)
    table = jax.random.uniform(k_tab, (VOCAB_SIZE, EMBEDDING_DIM), dtype=jnp.float32, minval=-0.05, maxval=0.05)
    return {"x": x, "table": table}

def reference(x, table):
    emb = jnp.take(table, x, axis=0)  # (B, L, D)
    return emb * jnp.sqrt(jnp.asarray(EMBEDDING_DIM, dtype=jnp.float32))

if __name__ == "__main__":
    import jax
    _d = setup_inputs()
    print(jax.jit(kernel)(*tuple(_d.values())))

</pallas_src>

<mosaic_0001>
#map = affine_map<(d0, d1) -> (0, 0, 0)>
#map1 = affine_map<(d0, d1) -> (0, 0)>
module attributes {stable_mosaic.version = 14 : i64} {
  func.func @emb(%arg0: i32, %arg1: i32, %arg2: memref<32x64x100xi32, #tpu.memory_space<hbm>>, %arg3: memref<100000x128xf32, #tpu.memory_space<hbm>>, %arg4: memref<4096x56x128xf32, #tpu.memory_space<hbm>>, %arg5: memref<64x100xi32, #tpu.memory_space<vmem>>, %arg6: memref<2x100x128xf32, #tpu.memory_space<vmem>>, %arg7: memref<2x2x50x128xf32, #tpu.memory_space<vmem>>, %arg8: memref<!tpu.dma_semaphore, #tpu.memory_space<semaphore_mem>>, %arg9: memref<!tpu.dma_semaphore, #tpu.memory_space<semaphore_mem>>, %arg10: memref<!tpu.dma_semaphore, #tpu.memory_space<semaphore_mem>>, %arg11: memref<!tpu.dma_semaphore, #tpu.memory_space<semaphore_mem>>) attributes {dimension_semantics = [#tpu.dimension_semantics<core_parallel>, #tpu.dimension_semantics<subcore_parallel>], iteration_bounds = array<i64: 2, 16>, scalar_prefetch = 0 : i64, scratch_operands = 7 : i64, tpu.core_type = #tpu.core_type<sc_vector_subcore>, window_params = [{transform_indices = #map}, {transform_indices = #map1}, {transform_indices = #map}]} {
    %mul3A = arith.constant 2 : i32
    %mul3A_0 = arith.muli %arg1, %mul3A : i32
    %add3A = arith.addi %mul3A_0, %arg0 : i32
    "tpu.region"() ({
      %run_scoped3A = tpu.sem_alloc : memref<!tpu.dma_semaphore, #tpu.memory_space<semaphore_mem>>
      %dma_start3A_278 = arith.constant 0 : i32
      %dma_start3A_279 = arith.constant 0 : i32
      %dma_start3A_280 = tpu.memref_slice %arg2[%add3A, %dma_start3A_278, %dma_start3A_279] : memref<32x64x100xi32, #tpu.memory_space<hbm>> -> memref<1x64x100xi32, #tpu.memory_space<hbm>>
      %dma_start3A_281 = tpu.memref_squeeze %dma_start3A_280 : memref<1x64x100xi32, #tpu.memory_space<hbm>> -> memref<64x100xi32, #tpu.memory_space<hbm>>
      %dma_start3A_282 = arith.constant 0 : i32
      %dma_start3A_283 = arith.constant 0 : i32
      %dma_start3A_284 = tpu.memref_slice %arg2[%add3A, %dma_start3A_282, %dma_start3A_283] : memref<32x64x100xi32, #tpu.memory_space<hbm>> -> memref<1x64x100xi32, #tpu.memory_space<hbm>>
      %dma_start3A_285 = tpu.memref_squeeze %dma_start3A_284 : memref<1x64x100xi32, #tpu.memory_space<hbm>> -> memref<64x100xi32, #tpu.memory_space<hbm>>
      tpu.enqueue_dma source(%dma_start3A_285 : memref<64x100xi32, #tpu.memory_space<hbm>>) target(%arg5 : memref<64x100xi32, #tpu.memory_space<vmem>>) target_semaphore(%run_scoped3A : memref<!tpu.dma_semaphore, #tpu.memory_space<semaphore_mem>>)
      %dma_wait3A_286 = arith.constant 0 : i32
      %dma_wait3A_287 = arith.constant 0 : i32
      %dma_wait3A_288 = tpu.memref_slice %arg2[%add3A, %dma_wait3A_286, %dma_wait3A_287] : memref<32x64x100xi32, #tpu.memory_space<hbm>> -> memref<1x64x100xi32, #tpu.memory_space<hbm>>
      %dma_wait3A_289 = tpu.memref_squeeze %dma_wait3A_288 : memref<1x64x100xi32, #tpu.memory_space<hbm>> -> memref<64x100xi32, #tpu.memory_space<hbm>>
      %dma_wait3A_290 = arith.constant 0 : i32
      %dma_wait3A_291 = arith.constant 0 : i32
      %dma_wait3A_292 = tpu.memref_slice %arg2[%add3A, %dma_wait3A_290, %dma_wait3A_291] : memref<32x64x100xi32, #tpu.memory_space<hbm>> -> memref<1x64x100xi32, #tpu.memory_space<hbm>>
      %dma_wait3A_293 = tpu.memref_squeeze %dma_wait3A_292 : memref<1x64x100xi32, #tpu.memory_space<hbm>> -> memref<64x100xi32, #tpu.memory_space<hbm>>
      tpu.wait_dma2 semaphore(%run_scoped3A : memref<!tpu.dma_semaphore, #tpu.memory_space<semaphore_mem>>) src(%dma_wait3A_293 : memref<64x100xi32, #tpu.memory_space<hbm>>) dst(%arg5 : memref<64x100xi32, #tpu.memory_space<vmem>>)
      tpu.yield
    }) : () -> ()
    %mul3A_1 = arith.constant 128 : i32
    %mul3A_2 = arith.muli %add3A, %mul3A_1 : i32
    %dma_start3A = arith.constant 0 : i32
    %dma_start3A_3 = arith.constant 0 : i32
    %dma_start3A_4 = arith.constant 0 : i32
    %dma_start3A_5 = arith.constant 0 : i32
    %dma_start3A_6 = tpu.memref_slice %arg6[%dma_start3A_3, %dma_start3A_4, %dma_start3A_5] : memref<2x100x128xf32, #tpu.memory_space<vmem>> -> memref<1x100x128xf32, #tpu.memory_space<vmem>>
    %dma_start3A_7 = tpu.memref_squeeze %dma_start3A_6 : memref<1x100x128xf32, #tpu.memory_space<vmem>> -> memref<100x128xf32, #tpu.memory_space<vmem>>
    %dma_start3A_8 = arith.constant 0 : i32
    %dma_start3A_9 = tpu.memref_slice %arg5[%dma_start3A, %dma_start3A_8] : memref<64x100xi32, #tpu.memory_space<vmem>> -> memref<1x100xi32, #tpu.memory_space<vmem>>
    %dma_start3A_10 = tpu.memref_squeeze %dma_start3A_9 : memref<1x100xi32, #tpu.memory_space<vmem>> -> memref<100xi32, #tpu.memory_space<vmem>>
    %dma_start3A_11 = arith.constant 0 : i32
    %dma_start3A_12 = arith.constant 0 : i32
    %dma_start3A_13 = tpu.memref_slice %arg3[%dma_start3A_11, %dma_start3A_12] : memref<100000x128xf32, #tpu.memory_space<hbm>> -> memref<100000x128xf32, #tpu.memory_space<hbm>>
    tpu.enqueue_indirect_dma source(%dma_start3A_13 : memref<100000x128xf32, #tpu.memory_space<hbm>>) target(%dma_start3A_7 : memref<100x128xf32, #tpu.memory_space<vmem>>) offsets(%dma_start3A_10 : memref<100xi32, #tpu.memory_space<vmem>>) semaphore(%arg8 : memref<!tpu.dma_semaphore, #tpu.memory_space<semaphore_mem>>)
    %dma_start3A_14 = arith.constant 1 : i32
    %dma_start3A_15 = arith.constant 1 : i32
    %dma_start3A_16 = arith.constant 0 : i32
    %dma_start3A_17 = arith.constant 0 : i32
    %dma_start3A_18 = tpu.memref_slice %arg6[%dma_start3A_15, %dma_start3A_16, %dma_start3A_17] : memref<2x100x128xf32, #tpu.memory_space<vmem>> -> memref<1x100x128xf32, #tpu.memory_space<vmem>>
    %dma_start3A_19 = tpu.memref_squeeze %dma_start3A_18 : memref<1x100x128xf32, #tpu.memory_space<vmem>> -> memref<100x128xf32, #tpu.memory_space<vmem>>
    %dma_start3A_20 = arith.constant 0 : i32
    %dma_start3A_21 = tpu.memref_slice %arg5[%dma_start3A_14, %dma_start3A_20] : memref<64x100xi32, #tpu.memory_space<vmem>> -> memref<1x100xi32, #tpu.memory_space<vmem>>
    %dma_start3A_22 = tpu.memref_squeeze %dma_start3A_21 : memref<1x100xi32, #tpu.memory_space<vmem>> -> memref<100xi32, #tpu.memory_space<vmem>>
    %dma_start3A_23 = arith.constant 0 : i32
    %dma_start3A_24 = arith.constant 0 : i32
    %dma_start3A_25 = tpu.memref_slice %arg3[%dma_start3A_23, %dma_start3A_24] : memref<100000x128xf32, #tpu.memory_space<hbm>> -> memref<100000x128xf32, #tpu.memory_space<hbm>>
    tpu.enqueue_indirect_dma source(%dma_start3A_25 : memref<100000x128xf32, #tpu.memory_space<hbm>>) target(%dma_start3A_19 : memref<100x128xf32, #tpu.memory_space<vmem>>) offsets(%dma_start3A_22 : memref<100xi32, #tpu.memory_space<vmem>>) semaphore(%arg9 : memref<!tpu.dma_semaphore, #tpu.memory_space<semaphore_mem>>)
    %dma_wait3A = arith.constant 0 : i32
    %dma_wait3A_26 = arith.constant 0 : i32
    %dma_wait3A_27 = arith.constant 0 : i32
    %dma_wait3A_28 = arith.constant 0 : i32
    %dma_wait3A_29 = tpu.memref_slice %arg6[%dma_wait3A_26, %dma_wait3A_27, %dma_wait3A_28] : memref<2x100x128xf32, #tpu.memory_space<vmem>> -> memref<1x100x128xf32, #tpu.memory_space<vmem>>
    %dma_wait3A_30 = tpu.memref_squeeze %dma_wait3A_29 : memref<1x100x128xf32, #tpu.memory_space<vmem>> -> memref<100x128xf32, #tpu.memory_space<vmem>>
    %dma_wait3A_31 = arith.constant 0 : i32
    %dma_wait3A_32 = tpu.memref_slice %arg5[%dma_wait3A, %dma_wait3A_31] : memref<64x100xi32, #tpu.memory_space<vmem>> -> memref<1x100xi32, #tpu.memory_space<vmem>>
    %dma_wait3A_33 = tpu.memref_squeeze %dma_wait3A_32 : memref<1x100xi32, #tpu.memory_space<vmem>> -> memref<100xi32, #tpu.memory_space<vmem>>
    %dma_wait3A_34 = arith.constant 0 : i32
    %dma_wait3A_35 = arith.constant 0 : i32
    %dma_wait3A_36 = tpu.memref_slice %arg3[%dma_wait3A_34, %dma_wait3A_35] : memref<100000x128xf32, #tpu.memory_space<hbm>> -> memref<100000x128xf32, #tpu.memory_space<hbm>>
    tpu.wait_indirect_dma semaphore(%arg8 : memref<!tpu.dma_semaphore, #tpu.memory_space<semaphore_mem>>) src(%dma_wait3A_36 : memref<100000x128xf32, #tpu.memory_space<hbm>>) dst(%dma_wait3A_30 : memref<100x128xf32, #tpu.memory_space<vmem>>)
    %scan3A = arith.constant 0 : i32
    %scan3A_37 = arith.constant 0 : i32
    %scan3A_38 = arith.constant 50 : i32
    %scan3A_39 = arith.addi %scan3A_37, %scan3A_38 : i32
    %scan3A_40 = arith.constant 1 : i32
    scf.for %scan3A_278 = %scan3A_37 to %scan3A_39 step %scan3A_40  : i32 {
      %add3A_279 = arith.constant 0 : i32
      %add3A_280 = arith.addi %add3A_279, %scan3A_278 : i32
      %get3A = arith.constant 0 : i32
      %get3A_281 = arith.index_cast %get3A : i32 to index
      %get3A_282 = arith.index_cast %add3A_280 : i32 to index
      %get3A_283 = arith.constant 0 : index
      %get3A_284 = tpu.vector_load %arg6[%get3A_281, %get3A_282, %get3A_283] {strides = array<i32>} : memref<2x100x128xf32, #tpu.memory_space<vmem>>, vector<1x1x16xf32>,
      %get3A_285 = vector.shape_cast %get3A_284 : vector<1x1x16xf32> to vector<16xf32>
      %mul3A_286 = arith.constant 11.3137083 : f32
      %mul3A_287 = vector.broadcast %mul3A_286 : f32 to vector<16xf32>
      %mul3A_288 = arith.mulf %get3A_285, %mul3A_287 : vector<16xf32>
      %swap3A = arith.constant 0 : i32
      %swap3A_289 = arith.constant 0 : i32
      %swap3A_290 = arith.index_cast %swap3A : i32 to index
      %swap3A_291 = arith.index_cast %swap3A_289 : i32 to index
      %swap3A_292 = arith.index_cast %scan3A_278 : i32 to index
      %swap3A_293 = arith.constant 0 : index
      %swap3A_294 = tpu.vector_load %arg7[%swap3A_290, %swap3A_291, %swap3A_292, %swap3A_293] {strides = array<i32>} : memref<2x2x50x128xf32, #tpu.memory_space<vmem>>, vector<1x1x1x16xf32>,
      %swap3A_295 = vector.shape_cast %swap3A_294 : vector<1x1x1x16xf32> to vector<16xf32>
      %swap3A_296 = vector.shape_cast %mul3A_288 : vector<16xf32> to vector<1x1x1x16xf32>
      tpu.vector_store %arg7[%swap3A_290, %swap3A_291, %swap3A_292, %swap3A_293], %swap3A_296 {strides = array<i32>} : memref<2x2x50x128xf32, #tpu.memory_space<vmem>>, vector<1x1x1x16xf32>,
      %add3A_297 = arith.constant 0 : i32
      %add3A_298 = arith.addi %add3A_297, %scan3A_278 : i32
      %get3A_299 = arith.constant 0 : i32
      %get3A_300 = arith.index_cast %get3A_299 : i32 to index
      %get3A_301 = arith.index_cast %add3A_298 : i32 to index
      %get3A_302 = arith.constant 16 : index
      %get3A_303 = tpu.vector_load %arg6[%get3A_300, %get3A_301, %get3A_302] {strides = array<i32>} : memref<2x100x128xf32, #tpu.memory_space<vmem>>, vector<1x1x16xf32>,
      %get3A_304 = vector.shape_cast %get3A_303 : vector<1x1x16xf32> to vector<16xf32>
      %mul3A_305 = arith.constant 11.3137083 : f32
      %mul3A_306 = vector.broadcast %mul3A_305 : f32 to vector<16xf32>
      %mul3A_307 = arith.mulf %get3A_304, %mul3A_306 : vector<16xf32>
      %swap3A_308 = arith.constant 0 : i32
      %swap3A_309 = arith.constant 0 : i32
      %swap3A_310 = arith.index_cast %swap3A_308 : i32 to index
      %swap3A_311 = arith.index_cast %swap3A_309 : i32 to index
      %swap3A_312 = arith.index_cast %scan3A_278 : i32 to index
      %swap3A_313 = arith.constant 16 : index
      %swap3A_314 = tpu.vector_load %arg7[%swap3A_310, %swap3A_311, %swap3A_312, %swap3A_313] {strides = array<i32>} : memref<2x2x50x128xf32, #tpu.memory_space<vmem>>, vector<1x1x1x16xf32>,
      %swap3A_315 = vector.shape_cast %swap3A_314 : vector<1x1x1x16xf32> to vector<16xf32>
      %swap3A_316 = vector.shape_cast %mul3A_307 : vector<16xf32> to vector<1x1x1x16xf32>
      tpu.vector_store %arg7[%swap3A_310, %swap3A_311, %swap3A_312, %swap3A_313], %swap3A_316 {strides = array<i32>} : memref<2x2x50x128xf32, #tpu.memory_space<vmem>>, vector<1x1x1x16xf32>,
      %add3A_317 = arith.constant 0 : i32
      %add3A_318 = arith.addi %add3A_317, %scan3A_278 : i32
      %get3A_319 = arith.constant 0 : i32
      %get3A_320 = arith.index_cast %get3A_319 : i32 to index
      %get3A_321 = arith.index_cast %add3A_318 : i32 to index
      %get3A_322 = arith.constant 32 : index
      %get3A_323 = tpu.vector_load %arg6[%get3A_320, %get3A_321, %get3A_322] {strides = array<i32>} : memref<2x100x128xf32, #tpu.memory_space<vmem>>, vector<1x1x16xf32>,
      %get3A_324 = vector.shape_cast %get3A_323 : vector<1x1x16xf32> to vector<16xf32>
      %mul3A_325 = arith.constant 11.3137083 : f32
      %mul3A_326 = vector.broadcast %mul3A_325 : f32 to vector<16xf32>
      %mul3A_327 = arith.mulf %get3A_324, %mul3A_326 : vector<16xf32>
      %swap3A_328 = arith.constant 0 : i32
      %swap3A_329 = arith.constant 0 : i32
      %swap3A_330 = arith.index_cast %swap3A_328 : i32 to index
      %swap3A_331 = arith.index_cast %swap3A_329 : i32 to index
      %swap3A_332 = arith.index_cast %scan3A_278 : i32 to index
      %swap3A_333 = arith.constant 32 : index
      %swap3A_334 = tpu.vector_load %arg7[%swap3A_330, %swap3A_331, %swap3A_332, %swap3A_333] {strides = array<i32>} : memref<2x2x50x128xf32, #tpu.memory_space<vmem>>, vector<1x1x1x16xf32>,
      %swap3A_335 = vector.shape_cast %swap3A_334 : vector<1x1x1x16xf32> to vector<16xf32>
      %swap3A_336 = vector.shape_cast %mul3A_327 : vector<16xf32> to vector<1x1x1x16xf32>
      tpu.vector_store %arg7[%swap3A_330, %swap3A_331, %swap3A_332, %swap3A_333], %swap3A_336 {strides = array<i32>} : memref<2x2x50x128xf32, #tpu.memory_space<vmem>>, vector<1x1x1x16xf32>,
      %add3A_337 = arith.constant 0 : i32
      %add3A_338 = arith.addi %add3A_337, %scan3A_278 : i32
      %get3A_339 = arith.constant 0 : i32
      %get3A_340 = arith.index_cast %get3A_339 : i32 to index
      %get3A_341 = arith.index_cast %add3A_338 : i32 to index
      %get3A_342 = arith.constant 48 : index
      %get3A_343 = tpu.vector_load %arg6[%get3A_340, %get3A_341, %get3A_342] {strides = array<i32>} : memref<2x100x128xf32, #tpu.memory_space<vmem>>, vector<1x1x16xf32>,
      %get3A_344 = vector.shape_cast %get3A_343 : vector<1x1x16xf32> to vector<16xf32>
      %mul3A_345 = arith.constant 11.3137083 : f32
      %mul3A_346 = vector.broadcast %mul3A_345 : f32 to vector<16xf32>
      %mul3A_347 = arith.mulf %get3A_344, %mul3A_346 : vector<16xf32>
      %swap3A_348 = arith.constant 0 : i32
      %swap3A_349 = arith.constant 0 : i32
      %swap3A_350 = arith.index_cast %swap3A_348 : i32 to index
      %swap3A_351 = arith.index_cast %swap3A_349 : i32 to index
      %swap3A_352 = arith.index_cast %scan3A_278 : i32 to index
      %swap3A_353 = arith.constant 48 : index
      %swap3A_354 = tpu.vector_load %arg7[%swap3A_350, %swap3A_351, %swap3A_352, %swap3A_353] {strides = array<i32>} : memref<2x2x50x128xf32, #tpu.memory_space<vmem>>, vector<1x1x1x16xf32>,
      %swap3A_355 = vector.shape_cast %swap3A_354 : vector<1x1x1x16xf32> to vector<16xf32>
      %swap3A_356 = vector.shape_cast %mul3A_347 : vector<16xf32> to vector<1x1x1x16xf32>
      tpu.vector_store %arg7[%swap3A_350, %swap3A_351, %swap3A_352, %swap3A_353], %swap3A_356 {strides = array<i32>} : memref<2x2x50x128xf32, #tpu.memory_space<vmem>>, vector<1x1x1x16xf32>,
      %add3A_357 = arith.constant 0 : i32
      %add3A_358 = arith.addi %add3A_357, %scan3A_278 : i32
      %get3A_359 = arith.constant 0 : i32
      %get3A_360 = arith.index_cast %get3A_359 : i32 to index
      %get3A_361 = arith.index_cast %add3A_358 : i32 to index
      %get3A_362 = arith.constant 64 : index
      %get3A_363 = tpu.vector_load %arg6[%get3A_360, %get3A_361, %get3A_362] {strides = array<i32>} : memref<2x100x128xf32, #tpu.memory_space<vmem>>, vector<1x1x16xf32>,
      %get3A_364 = vector.shape_cast %get3A_363 : vector<1x1x16xf32> to vector<16xf32>
      %mul3A_365 = arith.constant 11.3137083 : f32
      %mul3A_366 = vector.broadcast %mul3A_365 : f32 to vector<16xf32>
      %mul3A_367 = arith.mulf %get3A_364, %mul3A_366 : vector<16xf32>
      %swap3A_368 = arith.constant 0 : i32
      %swap3A_369 = arith.constant 0 : i32
      %swap3A_370 = arith.index_cast %swap3A_368 : i32 to index
      %swap3A_371 = arith.index_cast %swap3A_369 : i32 to index
      %swap3A_372 = arith.index_cast %scan3A_278 : i32 to index
      %swap3A_373 = arith.constant 64 : index
      %swap3A_374 = tpu.vector_load %arg7[%swap3A_370, %swap3A_371, %swap3A_372, %swap3A_373] {strides = array<i32>} : memref<2x2x50x128xf32, #tpu.memory_space<vmem>>, vector<1x1x1x16xf32>,
      %swap3A_375 = vector.shape_cast %swap3A_374 : vector<1x1x1x16xf32> to vector<16xf32>
      %swap3A_376 = vector.shape_cast %mul3A_367 : vector<16xf32> to vector<1x1x1x16xf32>
      tpu.vector_store %arg7[%swap3A_370, %swap3A_371, %swap3A_372, %swap3A_373], %swap3A_376 {strides = array<i32>} : memref<2x2x50x128xf32, #tpu.memory_space<vmem>>, vector<1x1x1x16xf32>,
      %add3A_377 = arith.constant 0 : i32
      %add3A_378 = arith.addi %add3A_377, %scan3A_278 : i32
      %get3A_379 = arith.constant 0 : i32
      %get3A_380 = arith.index_cast %get3A_379 : i32 to index
      %get3A_381 = arith.index_cast %add3A_378 : i32 to index
      %get3A_382 = arith.constant 80 : index
      %get3A_383 = tpu.vector_load %arg6[%get3A_380, %get3A_381, %get3A_382] {strides = array<i32>} : memref<2x100x128xf32, #tpu.memory_space<vmem>>, vector<1x1x16xf32>,
      %get3A_384 = vector.shape_cast %get3A_383 : vector<1x1x16xf32> to vector<16xf32>
      %mul3A_385 = arith.constant 11.3137083 : f32
      %mul3A_386 = vector.broadcast %mul3A_385 : f32 to vector<16xf32>
      %mul3A_387 = arith.mulf %get3A_384, %mul3A_386 : vector<16xf32>
      %swap3A_388 = arith.constant 0 : i32
      %swap3A_389 = arith.constant 0 : i32
      %swap3A_390 = arith.index_cast %swap3A_388 : i32 to index
      %swap3A_391 = arith.index_cast %swap3A_389 : i32 to index
      %swap3A_392 = arith.index_cast %scan3A_278 : i32 to index
      %swap3A_393 = arith.constant 80 : index
      %swap3A_394 = tpu.vector_load %arg7[%swap3A_390, %swap3A_391, %swap3A_392, %swap3A_393] {strides = array<i32>} : memref<2x2x50x128xf32, #tpu.memory_space<vmem>>, vector<1x1x1x16xf32>,
      %swap3A_395 = vector.shape_cast %swap3A_394 : vector<1x1x1x16xf32> to vector<16xf32>
      %swap3A_396 = vector.shape_cast %mul3A_387 : vector<16xf32> to vector<1x1x1x16xf32>
      tpu.vector_store %arg7[%swap3A_390, %swap3A_391, %swap3A_392, %swap3A_393], %swap3A_396 {strides = array<i32>} : memref<2x2x50x128xf32, #tpu.memory_space<vmem>>, vector<1x1x1x16xf32>,
      %add3A_397 = arith.constant 0 : i32
      %add3A_398 = arith.addi %add3A_397, %scan3A_278 : i32
      %get3A_399 = arith.constant 0 : i32
      %get3A_400 = arith.index_cast %get3A_399 : i32 to index
      %get3A_401 = arith.index_cast %add3A_398 : i32 to index
      %get3A_402 = arith.constant 96 : index
      %get3A_403 = tpu.vector_load %arg6[%get3A_400, %get3A_401, %get3A_402] {strides = array<i32>} : memref<2x100x128xf32, #tpu.memory_space<vmem>>, vector<1x1x16xf32>,
      %get3A_404 = vector.shape_cast %get3A_403 : vector<1x1x16xf32> to vector<16xf32>
      %mul3A_405 = arith.constant 11.3137083 : f32
      %mul3A_406 = vector.broadcast %mul3A_405 : f32 to vector<16xf32>
      %mul3A_407 = arith.mulf %get3A_404, %mul3A_406 : vector<16xf32>
      %swap3A_408 = arith.constant 0 : i32
      %swap3A_409 = arith.constant 0 : i32
      %swap3A_410 = arith.index_cast %swap3A_408 : i32 to index
      %swap3A_411 = arith.index_cast %swap3A_409 : i32 to index
      %swap3A_412 = arith.index_cast %scan3A_278 : i32 to index
      %swap3A_413 = arith.constant 96 : index
      %swap3A_414 = tpu.vector_load %arg7[%swap3A_410, %swap3A_411, %swap3A_412, %swap3A_413] {strides = array<i32>} : memref<2x2x50x128xf32, #tpu.memory_space<vmem>>, vector<1x1x1x16xf32>,
      %swap3A_415 = vector.shape_cast %swap3A_414 : vector<1x1x1x16xf32> to vector<16xf32>
      %swap3A_416 = vector.shape_cast %mul3A_407 : vector<16xf32> to vector<1x1x1x16xf32>
      tpu.vector_store %arg7[%swap3A_410, %swap3A_411, %swap3A_412, %swap3A_413], %swap3A_416 {strides = array<i32>} : memref<2x2x50x128xf32, #tpu.memory_space<vmem>>, vector<1x1x1x16xf32>,
      %add3A_417 = arith.constant 0 : i32
      %add3A_418 = arith.addi %add3A_417, %scan3A_278 : i32
      %get3A_419 = arith.constant 0 : i32
      %get3A_420 = arith.index_cast %get3A_419 : i32 to index
      %get3A_421 = arith.index_cast %add3A_418 : i32 to index
      %get3A_422 = arith.constant 112 : index
      %get3A_423 = tpu.vector_load %arg6[%get3A_420, %get3A_421, %get3A_422] {strides = array<i32>} : memref<2x100x128xf32, #tpu.memory_space<vmem>>, vector<1x1x16xf32>,
      %get3A_424 = vector.shape_cast %get3A_423 : vector<1x1x16xf32> to vector<16xf32>
      %mul3A_425 = arith.constant 11.3137083 : f32
      %mul3A_426 = vector.broadcast %mul3A_425 : f32 to vector<16xf32>
      %mul3A_427 = arith.mulf %get3A_424, %mul3A_426 : vector<16xf32>
      %swap3A_428 = arith.constant 0 : i32
      %swap3A_429 = arith.constant 0 : i32
      %swap3A_430 = arith.index_cast %swap3A_428 : i32 to index
      %swap3A_431 = arith.index_cast %swap3A_429 : i32 to index
      %swap3A_432 = arith.index_cast %scan3A_278 : i32 to index
      %swap3A_433 = arith.constant 112 : index
      %swap3A_434 = tpu.vector_load %arg7[%swap3A_430, %swap3A_431, %swap3A_432, %swap3A_433] {strides = array<i32>} : memref<2x2x50x128xf32, #tpu.memory_space<vmem>>, vector<1x1x1x16xf32>,
      %swap3A_435 = vector.shape_cast %swap3A_434 : vector<1x1x1x16xf32> to vector<16xf32>
      %swap3A_436 = vector.shape_cast %mul3A_427 : vector<16xf32> to vector<1x1x1x16xf32>
      tpu.vector_store %arg7[%swap3A_430, %swap3A_431, %swap3A_432, %swap3A_433], %swap3A_436 {strides = array<i32>} : memref<2x2x50x128xf32, #tpu.memory_space<vmem>>, vector<1x1x1x16xf32>,
      %add3A_437 = arith.constant 50 : i32
      %add3A_438 = arith.addi %add3A_437, %scan3A_278 : i32
      %get3A_439 = arith.constant 0 : i32
      %get3A_440 = arith.index_cast %get3A_439 : i32 to index
      %get3A_441 = arith.index_cast %add3A_438 : i32 to index
      %get3A_442 = arith.constant 0 : index
      %get3A_443 = tpu.vector_load %arg6[%get3A_440, %get3A_441, %get3A_442] {strides = array<i32>} : memref<2x100x128xf32, #tpu.memory_space<vmem>>, vector<1x1x16xf32>,
      %get3A_444 = vector.shape_cast %get3A_443 : vector<1x1x16xf32> to vector<16xf32>
      %mul3A_445 = arith.constant 11.3137083 : f32
      %mul3A_446 = vector.broadcast %mul3A_445 : f32 to vector<16xf32>
      %mul3A_447 = arith.mulf %get3A_444, %mul3A_446 : vector<16xf32>
      %swap3A_448 = arith.constant 0 : i32
      %swap3A_449 = arith.constant 1 : i32
      %swap3A_450 = arith.index_cast %swap3A_448 : i32 to index
      %swap3A_451 = arith.index_cast %swap3A_449 : i32 to index
      %swap3A_452 = arith.index_cast %scan3A_278 : i32 to index
      %swap3A_453 = arith.constant 0 : index
      %swap3A_454 = tpu.vector_load %arg7[%swap3A_450, %swap3A_451, %swap3A_452, %swap3A_453] {strides = array<i32>} : memref<2x2x50x128xf32, #tpu.memory_space<vmem>>, vector<1x1x1x16xf32>,
      %swap3A_455 = vector.shape_cast %swap3A_454 : vector<1x1x1x16xf32> to vector<16xf32>
      %swap3A_456 = vector.shape_cast %mul3A_447 : vector<16xf32> to vector<1x1x1x16xf32>
      tpu.vector_store %arg7[%swap3A_450, %swap3A_451, %swap3A_452, %swap3A_453], %swap3A_456 {strides = array<i32>} : memref<2x2x50x128xf32, #tpu.memory_space<vmem>>, vector<1x1x1x16xf32>,
      %add3A_457 = arith.constant 50 : i32
      %add3A_458 = arith.addi %add3A_457, %scan3A_278 : i32
      %get3A_459 = arith.constant 0 : i32
      %get3A_460 = arith.index_cast %get3A_459 : i32 to index
      %get3A_461 = arith.index_cast %add3A_458 : i32 to index
      %get3A_462 = arith.constant 16 : index
      %get3A_463 = tpu.vector_load %arg6[%get3A_460, %get3A_461, %get3A_462] {strides = array<i32>} : memref<2x100x128xf32, #tpu.memory_space<vmem>>, vector<1x1x16xf32>,
      %get3A_464 = vector.shape_cast %get3A_463 : vector<1x1x16xf32> to vector<16xf32>
      %mul3A_465 = arith.constant 11.3137083 : f32
      %mul3A_466 = vector.broadcast %mul3A_465 : f32 to vector<16xf32>
      %mul3A_467 = arith.mulf %get3A_464, %mul3A_466 : vector<16xf32>
      %swap3A_468 = arith.constant 0 : i32
      %swap3A_469 = arith.constant 1 : i32
      %swap3A_470 = arith.index_cast %swap3A_468 : i32 to index
      %swap3A_471 = arith.index_cast %swap3A_469 : i32 to index
      %swap3A_472 = arith.index_cast %scan3A_278 : i32 to index
      %swap3A_473 = arith.constant 16 : index
      %swap3A_474 = tpu.vector_load %arg7[%swap3A_470, %swap3A_471, %swap3A_472, %swap3A_473] {strides = array<i32>} : memref<2x2x50x128xf32, #tpu.memory_space<vmem>>, vector<1x1x1x16xf32>,
      %swap3A_475 = vector.shape_cast %swap3A_474 : vector<1x1x1x16xf32> to vector<16xf32>
      %swap3A_476 = vector.shape_cast %mul3A_467 : vector<16xf32> to vector<1x1x1x16xf32>
      tpu.vector_store %arg7[%swap3A_470, %swap3A_471, %swap3A_472, %swap3A_473], %swap3A_476 {strides = array<i32>} : memref<2x2x50x128xf32, #tpu.memory_space<vmem>>, vector<1x1x1x16xf32>,
      %add3A_477 = arith.constant 50 : i32
      %add3A_478 = arith.addi %add3A_477, %scan3A_278 : i32
      %get3A_479 = arith.constant 0 : i32
      %get3A_480 = arith.index_cast %get3A_479 : i32 to index
      %get3A_481 = arith.index_cast %add3A_478 : i32 to index
      %get3A_482 = arith.constant 32 : index
      %get3A_483 = tpu.vector_load %arg6[%get3A_480, %get3A_481, %get3A_482] {strides = array<i32>} : memref<2x100x128xf32, #tpu.memory_space<vmem>>, vector<1x1x16xf32>,
      %get3A_484 = vector.shape_cast %get3A_483 : vector<1x1x16xf32> to vector<16xf32>
      %mul3A_485 = arith.constant 11.3137083 : f32
      %mul3A_486 = vector.broadcast %mul3A_485 : f32 to vector<16xf32>
      %mul3A_487 = arith.mulf %get3A_484, %mul3A_486 : vector<16xf32>
      %swap3A_488 = arith.constant 0 : i32
      %swap3A_489 = arith.constant 1 : i32
      %swap3A_490 = arith.index_cast %swap3A_488 : i32 to index
      %swap3A_491 = arith.index_cast %swap3A_489 : i32 to index
      %swap3A_492 = arith.index_cast %scan3A_278 : i32 to index
      %swap3A_493 = arith.constant 32 : index
      %swap3A_494 = tpu.vector_load %arg7[%swap3A_490, %swap3A_491, %swap3A_492, %swap3A_493] {strides = array<i32>} : memref<2x2x50x128xf32, #tpu.memory_space<vmem>>, vector<1x1x1x16xf32>,
      %swap3A_495 = vector.shape_cast %swap3A_494 : vector<1x1x1x16xf32> to vector<16xf32>
      %swap3A_496 = vector.shape_cast %mul3A_487 : vector<16xf32> to vector<1x1x1x16xf32>
      tpu.vector_store %arg7[%swap3A_490, %swap3A_491, %swap3A_492, %swap3A_493], %swap3A_496 {strides = array<i32>} : memref<2x2x50x128xf32, #tpu.memory_space<vmem>>, vector<1x1x1x16xf32>,
      %add3A_497 = arith.constant 50 : i32
      %add3A_498 = arith.addi %add3A_497, %scan3A_278 : i32
      %get3A_499 = arith.constant 0 : i32
      %get3A_500 = arith.index_cast %get3A_499 : i32 to index
      %get3A_501 = arith.index_cast %add3A_498 : i32 to index
      %get3A_502 = arith.constant 48 : index
      %get3A_503 = tpu.vector_load %arg6[%get3A_500, %get3A_501, %get3A_502] {strides = array<i32>} : memref<2x100x128xf32, #tpu.memory_space<vmem>>, vector<1x1x16xf32>,
      %get3A_504 = vector.shape_cast %get3A_503 : vector<1x1x16xf32> to vector<16xf32>
      %mul3A_505 = arith.constant 11.3137083 : f32
      %mul3A_506 = vector.broadcast %mul3A_505 : f32 to vector<16xf32>
      %mul3A_507 = arith.mulf %get3A_504, %mul3A_506 : vector<16xf32>
      %swap3A_508 = arith.constant 0 : i32
      %swap3A_509 = arith.constant 1 : i32
      %swap3A_510 = arith.index_cast %swap3A_508 : i32 to index
      %swap3A_511 = arith.index_cast %swap3A_509 : i32 to index
      %swap3A_512 = arith.index_cast %scan3A_278 : i32 to index
      %swap3A_513 = arith.constant 48 : index
      %swap3A_514 = tpu.vector_load %arg7[%swap3A_510, %swap3A_511, %swap3A_512, %swap3A_513] {strides = array<i32>} : memref<2x2x50x128xf32, #tpu.memory_space<vmem>>, vector<1x1x1x16xf32>,
      %swap3A_515 = vector.shape_cast %swap3A_514 : vector<1x1x1x16xf32> to vector<16xf32>
      %swap3A_516 = vector.shape_cast %mul3A_507 : vector<16xf32> to vector<1x1x1x16xf32>
      tpu.vector_store %arg7[%swap3A_510, %swap3A_511, %swap3A_512, %swap3A_513], %swap3A_516 {strides = array<i32>} : memref<2x2x50x128xf32, #tpu.memory_space<vmem>>, vector<1x1x1x16xf32>,
      %add3A_517 = arith.constant 50 : i32
      %add3A_518 = arith.addi %add3A_517, %scan3A_278 : i32
      %get3A_519 = arith.constant 0 : i32
      %get3A_520 = arith.index_cast %get3A_519 : i32 to index
      %get3A_521 = arith.index_cast %add3A_518 : i32 to index
      %get3A_522 = arith.constant 64 : index
      %get3A_523 = tpu.vector_load %arg6[%get3A_520, %get3A_521, %get3A_522] {strides = array<i32>} : memref<2x100x128xf32, #tpu.memory_space<vmem>>, vector<1x1x16xf32>,
      %get3A_524 = vector.shape_cast %get3A_523 : vector<1x1x16xf32> to vector<16xf32>
      %mul3A_525 = arith.constant 11.3137083 : f32
      %mul3A_526 = vector.broadcast %mul3A_525 : f32 to vector<16xf32>
      %mul3A_527 = arith.mulf %get3A_524, %mul3A_526 : vector<16xf32>
      %swap3A_528 = arith.constant 0 : i32
      %swap3A_529 = arith.constant 1 : i32
      %swap3A_530 = arith.index_cast %swap3A_528 : i32 to index
      %swap3A_531 = arith.index_cast %swap3A_529 : i32 to index
      %swap3A_532 = arith.index_cast %scan3A_278 : i32 to index
      %swap3A_533 = arith.constant 64 : index
      %swap3A_534 = tpu.vector_load %arg7[%swap3A_530, %swap3A_531, %swap3A_532, %swap3A_533] {strides = array<i32>} : memref<2x2x50x128xf32, #tpu.memory_space<vmem>>, vector<1x1x1x16xf32>,
      %swap3A_535 = vector.shape_cast %swap3A_534 : vector<1x1x1x16xf32> to vector<16xf32>
      %swap3A_536 = vector.shape_cast %mul3A_527 : vector<16xf32> to vector<1x1x1x16xf32>
      tpu.vector_store %arg7[%swap3A_530, %swap3A_531, %swap3A_532, %swap3A_533], %swap3A_536 {strides = array<i32>} : memref<2x2x50x128xf32, #tpu.memory_space<vmem>>, vector<1x1x1x16xf32>,
      %add3A_537 = arith.constant 50 : i32
      %add3A_538 = arith.addi %add3A_537, %scan3A_278 : i32
      %get3A_539 = arith.constant 0 : i32
      %get3A_540 = arith.index_cast %get3A_539 : i32 to index
      %get3A_541 = arith.index_cast %add3A_538 : i32 to index
      %get3A_542 = arith.constant 80 : index
      %get3A_543 = tpu.vector_load %arg6[%get3A_540, %get3A_541, %get3A_542] {strides = array<i32>} : memref<2x100x128xf32, #tpu.memory_space<vmem>>, vector<1x1x16xf32>,
      %get3A_544 = vector.shape_cast %get3A_543 : vector<1x1x16xf32> to vector<16xf32>
      %mul3A_545 = arith.constant 11.3137083 : f32
      %mul3A_546 = vector.broadcast %mul3A_545 : f32 to vector<16xf32>
      %mul3A_547 = arith.mulf %get3A_544, %mul3A_546 : vector<16xf32>
      %swap3A_548 = arith.constant 0 : i32
      %swap3A_549 = arith.constant 1 : i32
      %swap3A_550 = arith.index_cast %swap3A_548 : i32 to index
      %swap3A_551 = arith.index_cast %swap3A_549 : i32 to index
      %swap3A_552 = arith.index_cast %scan3A_278 : i32 to index
      %swap3A_553 = arith.constant 80 : index
      %swap3A_554 = tpu.vector_load %arg7[%swap3A_550, %swap3A_551, %swap3A_552, %swap3A_553] {strides = array<i32>} : memref<2x2x50x128xf32, #tpu.memory_space<vmem>>, vector<1x1x1x16xf32>,
      %swap3A_555 = vector.shape_cast %swap3A_554 : vector<1x1x1x16xf32> to vector<16xf32>
      %swap3A_556 = vector.shape_cast %mul3A_547 : vector<16xf32> to vector<1x1x1x16xf32>
      tpu.vector_store %arg7[%swap3A_550, %swap3A_551, %swap3A_552, %swap3A_553], %swap3A_556 {strides = array<i32>} : memref<2x2x50x128xf32, #tpu.memory_space<vmem>>, vector<1x1x1x16xf32>,
      %add3A_557 = arith.constant 50 : i32
      %add3A_558 = arith.addi %add3A_557, %scan3A_278 : i32
      %get3A_559 = arith.constant 0 : i32
      %get3A_560 = arith.index_cast %get3A_559 : i32 to index
      %get3A_561 = arith.index_cast %add3A_558 : i32 to index
      %get3A_562 = arith.constant 96 : index
      %get3A_563 = tpu.vector_load %arg6[%get3A_560, %get3A_561, %get3A_562] {strides = array<i32>} : memref<2x100x128xf32, #tpu.memory_space<vmem>>, vector<1x1x16xf32>,
      %get3A_564 = vector.shape_cast %get3A_563 : vector<1x1x16xf32> to vector<16xf32>
      %mul3A_565 = arith.constant 11.3137083 : f32
      %mul3A_566 = vector.broadcast %mul3A_565 : f32 to vector<16xf32>
      %mul3A_567 = arith.mulf %get3A_564, %mul3A_566 : vector<16xf32>
      %swap3A_568 = arith.constant 0 : i32
      %swap3A_569 = arith.constant 1 : i32
      %swap3A_570 = arith.index_cast %swap3A_568 : i32 to index
      %swap3A_571 = arith.index_cast %swap3A_569 : i32 to index
      %swap3A_572 = arith.index_cast %scan3A_278 : i32 to index
      %swap3A_573 = arith.constant 96 : index
      %swap3A_574 = tpu.vector_load %arg7[%swap3A_570, %swap3A_571, %swap3A_572, %swap3A_573] {strides = array<i32>} : memref<2x2x50x128xf32, #tpu.memory_space<vmem>>, vector<1x1x1x16xf32>,
      %swap3A_575 = vector.shape_cast %swap3A_574 : vector<1x1x1x16xf32> to vector<16xf32>
      %swap3A_576 = vector.shape_cast %mul3A_567 : vector<16xf32> to vector<1x1x1x16xf32>
      tpu.vector_store %arg7[%swap3A_570, %swap3A_571, %swap3A_572, %swap3A_573], %swap3A_576 {strides = array<i32>} : memref<2x2x50x128xf32, #tpu.memory_space<vmem>>, vector<1x1x1x16xf32>,
      %add3A_577 = arith.constant 50 : i32
      %add3A_578 = arith.addi %add3A_577, %scan3A_278 : i32
      %get3A_579 = arith.constant 0 : i32
      %get3A_580 = arith.index_cast %get3A_579 : i32 to index
      %get3A_581 = arith.index_cast %add3A_578 : i32 to index
      %get3A_582 = arith.constant 112 : index
      %get3A_583 = tpu.vector_load %arg6[%get3A_580, %get3A_581, %get3A_582] {strides = array<i32>} : memref<2x100x128xf32, #tpu.memory_space<vmem>>, vector<1x1x16xf32>,
      %get3A_584 = vector.shape_cast %get3A_583 : vector<1x1x16xf32> to vector<16xf32>
      %mul3A_585 = arith.constant 11.3137083 : f32
      %mul3A_586 = vector.broadcast %mul3A_585 : f32 to vector<16xf32>
      %mul3A_587 = arith.mulf %get3A_584, %mul3A_586 : vector<16xf32>
      %swap3A_588 = arith.constant 0 : i32
      %swap3A_589 = arith.constant 1 : i32
      %swap3A_590 = arith.index_cast %swap3A_588 : i32 to index
      %swap3A_591 = arith.index_cast %swap3A_589 : i32 to index
      %swap3A_592 = arith.index_cast %scan3A_278 : i32 to index
      %swap3A_593 = arith.constant 112 : index
      %swap3A_594 = tpu.vector_load %arg7[%swap3A_590, %swap3A_591, %swap3A_592, %swap3A_593] {strides = array<i32>} : memref<2x2x50x128xf32, #tpu.memory_space<vmem>>, vector<1x1x1x16xf32>,
      %swap3A_595 = vector.shape_cast %swap3A_594 : vector<1x1x1x16xf32> to vector<16xf32>
      %swap3A_596 = vector.shape_cast %mul3A_587 : vector<16xf32> to vector<1x1x1x16xf32>
      tpu.vector_store %arg7[%swap3A_590, %swap3A_591, %swap3A_592, %swap3A_593], %swap3A_596 {strides = array<i32>} : memref<2x2x50x128xf32, #tpu.memory_space<vmem>>, vector<1x1x1x16xf32>,
    }
    %scan3A_41 = arith.constant 50 : i32
    %add3A_42 = arith.constant 0 : i32
    %add3A_43 = arith.addi %mul3A_2, %add3A_42 : i32
    %dma_start3A_44 = arith.constant 0 : i32
    %dma_start3A_45 = arith.constant 0 : i32
    %dma_start3A_46 = arith.constant 0 : i32
    %dma_start3A_47 = arith.constant 0 : i32
    %dma_start3A_48 = tpu.memref_slice %arg7[%dma_start3A_44, %dma_start3A_45, %dma_start3A_46, %dma_start3A_47] : memref<2x2x50x128xf32, #tpu.memory_space<vmem>> -> memref<1x2x50x128xf32, #tpu.memory_space<vmem>>
    %dma_start3A_49 = tpu.memref_squeeze %dma_start3A_48 : memref<1x2x50x128xf32, #tpu.memory_space<vmem>> -> memref<2x50x128xf32, #tpu.memory_space<vmem>>
    %dma_start3A_50 = arith.constant 0 : i32
    %dma_start3A_51 = arith.constant 0 : i32
    %dma_start3A_52 = tpu.memref_slice %arg4[%add3A_43, %dma_start3A_50, %dma_start3A_51] : memref<4096x56x128xf32, #tpu.memory_space<hbm>> -> memref<2x50x128xf32, #tpu.memory_space<hbm>>
    %dma_start3A_53 = arith.constant 0 : i32
    %dma_start3A_54 = arith.constant 0 : i32
    %dma_start3A_55 = tpu.memref_slice %arg4[%add3A_43, %dma_start3A_53, %dma_start3A_54] : memref<4096x56x128xf32, #tpu.memory_space<hbm>> -> memref<2x50x128xf32, #tpu.memory_space<hbm>>
    %dma_start3A_56 = arith.constant 0 : i32
    %dma_start3A_57 = arith.constant 0 : i32
    %dma_start3A_58 = arith.constant 0 : i32
    %dma_start3A_59 = tpu.memref_slice %arg7[%dma_start3A_44, %dma_start3A_56, %dma_start3A_57, %dma_start3A_58] : memref<2x2x50x128xf32, #tpu.memory_space<vmem>> -> memref<1x2x50x128xf32, #tpu.memory_space<vmem>>
    %dma_start3A_60 = tpu.memref_squeeze %dma_start3A_59 : memref<1x2x50x128xf32, #tpu.memory_space<vmem>> -> memref<2x50x128xf32, #tpu.memory_space<vmem>>
    tpu.enqueue_dma source(%dma_start3A_60 : memref<2x50x128xf32, #tpu.memory_space<vmem>>) target(%dma_start3A_55 : memref<2x50x128xf32, #tpu.memory_space<hbm>>) target_semaphore(%arg10 : memref<!tpu.dma_semaphore, #tpu.memory_space<semaphore_mem>>)
    %dma_start3A_61 = arith.constant 2 : i32
    %dma_start3A_62 = arith.constant 0 : i32
    %dma_start3A_63 = arith.constant 0 : i32
    %dma_start3A_64 = arith.constant 0 : i32
    %dma_start3A_65 = tpu.memref_slice %arg6[%dma_start3A_62, %dma_start3A_63, %dma_start3A_64] : memref<2x100x128xf32, #tpu.memory_space<vmem>> -> memref<1x100x128xf32, #tpu.memory_space<vmem>>
    %dma_start3A_66 = tpu.memref_squeeze %dma_start3A_65 : memref<1x100x128xf32, #tpu.memory_space<vmem>> -> memref<100x128xf32, #tpu.memory_space<vmem>>
    %dma_start3A_67 = arith.constant 0 : i32
    %dma_start3A_68 = tpu.memref_slice %arg5[%dma_start3A_61, %dma_start3A_67] : memref<64x100xi32, #tpu.memory_space<vmem>> -> memref<1x100xi32, #tpu.memory_space<vmem>>
    %dma_start3A_69 = tpu.memref_squeeze %dma_start3A_68 : memref<1x100xi32, #tpu.memory_space<vmem>> -> memref<100xi32, #tpu.memory_space<vmem>>
    %dma_start3A_70 = arith.constant 0 : i32
    %dma_start3A_71 = arith.constant 0 : i32
    %dma_start3A_72 = tpu.memref_slice %arg3[%dma_start3A_70, %dma_start3A_71] : memref<100000x128xf32, #tpu.memory_space<hbm>> -> memref<100000x128xf32, #tpu.memory_space<hbm>>
    tpu.enqueue_indirect_dma source(%dma_start3A_72 : memref<100000x128xf32, #tpu.memory_space<hbm>>) target(%dma_start3A_66 : memref<100x128xf32, #tpu.memory_space<vmem>>) offsets(%dma_start3A_69 : memref<100xi32, #tpu.memory_space<vmem>>) semaphore(%arg8 : memref<!tpu.dma_semaphore, #tpu.memory_space<semaphore_mem>>)
    %dma_wait3A_73 = arith.constant 1 : i32
    %dma_wait3A_74 = arith.constant 1 : i32
    %dma_wait3A_75 = arith.constant 0 : i32
    %dma_wait3A_76 = arith.constant 0 : i32
    %dma_wait3A_77 = tpu.memref_slice %arg6[%dma_wait3A_74, %dma_wait3A_75, %dma_wait3A_76] : memref<2x100x128xf32, #tpu.memory_space<vmem>> -> memref<1x100x128xf32, #tpu.memory_space<vmem>>
    %dma_wait3A_78 = tpu.memref_squeeze %dma_wait3A_77 : memref<1x100x128xf32, #tpu.memory_space<vmem>> -> memref<100x128xf32, #tpu.memory_space<vmem>>
    %dma_wait3A_79 = arith.constant 0 : i32
    %dma_wait3A_80 = tpu.memref_slice %arg5[%dma_wait3A_73, %dma_wait3A_79] : memref<64x100xi32, #tpu.memory_space<vmem>> -> memref<1x100xi32, #tpu.memory_space<vmem>>
    %dma_wait3A_81 = tpu.memref_squeeze %dma_wait3A_80 : memref<1x100xi32, #tpu.memory_space<vmem>> -> memref<100xi32, #tpu.memory_space<vmem>>
    %dma_wait3A_82 = arith.constant 0 : i32
    %dma_wait3A_83 = arith.constant 0 : i32
    %dma_wait3A_84 = tpu.memref_slice %arg3[%dma_wait3A_82, %dma_wait3A_83] : memref<100000x128xf32, #tpu.memory_space<hbm>> -> memref<100000x128xf32, #tpu.memory_space<hbm>>
    tpu.wait_indirect_dma semaphore(%arg9 : memref<!tpu.dma_semaphore, #tpu.memory_space<semaphore_mem>>) src(%dma_wait3A_84 : memref<100000x128xf32, #tpu.memory_space<hbm>>) dst(%dma_wait3A_78 : memref<100x128xf32, #tpu.memory_space<vmem>>)
    %scan3A_85 = arith.constant 0 : i32
    %scan3A_86 = arith.constant 0 : i32
    %scan3A_87 = arith.constant 50 : i32
    %scan3A_88 = arith.addi %scan3A_86, %scan3A_87 : i32
    %scan3A_89 = arith.constant 1 : i32
    scf.for %scan3A_278 = %scan3A_86 to %scan3A_88 step %scan3A_89  : i32 {
      %add3A_279 = arith.constant 0 : i32
      %add3A_280 = arith.addi %add3A_279, %scan3A_278 : i32
      %get3A = arith.constant 1 : i32
      %get3A_281 = arith.index_cast %get3A : i32 to index
      %get3A_282 = arith.index_cast %add3A_280 : i32 to index
      %get3A_283 = arith.constant 0 : index
      %get3A_284 = tpu.vector_load %arg6[%get3A_281, %get3A_282, %get3A_283] {strides = array<i32>} : memref<2x100x128xf32, #tpu.memory_space<vmem>>, vector<1x1x16xf32>,
      %get3A_285 = vector.shape_cast %get3A_284 : vector<1x1x16xf32> to vector<16xf32>
      %mul3A_286 = arith.constant 11.3137083 : f32
      %mul3A_287 = vector.broadcast %mul3A_286 : f32 to vector<16xf32>
      %mul3A_288 = arith.mulf %get3A_285, %mul3A_287 : vector<16xf32>
      %swap3A = arith.constant 1 : i32
      %swap3A_289 = arith.constant 0 : i32
      %swap3A_290 = arith.index_cast %swap3A : i32 to index
      %swap3A_291 = arith.index_cast %swap3A_289 : i32 to index
      %swap3A_292 = arith.index_cast %scan3A_278 : i32 to index
      %swap3A_293 = arith.constant 0 : index
      %swap3A_294 = tpu.vector_load %arg7[%swap3A_290, %swap3A_291, %swap3A_292, %swap3A_293] {strides = array<i32>} : memref<2x2x50x128xf32, #tpu.memory_space<vmem>>, vector<1x1x1x16xf32>,
      %swap3A_295 = vector.shape_cast %swap3A_294 : vector<1x1x1x16xf32> to vector<16xf32>
      %swap3A_296 = vector.shape_cast %mul3A_288 : vector<16xf32> to vector<1x1x1x16xf32>
      tpu.vector_store %arg7[%swap3A_290, %swap3A_291, %swap3A_292, %swap3A_293], %swap3A_296 {strides = array<i32>} : memref<2x2x50x128xf32, #tpu.memory_space<vmem>>, vector<1x1x1x16xf32>,
      %add3A_297 = arith.constant 0 : i32
      %add3A_298 = arith.addi %add3A_297, %scan3A_278 : i32
      %get3A_299 = arith.constant 1 : i32
      %get3A_300 = arith.index_cast %get3A_299 : i32 to index
      %get3A_301 = arith.index_cast %add3A_298 : i32 to index
      %get3A_302 = arith.constant 16 : index
      %get3A_303 = tpu.vector_load %arg6[%get3A_300, %get3A_301, %get3A_302] {strides = array<i32>} : memref<2x100x128xf32, #tpu.memory_space<vmem>>, vector<1x1x16xf32>,
      %get3A_304 = vector.shape_cast %get3A_303 : vector<1x1x16xf32> to vector<16xf32>
      %mul3A_305 = arith.constant 11.3137083 : f32
      %mul3A_306 = vector.broadcast %mul3A_305 : f32 to vector<16xf32>
      %mul3A_307 = arith.mulf %get3A_304, %mul3A_306 : vector<16xf32>
      %swap3A_308 = arith.constant 1 : i32
      %swap3A_309 = arith.constant 0 : i32
      %swap3A_310 = arith.index_cast %swap3A_308 : i32 to index
      %swap3A_311 = arith.index_cast %swap3A_309 : i32 to index
      %swap3A_312 = arith.index_cast %scan3A_278 : i32 to index
      %swap3A_313 = arith.constant 16 : index
      %swap3A_314 = tpu.vector_load %arg7[%swap3A_310, %swap3A_311, %swap3A_312, %swap3A_313] {strides = array<i32>} : memref<2x2x50x128xf32, #tpu.memory_space<vmem>>, vector<1x1x1x16xf32>,
      %swap3A_315 = vector.shape_cast %swap3A_314 : vector<1x1x1x16xf32> to vector<16xf32>
      %swap3A_316 = vector.shape_cast %mul3A_307 : vector<16xf32> to vector<1x1x1x16xf32>
      tpu.vector_store %arg7[%swap3A_310, %swap3A_311, %swap3A_312, %swap3A_313], %swap3A_316 {strides = array<i32>} : memref<2x2x50x128xf32, #tpu.memory_space<vmem>>, vector<1x1x1x16xf32>,
      %add3A_317 = arith.constant 0 : i32
      %add3A_318 = arith.addi %add3A_317, %scan3A_278 : i32
      %get3A_319 = arith.constant 1 : i32
      %get3A_320 = arith.index_cast %get3A_319 : i32 to index
      %get3A_321 = arith.index_cast %add3A_318 : i32 to index
      %get3A_322 = arith.constant 32 : index
      %get3A_323 = tpu.vector_load %arg6[%get3A_320, %get3A_321, %get3A_322] {strides = array<i32>} : memref<2x100x128xf32, #tpu.memory_space<vmem>>, vector<1x1x16xf32>,
      %get3A_324 = vector.shape_cast %get3A_323 : vector<1x1x16xf32> to vector<16xf32>
      %mul3A_325 = arith.constant 11.3137083 : f32
      %mul3A_326 = vector.broadcast %mul3A_325 : f32 to vector<16xf32>
      %mul3A_327 = arith.mulf %get3A_324, %mul3A_326 : vector<16xf32>
      %swap3A_328 = arith.constant 1 : i32
      %swap3A_329 = arith.constant 0 : i32
      %swap3A_330 = arith.index_cast %swap3A_328 : i32 to index
      %swap3A_331 = arith.index_cast %swap3A_329 : i32 to index
      %swap3A_332 = arith.index_cast %scan3A_278 : i32 to index
      %swap3A_333 = arith.constant 32 : index
      %swap3A_334 = tpu.vector_load %arg7[%swap3A_330, %swap3A_331, %swap3A_332, %swap3A_333] {strides = array<i32>} : memref<2x2x50x128xf32, #tpu.memory_space<vmem>>, vector<1x1x1x16xf32>,
      %swap3A_335 = vector.shape_cast %swap3A_334 : vector<1x1x1x16xf32> to vector<16xf32>
      %swap3A_336 = vector.shape_cast %mul3A_327 : vector<16xf32> to vector<1x1x1x16xf32>
      tpu.vector_store %arg7[%swap3A_330, %swap3A_331, %swap3A_332, %swap3A_333], %swap3A_336 {strides = array<i32>} : memref<2x2x50x128xf32, #tpu.memory_space<vmem>>, vector<1x1x1x16xf32>,
      %add3A_337 = arith.constant 0 : i32
      %add3A_338 = arith.addi %add3A_337, %scan3A_278 : i32
      %get3A_339 = arith.constant 1 : i32
      %get3A_340 = arith.index_cast %get3A_339 : i32 to index
      %get3A_341 = arith.index_cast %add3A_338 : i32 to index
      %get3A_342 = arith.constant 48 : index
      %get3A_343 = tpu.vector_load %arg6[%get3A_340, %get3A_341, %get3A_342] {strides = array<i32>} : memref<2x100x128xf32, #tpu.memory_space<vmem>>, vector<1x1x16xf32>,
      %get3A_344 = vector.shape_cast %get3A_343 : vector<1x1x16xf32> to vector<16xf32>
      %mul3A_345 = arith.constant 11.3137083 : f32
      %mul3A_346 = vector.broadcast %mul3A_345 : f32 to vector<16xf32>
      %mul3A_347 = arith.mulf %get3A_344, %mul3A_346 : vector<16xf32>
      %swap3A_348 = arith.constant 1 : i32
      %swap3A_349 = arith.constant 0 : i32
      %swap3A_350 = arith.index_cast %swap3A_348 : i32 to index
      %swap3A_351 = arith.index_cast %swap3A_349 : i32 to index
      %swap3A_352 = arith.index_cast %scan3A_278 : i32 to index
      %swap3A_353 = arith.constant 48 : index
      %swap3A_354 = tpu.vector_load %arg7[%swap3A_350, %swap3A_351, %swap3A_352, %swap3A_353] {strides = array<i32>} : memref<2x2x50x128xf32, #tpu.memory_space<vmem>>, vector<1x1x1x16xf32>,
      %swap3A_355 = vector.shape_cast %swap3A_354 : vector<1x1x1x16xf32> to vector<16xf32>
      %swap3A_356 = vector.shape_cast %mul3A_347 : vector<16xf32> to vector<1x1x1x16xf32>
      tpu.vector_store %arg7[%swap3A_350, %swap3A_351, %swap3A_352, %swap3A_353], %swap3A_356 {strides = array<i32>} : memref<2x2x50x128xf32, #tpu.memory_space<vmem>>, vector<1x1x1x16xf32>,
      %add3A_357 = arith.constant 0 : i32
      %add3A_358 = arith.addi %add3A_357, %scan3A_278 : i32
      %get3A_359 = arith.constant 1 : i32
      %get3A_360 = arith.index_cast %get3A_359 : i32 to index
      %get3A_361 = arith.index_cast %add3A_358 : i32 to index
      %get3A_362 = arith.constant 64 : index
      %get3A_363 = tpu.vector_load %arg6[%get3A_360, %get3A_361, %get3A_362] {strides = array<i32>} : memref<2x100x128xf32, #tpu.memory_space<vmem>>, vector<1x1x16xf32>,
      %get3A_364 = vector.shape_cast %get3A_363 : vector<1x1x16xf32> to vector<16xf32>
      %mul3A_365 = arith.constant 11.3137083 : f32
      %mul3A_366 = vector.broadcast %mul3A_365 : f32 to vector<16xf32>
      %mul3A_367 = arith.mulf %get3A_364, %mul3A_366 : vector<16xf32>
      %swap3A_368 = arith.constant 1 : i32
      %swap3A_369 = arith.constant 0 : i32
      %swap3A_370 = arith.index_cast %swap3A_368 : i32 to index
      %swap3A_371 = arith.index_cast %swap3A_369 : i32 to index
      %swap3A_372 = arith.index_cast %scan3A_278 : i32 to index
      %swap3A_373 = arith.constant 64 : index
      %swap3A_374 = tpu.vector_load %arg7[%swap3A_370, %swap3A_371, %swap3A_372, %swap3A_373] {strides = array<i32>} : memref<2x2x50x128xf32, #tpu.memory_space<vmem>>, vector<1x1x1x16xf32>,
      %swap3A_375 = vector.shape_cast %swap3A_374 : vector<1x1x1x16xf32> to vector<16xf32>
      %swap3A_376 = vector.shape_cast %mul3A_367 : vector<16xf32> to vector<1x1x1x16xf32>
      tpu.vector_store %arg7[%swap3A_370, %swap3A_371, %swap3A_372, %swap3A_373], %swap3A_376 {strides = array<i32>} : memref<2x2x50x128xf32, #tpu.memory_space<vmem>>, vector<1x1x1x16xf32>,
      %add3A_377 = arith.constant 0 : i32
      %add3A_378 = arith.addi %add3A_377, %scan3A_278 : i32
      %get3A_379 = arith.constant 1 : i32
      %get3A_380 = arith.index_cast %get3A_379 : i32 to index
      %get3A_381 = arith.index_cast %add3A_378 : i32 to index
      %get3A_382 = arith.constant 80 : index
      %get3A_383 = tpu.vector_load %arg6[%get3A_380, %get3A_381, %get3A_382] {strides = array<i32>} : memref<2x100x128xf32, #tpu.memory_space<vmem>>, vector<1x1x16xf32>,
      %get3A_384 = vector.shape_cast %get3A_383 : vector<1x1x16xf32> to vector<16xf32>
      %mul3A_385 = arith.constant 11.3137083 : f32
      %mul3A_386 = vector.broadcast %mul3A_385 : f32 to vector<16xf32>
      %mul3A_387 = arith.mulf %get3A_384, %mul3A_386 : vector<16xf32>
      %swap3A_388 = arith.constant 1 : i32
      %swap3A_389 = arith.constant 0 : i32
      %swap3A_390 = arith.index_cast %swap3A_388 : i32 to index
      %swap3A_391 = arith.index_cast %swap3A_389 : i32 to index
      %swap3A_392 = arith.index_cast %scan3A_278 : i32 to index
      %swap3A_393 = arith.constant 80 : index
      %swap3A_394 = tpu.vector_load %arg7[%swap3A_390, %swap3A_391, %swap3A_392, %swap3A_393] {strides = array<i32>} : memref<2x2x50x128xf32, #tpu.memory_space<vmem>>, vector<1x1x1x16xf32>,
      %swap3A_395 = vector.shape_cast %swap3A_394 : vector<1x1x1x16xf32> to vector<16xf32>
      %swap3A_396 = vector.shape_cast %mul3A_387 : vector<16xf32> to vector<1x1x1x16xf32>
      tpu.vector_store %arg7[%swap3A_390, %swap3A_391, %swap3A_392, %swap3A_393], %swap3A_396 {strides = array<i32>} : memref<2x2x50x128xf32, #tpu.memory_space<vmem>>, vector<1x1x1x16xf32>,
      %add3A_397 = arith.constant 0 : i32
      %add3A_398 = arith.addi %add3A_397, %scan3A_278 : i32
      %get3A_399 = arith.constant 1 : i32
      %get3A_400 = arith.index_cast %get3A_399 : i32 to index
      %get3A_401 = arith.index_cast %add3A_398 : i32 to index
      %get3A_402 = arith.constant 96 : index
      %get3A_403 = tpu.vector_load %arg6[%get3A_400, %get3A_401, %get3A_402] {strides = array<i32>} : memref<2x100x128xf32, #tpu.memory_space<vmem>>, vector<1x1x16xf32>,
      %get3A_404 = vector.shape_cast %get3A_403 : vector<1x1x16xf32> to vector<16xf32>
      %mul3A_405 = arith.constant 11.3137083 : f32
      %mul3A_406 = vector.broadcast %mul3A_405 : f32 to vector<16xf32>
      %mul3A_407 = arith.mulf %get3A_404, %mul3A_406 : vector<16xf32>
      %swap3A_408 = arith.constant 1 : i32
      %swap3A_409 = arith.constant 0 : i32
      %swap3A_410 = arith.index_cast %swap3A_408 : i32 to index
      %swap3A_411 = arith.index_cast %swap3A_409 : i32 to index
      %swap3A_412 = arith.index_cast %scan3A_278 : i32 to index
      %swap3A_413 = arith.constant 96 : index
      %swap3A_414 = tpu.vector_load %arg7[%swap3A_410, %swap3A_411, %swap3A_412, %swap3A_413] {strides = array<i32>} : memref<2x2x50x128xf32, #tpu.memory_space<vmem>>, vector<1x1x1x16xf32>,
      %swap3A_415 = vector.shape_cast %swap3A_414 : vector<1x1x1x16xf32> to vector<16xf32>
      %swap3A_416 = vector.shape_cast %mul3A_407 : vector<16xf32> to vector<1x1x1x16xf32>
      tpu.vector_store %arg7[%swap3A_410, %swap3A_411, %swap3A_412, %swap3A_413], %swap3A_416 {strides = array<i32>} : memref<2x2x50x128xf32, #tpu.memory_space<vmem>>, vector<1x1x1x16xf32>,
      %add3A_417 = arith.constant 0 : i32
      %add3A_418 = arith.addi %add3A_417, %scan3A_278 : i32
      %get3A_419 = arith.constant 1 : i32
      %get3A_420 = arith.index_cast %get3A_419 : i32 to index
      %get3A_421 = arith.index_cast %add3A_418 : i32 to index
      %get3A_422 = arith.constant 112 : index
      %get3A_423 = tpu.vector_load %arg6[%get3A_420, %get3A_421, %get3A_422] {strides = array<i32>} : memref<2x100x128xf32, #tpu.memory_space<vmem>>, vector<1x1x16xf32>,
      %get3A_424 = vector.shape_cast %get3A_423 : vector<1x1x16xf32> to vector<16xf32>
      %mul3A_425 = arith.constant 11.3137083 : f32
      %mul3A_426 = vector.broadcast %mul3A_425 : f32 to vector<16xf32>
      %mul3A_427 = arith.mulf %get3A_424, %mul3A_426 : vector<16xf32>
      %swap3A_428 = arith.constant 1 : i32
      %swap3A_429 = arith.constant 0 : i32
      %swap3A_430 = arith.index_cast %swap3A_428 : i32 to index
      %swap3A_431 = arith.index_cast %swap3A_429 : i32 to index
      %swap3A_432 = arith.index_cast %scan3A_278 : i32 to index
      %swap3A_433 = arith.constant 112 : index
      %swap3A_434 = tpu.vector_load %arg7[%swap3A_430, %swap3A_431, %swap3A_432, %swap3A_433] {strides = array<i32>} : memref<2x2x50x128xf32, #tpu.memory_space<vmem>>, vector<1x1x1x16xf32>,
      %swap3A_435 = vector.shape_cast %swap3A_434 : vector<1x1x1x16xf32> to vector<16xf32>
      %swap3A_436 = vector.shape_cast %mul3A_427 : vector<16xf32> to vector<1x1x1x16xf32>
      tpu.vector_store %arg7[%swap3A_430, %swap3A_431, %swap3A_432, %swap3A_433], %swap3A_436 {strides = array<i32>} : memref<2x2x50x128xf32, #tpu.memory_space<vmem>>, vector<1x1x1x16xf32>,
      %add3A_437 = arith.constant 50 : i32
      %add3A_438 = arith.addi %add3A_437, %scan3A_278 : i32
      %get3A_439 = arith.constant 1 : i32
      %get3A_440 = arith.index_cast %get3A_439 : i32 to index
      %get3A_441 = arith.index_cast %add3A_438 : i32 to index
      %get3A_442 = arith.constant 0 : index
      %get3A_443 = tpu.vector_load %arg6[%get3A_440, %get3A_441, %get3A_442] {strides = array<i32>} : memref<2x100x128xf32, #tpu.memory_space<vmem>>, vector<1x1x16xf32>,
      %get3A_444 = vector.shape_cast %get3A_443 : vector<1x1x16xf32> to vector<16xf32>
      %mul3A_445 = arith.constant 11.3137083 : f32
      %mul3A_446 = vector.broadcast %mul3A_445 : f32 to vector<16xf32>
      %mul3A_447 = arith.mulf %get3A_444, %mul3A_446 : vector<16xf32>
      %swap3A_448 = arith.constant 1 : i32
      %swap3A_449 = arith.constant 1 : i32
      %swap3A_450 = arith.index_cast %swap3A_448 : i32 to index
      %swap3A_451 = arith.index_cast %swap3A_449 : i32 to index
      %swap3A_452 = arith.index_cast %scan3A_278 : i32 to index
      %swap3A_453 = arith.constant 0 : index
      %swap3A_454 = tpu.vector_load %arg7[%swap3A_450, %swap3A_451, %swap3A_452, %swap3A_453] {strides = array<i32>} : memref<2x2x50x128xf32, #tpu.memory_space<vmem>>, vector<1x1x1x16xf32>,
      %swap3A_455 = vector.shape_cast %swap3A_454 : vector<1x1x1x16xf32> to vector<16xf32>
      %swap3A_456 = vector.shape_cast %mul3A_447 : vector<16xf32> to vector<1x1x1x16xf32>
      tpu.vector_store %arg7[%swap3A_450, %swap3A_451, %swap3A_452, %swap3A_453], %swap3A_456 {strides = array<i32>} : memref<2x2x50x128xf32, #tpu.memory_space<vmem>>, vector<1x1x1x16xf32>,
      %add3A_457 = arith.constant 50 : i32
      %add3A_458 = arith.addi %add3A_457, %scan3A_278 : i32
      %get3A_459 = arith.constant 1 : i32
      %get3A_460 = arith.index_cast %get3A_459 : i32 to index
      %get3A_461 = arith.index_cast %add3A_458 : i32 to index
      %get3A_462 = arith.constant 16 : index
      %get3A_463 = tpu.vector_load %arg6[%get3A_460, %get3A_461, %get3A_462] {strides = array<i32>} : memref<2x100x128xf32, #tpu.memory_space<vmem>>, vector<1x1x16xf32>,
      %get3A_464 = vector.shape_cast %get3A_463 : vector<1x1x16xf32> to vector<16xf32>
      %mul3A_465 = arith.constant 11.3137083 : f32
      %mul3A_466 = vector.broadcast %mul3A_465 : f32 to vector<16xf32>
      %mul3A_467 = arith.mulf %get3A_464, %mul3A_466 : vector<16xf32>
      %swap3A_468 = arith.constant 1 : i32
      %swap3A_469 = arith.constant 1 : i32
      %swap3A_470 = arith.index_cast %swap3A_468 : i32 to index
      %swap3A_471 = arith.index_cast %swap3A_469 : i32 to index
      %swap3A_472 = arith.index_cast %scan3A_278 : i32 to index
      %swap3A_473 = arith.constant 16 : index
      %swap3A_474 = tpu.vector_load %arg7[%swap3A_470, %swap3A_471, %swap3A_472, %swap3A_473] {strides = array<i32>} : memref<2x2x50x128xf32, #tpu.memory_space<vmem>>, vector<1x1x1x16xf32>,
      %swap3A_475 = vector.shape_cast %swap3A_474 : vector<1x1x1x16xf32> to vector<16xf32>
      %swap3A_476 = vector.shape_cast %mul3A_467 : vector<16xf32> to vector<1x1x1x16xf32>
      tpu.vector_store %arg7[%swap3A_470, %swap3A_471, %swap3A_472, %swap3A_473], %swap3A_476 {strides = array<i32>} : memref<2x2x50x128xf32, #tpu.memory_space<vmem>>, vector<1x1x1x16xf32>,
      %add3A_477 = arith.constant 50 : i32
      %add3A_478 = arith.addi %add3A_477, %scan3A_278 : i32
      %get3A_479 = arith.constant 1 : i32
      %get3A_480 = arith.index_cast %get3A_479 : i32 to index
      %get3A_481 = arith.index_cast %add3A_478 : i32 to index
      %get3A_482 = arith.constant 32 : index
      %get3A_483 = tpu.vector_load %arg6[%get3A_480, %get3A_481, %get3A_482] {strides = array<i32>} : memref<2x100x128xf32, #tpu.memory_space<vmem>>, vector<1x1x16xf32>,
      %get3A_484 = vector.shape_cast %get3A_483 : vector<1x1x16xf32> to vector<16xf32>
      %mul3A_485 = arith.constant 11.3137083 : f32
      %mul3A_486 = vector.broadcast %mul3A_485 : f32 to vector<16xf32>
      %mul3A_487 = arith.mulf %get3A_484, %mul3A_486 : vector<16xf32>
      %swap3A_488 = arith.constant 1 : i32
      %swap3A_489 = arith.constant 1 : i32
      %swap3A_490 = arith.index_cast %swap3A_488 : i32 to index
      %swap3A_491 = arith.index_cast %swap3A_489 : i32 to index
      %swap3A_492 = arith.index_cast %scan3A_278 : i32 to index
      %swap3A_493 = arith.constant 32 : index
      %swap3A_494 = tpu.vector_load %arg7[%swap3A_490, %swap3A_491, %swap3A_492, %swap3A_493] {strides = array<i32>} : memref<2x2x50x128xf32, #tpu.memory_space<vmem>>, vector<1x1x1x16xf32>,
      %swap3A_495 = vector.shape_cast %swap3A_494 : vector<1x1x1x16xf32> to vector<16xf32>
      %swap3A_496 = vector.shape_cast %mul3A_487 : vector<16xf32> to vector<1x1x1x16xf32>
      tpu.vector_store %arg7[%swap3A_490, %swap3A_491, %swap3A_492, %swap3A_493], %swap3A_496 {strides = array<i32>} : memref<2x2x50x128xf32, #tpu.memory_space<vmem>>, vector<1x1x1x16xf32>,
      %add3A_497 = arith.constant 50 : i32
      %add3A_498 = arith.addi %add3A_497, %scan3A_278 : i32
      %get3A_499 = arith.constant 1 : i32
      %get3A_500 = arith.index_cast %get3A_499 : i32 to index
      %get3A_501 = arith.index_cast %add3A_498 : i32 to index
      %get3A_502 = arith.constant 48 : index
      %get3A_503 = tpu.vector_load %arg6[%get3A_500, %get3A_501, %get3A_502] {strides = array<i32>} : memref<2x100x128xf32, #tpu.memory_space<vmem>>, vector<1x1x16xf32>,
      %get3A_504 = vector.shape_cast %get3A_503 : vector<1x1x16xf32> to vector<16xf32>
      %mul3A_505 = arith.constant 11.3137083 : f32
      %mul3A_506 = vector.broadcast %mul3A_505 : f32 to vector<16xf32>
      %mul3A_507 = arith.mulf %get3A_504, %mul3A_506 : vector<16xf32>
      %swap3A_508 = arith.constant 1 : i32
      %swap3A_509 = arith.constant 1 : i32
      %swap3A_510 = arith.index_cast %swap3A_508 : i32 to index
      %swap3A_511 = arith.index_cast %swap3A_509 : i32 to index
      %swap3A_512 = arith.index_cast %scan3A_278 : i32 to index
      %swap3A_513 = arith.constant 48 : index
      %swap3A_514 = tpu.vector_load %arg7[%swap3A_510, %swap3A_511, %swap3A_512, %swap3A_513] {strides = array<i32>} : memref<2x2x50x128xf32, #tpu.memory_space<vmem>>, vector<1x1x1x16xf32>,
      %swap3A_515 = vector.shape_cast %swap3A_514 : vector<1x1x1x16xf32> to vector<16xf32>
      %swap3A_516 = vector.shape_cast %mul3A_507 : vector<16xf32> to vector<1x1x1x16xf32>
      tpu.vector_store %arg7[%swap3A_510, %swap3A_511, %swap3A_512, %swap3A_513], %swap3A_516 {strides = array<i32>} : memref<2x2x50x128xf32, #tpu.memory_space<vmem>>, vector<1x1x1x16xf32>,
      %add3A_517 = arith.constant 50 : i32
      %add3A_518 = arith.addi %add3A_517, %scan3A_278 : i32
      %get3A_519 = arith.constant 1 : i32
      %get3A_520 = arith.index_cast %get3A_519 : i32 to index
      %get3A_521 = arith.index_cast %add3A_518 : i32 to index
      %get3A_522 = arith.constant 64 : index
      %get3A_523 = tpu.vector_load %arg6[%get3A_520, %get3A_521, %get3A_522] {strides = array<i32>} : memref<2x100x128xf32, #tpu.memory_space<vmem>>, vector<1x1x16xf32>,
      %get3A_524 = vector.shape_cast %get3A_523 : vector<1x1x16xf32> to vector<16xf32>
      %mul3A_525 = arith.constant 11.3137083 : f32
      %mul3A_526 = vector.broadcast %mul3A_525 : f32 to vector<16xf32>
      %mul3A_527 = arith.mulf %get3A_524, %mul3A_526 : vector<16xf32>
      %swap3A_528 = arith.constant 1 : i32
      %swap3A_529 = arith.constant 1 : i32
      %swap3A_530 = arith.index_cast %swap3A_528 : i32 to index
      %swap3A_531 = arith.index_cast %swap3A_529 : i32 to index
      %swap3A_532 = arith.index_cast %scan3A_278 : i32 to index
      %swap3A_533 = arith.constant 64 : index
      %swap3A_534 = tpu.vector_load %arg7[%swap3A_530, %swap3A_531, %swap3A_532, %swap3A_533] {strides = array<i32>} : memref<2x2x50x128xf32, #tpu.memory_space<vmem>>, vector<1x1x1x16xf32>,
      %swap3A_535 = vector.shape_cast %swap3A_534 : vector<1x1x1x16xf32> to vector<16xf32>
      %swap3A_536 = vector.shape_cast %mul3A_527 : vector<16xf32> to vector<1x1x1x16xf32>
      tpu.vector_store %arg7[%swap3A_530, %swap3A_531, %swap3A_532, %swap3A_533], %swap3A_536 {strides = array<i32>} : memref<2x2x50x128xf32, #tpu.memory_space<vmem>>, vector<1x1x1x16xf32>,
      %add3A_537 = arith.constant 50 : i32
      %add3A_538 = arith.addi %add3A_537, %scan3A_278 : i32
      %get3A_539 = arith.constant 1 : i32
      %get3A_540 = arith.index_cast %get3A_539 : i32 to index
      %get3A_541 = arith.index_cast %add3A_538 : i32 to index
      %get3A_542 = arith.constant 80 : index
      %get3A_543 = tpu.vector_load %arg6[%get3A_540, %get3A_541, %get3A_542] {strides = array<i32>} : memref<2x100x128xf32, #tpu.memory_space<vmem>>, vector<1x1x16xf32>,
      %get3A_544 = vector.shape_cast %get3A_543 : vector<1x1x16xf32> to vector<16xf32>
      %mul3A_545 = arith.constant 11.3137083 : f32
      %mul3A_546 = vector.broadcast %mul3A_545 : f32 to vector<16xf32>
      %mul3A_547 = arith.mulf %get3A_544, %mul3A_546 : vector<16xf32>
      %swap3A_548 = arith.constant 1 : i32
      %swap3A_549 = arith.constant 1 : i32
      %swap3A_550 = arith.index_cast %swap3A_548 : i32 to index
      %swap3A_551 = arith.index_cast %swap3A_549 : i32 to index
      %swap3A_552 = arith.index_cast %scan3A_278 : i32 to index
      %swap3A_553 = arith.constant 80 : index
      %swap3A_554 = tpu.vector_load %arg7[%swap3A_550, %swap3A_551, %swap3A_552, %swap3A_553] {strides = array<i32>} : memref<2x2x50x128xf32, #tpu.memory_space<vmem>>, vector<1x1x1x16xf32>,
      %swap3A_555 = vector.shape_cast %swap3A_554 : vector<1x1x1x16xf32> to vector<16xf32>
      %swap3A_556 = vector.shape_cast %mul3A_547 : vector<16xf32> to vector<1x1x1x16xf32>
      tpu.vector_store %arg7[%swap3A_550, %swap3A_551, %swap3A_552, %swap3A_553], %swap3A_556 {strides = array<i32>} : memref<2x2x50x128xf32, #tpu.memory_space<vmem>>, vector<1x1x1x16xf32>,
      %add3A_557 = arith.constant 50 : i32
      %add3A_558 = arith.addi %add3A_557, %scan3A_278 : i32
      %get3A_559 = arith.constant 1 : i32
      %get3A_560 = arith.index_cast %get3A_559 : i32 to index
      %get3A_561 = arith.index_cast %add3A_558 : i32 to index
      %get3A_562 = arith.constant 96 : index
      %get3A_563 = tpu.vector_load %arg6[%get3A_560, %get3A_561, %get3A_562] {strides = array<i32>} : memref<2x100x128xf32, #tpu.memory_space<vmem>>, vector<1x1x16xf32>,
      %get3A_564 = vector.shape_cast %get3A_563 : vector<1x1x16xf32> to vector<16xf32>
      %mul3A_565 = arith.constant 11.3137083 : f32
      %mul3A_566 = vector.broadcast %mul3A_565 : f32 to vector<16xf32>
      %mul3A_567 = arith.mulf %get3A_564, %mul3A_566 : vector<16xf32>
      %swap3A_568 = arith.constant 1 : i32
      %swap3A_569 = arith.constant 1 : i32
      %swap3A_570 = arith.index_cast %swap3A_568 : i32 to index
      %swap3A_571 = arith.index_cast %swap3A_569 : i32 to index
      %swap3A_572 = arith.index_cast %scan3A_278 : i32 to index
      %swap3A_573 = arith.constant 96 : index
      %swap3A_574 = tpu.vector_load %arg7[%swap3A_570, %swap3A_571, %swap3A_572, %swap3A_573] {strides = array<i32>} : memref<2x2x50x128xf32, #tpu.memory_space<vmem>>, vector<1x1x1x16xf32>,
      %swap3A_575 = vector.shape_cast %swap3A_574 : vector<1x1x1x16xf32> to vector<16xf32>
      %swap3A_576 = vector.shape_cast %mul3A_567 : vector<16xf32> to vector<1x1x1x16xf32>
      tpu.vector_store %arg7[%swap3A_570, %swap3A_571, %swap3A_572, %swap3A_573], %swap3A_576 {strides = array<i32>} : memref<2x2x50x128xf32, #tpu.memory_space<vmem>>, vector<1x1x1x16xf32>,
      %add3A_577 = arith.constant 50 : i32
      %add3A_578 = arith.addi %add3A_577, %scan3A_278 : i32
      %get3A_579 = arith.constant 1 : i32
      %get3A_580 = arith.index_cast %get3A_579 : i32 to index
      %get3A_581 = arith.index_cast %add3A_578 : i32 to index
      %get3A_582 = arith.constant 112 : index
      %get3A_583 = tpu.vector_load %arg6[%get3A_580, %get3A_581, %get3A_582] {strides = array<i32>} : memref<2x100x128xf32, #tpu.memory_space<vmem>>, vector<1x1x16xf32>,
      %get3A_584 = vector.shape_cast %get3A_583 : vector<1x1x16xf32> to vector<16xf32>
      %mul3A_585 = arith.constant 11.3137083 : f32
      %mul3A_586 = vector.broadcast %mul3A_585 : f32 to vector<16xf32>
      %mul3A_587 = arith.mulf %get3A_584, %mul3A_586 : vector<16xf32>
      %swap3A_588 = arith.constant 1 : i32
      %swap3A_589 = arith.constant 1 : i32
      %swap3A_590 = arith.index_cast %swap3A_588 : i32 to index
      %swap3A_591 = arith.index_cast %swap3A_589 : i32 to index
      %swap3A_592 = arith.index_cast %scan3A_278 : i32 to index
      %swap3A_593 = arith.constant 112 : index
      %swap3A_594 = tpu.vector_load %arg7[%swap3A_590, %swap3A_591, %swap3A_592, %swap3A_593] {strides = array<i32>} : memref<2x2x50x128xf32, #tpu.memory_space<vmem>>, vector<1x1x1x16xf32>,
      %swap3A_595 = vector.shape_cast %swap3A_594 : vector<1x1x1x16xf32> to vector<16xf32>
      %swap3A_596 = vector.shape_cast %mul3A_587 : vector<16xf32> to vector<1x1x1x16xf32>
      tpu.vector_store %arg7[%swap3A_590, %swap3A_591, %swap3A_592, %swap3A_593], %swap3A_596 {strides = array<i32>} : memref<2x2x50x128xf32, #tpu.memory_space<vmem>>, vector<1x1x1x16xf32>,
    }
    %scan3A_90 = arith.constant 50 : i32
    %add3A_91 = arith.constant 2 : i32
    %add3A_92 = arith.addi %mul3A_2, %add3A_91 : i32
    %dma_start3A_93 = arith.constant 1 : i32
    %dma_start3A_94 = arith.constant 0 : i32
    %dma_start3A_95 = arith.constant 0 : i32
    %dma_start3A_96 = arith.constant 0 : i32
    %dma_start3A_97 = tpu.memref_slice %arg7[%dma_start3A_93, %dma_start3A_94, %dma_start3A_95, %dma_start3A_96] : memref<2x2x50x128xf32, #tpu.memory_space<vmem>> -> memref<1x2x50x128xf32, #tpu.memory_space<vmem>>
    %dma_start3A_98 = tpu.memref_squeeze %dma_start3A_97 : memref<1x2x50x128xf32, #tpu.memory_space<vmem>> -> memref<2x50x128xf32, #tpu.memory_space<vmem>>
    %dma_start3A_99 = arith.constant 0 : i32
    %dma_start3A_100 = arith.constant 0 : i32
    %dma_start3A_101 = tpu.memref_slice %arg4[%add3A_92, %dma_start3A_99, %dma_start3A_100] : memref<4096x56x128xf32, #tpu.memory_space<hbm>> -> memref<2x50x128xf32, #tpu.memory_space<hbm>>
    %dma_start3A_102 = arith.constant 0 : i32
    %dma_start3A_103 = arith.constant 0 : i32
    %dma_start3A_104 = tpu.memref_slice %arg4[%add3A_92, %dma_start3A_102, %dma_start3A_103] : memref<4096x56x128xf32, #tpu.memory_space<hbm>> -> memref<2x50x128xf32, #tpu.memory_space<hbm>>
    %dma_start3A_105 = arith.constant 0 : i32
    %dma_start3A_106 = arith.constant 0 : i32
    %dma_start3A_107 = arith.constant 0 : i32
    %dma_start3A_108 = tpu.memref_slice %arg7[%dma_start3A_93, %dma_start3A_105, %dma_start3A_106, %dma_start3A_107] : memref<2x2x50x128xf32, #tpu.memory_space<vmem>> -> memref<1x2x50x128xf32, #tpu.memory_space<vmem>>
    %dma_start3A_109 = tpu.memref_squeeze %dma_start3A_108 : memref<1x2x50x128xf32, #tpu.memory_space<vmem>> -> memref<2x50x128xf32, #tpu.memory_space<vmem>>
    tpu.enqueue_dma source(%dma_start3A_109 : memref<2x50x128xf32, #tpu.memory_space<vmem>>) target(%dma_start3A_104 : memref<2x50x128xf32, #tpu.memory_space<hbm>>) target_semaphore(%arg11 : memref<!tpu.dma_semaphore, #tpu.memory_space<semaphore_mem>>)
    %dma_start3A_110 = arith.constant 3 : i32
    %dma_start3A_111 = arith.constant 1 : i32
    %dma_start3A_112 = arith.constant 0 : i32
    %dma_start3A_113 = arith.constant 0 : i32
    %dma_start3A_114 = tpu.memref_slice %arg6[%dma_start3A_111, %dma_start3A_112, %dma_start3A_113] : memref<2x100x128xf32, #tpu.memory_space<vmem>> -> memref<1x100x128xf32, #tpu.memory_space<vmem>>
    %dma_start3A_115 = tpu.memref_squeeze %dma_start3A_114 : memref<1x100x128xf32, #tpu.memory_space<vmem>> -> memref<100x128xf32, #tpu.memory_space<vmem>>
    %dma_start3A_116 = arith.constant 0 : i32
    %dma_start3A_117 = tpu.memref_slice %arg5[%dma_start3A_110, %dma_start3A_116] : memref<64x100xi32, #tpu.memory_space<vmem>> -> memref<1x100xi32, #tpu.memory_space<vmem>>
    %dma_start3A_118 = tpu.memref_squeeze %dma_start3A_117 : memref<1x100xi32, #tpu.memory_space<vmem>> -> memref<100xi32, #tpu.memory_space<vmem>>
    %dma_start3A_119 = arith.constant 0 : i32
    %dma_start3A_120 = arith.constant 0 : i32
    %dma_start3A_121 = tpu.memref_slice %arg3[%dma_start3A_119, %dma_start3A_120] : memref<100000x128xf32, #tpu.memory_space<hbm>> -> memref<100000x128xf32, #tpu.memory_space<hbm>>
    tpu.enqueue_indirect_dma source(%dma_start3A_121 : memref<100000x128xf32, #tpu.memory_space<hbm>>) target(%dma_start3A_115 : memref<100x128xf32, #tpu.memory_space<vmem>>) offsets(%dma_start3A_118 : memref<100xi32, #tpu.memory_space<vmem>>) semaphore(%arg9 : memref<!tpu.dma_semaphore, #tpu.memory_space<semaphore_mem>>)
    %scan3A_122 = arith.constant 0 : i32
    %scan3A_123 = arith.constant 1 : i32
    %scan3A_124 = arith.constant 30 : i32
    %scan3A_125 = arith.addi %scan3A_123, %scan3A_124 : i32
    %scan3A_126 = arith.constant 1 : i32
    scf.for %scan3A_278 = %scan3A_123 to %scan3A_125 step %scan3A_126  : i32 {
      %mul3A_279 = arith.constant 2 : i32
      %mul3A_280 = arith.muli %mul3A_279, %scan3A_278 : i32
      %add3A_281 = arith.constant 0 : i32
      %add3A_282 = arith.addi %mul3A_280, %add3A_281 : i32
      %dma_wait3A_283 = arith.constant 0 : i32
      %dma_wait3A_284 = arith.constant 0 : i32
      %dma_wait3A_285 = arith.constant 0 : i32
      %dma_wait3A_286 = tpu.memref_slice %arg6[%dma_wait3A_283, %dma_wait3A_284, %dma_wait3A_285] : memref<2x100x128xf32, #tpu.memory_space<vmem>> -> memref<1x100x128xf32, #tpu.memory_space<vmem>>
      %dma_wait3A_287 = tpu.memref_squeeze %dma_wait3A_286 : memref<1x100x128xf32, #tpu.memory_space<vmem>> -> memref<100x128xf32, #tpu.memory_space<vmem>>
      %dma_wait3A_288 = arith.constant 0 : i32
      %dma_wait3A_289 = tpu.memref_slice %arg5[%add3A_282, %dma_wait3A_288] : memref<64x100xi32, #tpu.memory_space<vmem>> -> memref<1x100xi32, #tpu.memory_space<vmem>>
      %dma_wait3A_290 = tpu.memref_squeeze %dma_wait3A_289 : memref<1x100xi32, #tpu.memory_space<vmem>> -> memref<100xi32, #tpu.memory_space<vmem>>
      %dma_wait3A_291 = arith.constant 0 : i32
      %dma_wait3A_292 = arith.constant 0 : i32
      %dma_wait3A_293 = tpu.memref_slice %arg3[%dma_wait3A_291, %dma_wait3A_292] : memref<100000x128xf32, #tpu.memory_space<hbm>> -> memref<100000x128xf32, #tpu.memory_space<hbm>>
      tpu.wait_indirect_dma semaphore(%arg8 : memref<!tpu.dma_semaphore, #tpu.memory_space<semaphore_mem>>) src(%dma_wait3A_293 : memref<100000x128xf32, #tpu.memory_space<hbm>>) dst(%dma_wait3A_287 : memref<100x128xf32, #tpu.memory_space<vmem>>)
      %dma_wait3A_294 = arith.constant 0 : i32
      %dma_wait3A_295 = arith.constant 0 : i32
      %dma_wait3A_296 = arith.constant 0 : i32
      %dma_wait3A_297 = arith.constant 0 : i32
      %dma_wait3A_298 = tpu.memref_slice %arg7[%dma_wait3A_294, %dma_wait3A_295, %dma_wait3A_296, %dma_wait3A_297] : memref<2x2x50x128xf32, #tpu.memory_space<vmem>> -> memref<1x2x50x128xf32, #tpu.memory_space<vmem>>
      %dma_wait3A_299 = tpu.memref_squeeze %dma_wait3A_298 : memref<1x2x50x128xf32, #tpu.memory_space<vmem>> -> memref<2x50x128xf32, #tpu.memory_space<vmem>>
      %dma_wait3A_300 = arith.constant 0 : i32
      %dma_wait3A_301 = arith.constant 0 : i32
      %dma_wait3A_302 = arith.constant 0 : i32
      %dma_wait3A_303 = tpu.memref_slice %arg4[%dma_wait3A_300, %dma_wait3A_301, %dma_wait3A_302] : memref<4096x56x128xf32, #tpu.memory_space<hbm>> -> memref<2x50x128xf32, #tpu.memory_space<hbm>>
      %dma_wait3A_304 = arith.constant 0 : i32
      %dma_wait3A_305 = arith.constant 0 : i32
      %dma_wait3A_306 = arith.constant 0 : i32
      %dma_wait3A_307 = tpu.memref_slice %arg4[%dma_wait3A_304, %dma_wait3A_305, %dma_wait3A_306] : memref<4096x56x128xf32, #tpu.memory_space<hbm>> -> memref<2x50x128xf32, #tpu.memory_space<hbm>>
      %dma_wait3A_308 = arith.constant 0 : i32
      %dma_wait3A_309 = arith.constant 0 : i32
      %dma_wait3A_310 = arith.constant 0 : i32
      %dma_wait3A_311 = tpu.memref_slice %arg7[%dma_wait3A_294, %dma_wait3A_308, %dma_wait3A_309, %dma_wait3A_310] : memref<2x2x50x128xf32, #tpu.memory_space<vmem>> -> memref<1x2x50x128xf32, #tpu.memory_space<vmem>>
      %dma_wait3A_312 = tpu.memref_squeeze %dma_wait3A_311 : memref<1x2x50x128xf32, #tpu.memory_space<vmem>> -> memref<2x50x128xf32, #tpu.memory_space<vmem>>
      tpu.wait_dma2 semaphore(%arg10 : memref<!tpu.dma_semaphore, #tpu.memory_space<semaphore_mem>>) src(%dma_wait3A_312 : memref<2x50x128xf32, #tpu.memory_space<vmem>>) dst(%dma_wait3A_307 : memref<2x50x128xf32, #tpu.memory_space<hbm>>)
      %scan3A_313 = arith.constant 0 : i32
      %scan3A_314 = arith.constant 0 : i32
      %scan3A_315 = arith.constant 50 : i32
      %scan3A_316 = arith.addi %scan3A_314, %scan3A_315 : i32
      %scan3A_317 = arith.constant 1 : i32
      scf.for %scan3A_425 = %scan3A_314 to %scan3A_316 step %scan3A_317  : i32 {
        %add3A_426 = arith.constant 0 : i32
        %add3A_427 = arith.addi %add3A_426, %scan3A_425 : i32
        %get3A = arith.constant 0 : i32
        %get3A_428 = arith.index_cast %get3A : i32 to index
        %get3A_429 = arith.index_cast %add3A_427 : i32 to index
        %get3A_430 = arith.constant 0 : index
        %get3A_431 = tpu.vector_load %arg6[%get3A_428, %get3A_429, %get3A_430] {strides = array<i32>} : memref<2x100x128xf32, #tpu.memory_space<vmem>>, vector<1x1x16xf32>,
        %get3A_432 = vector.shape_cast %get3A_431 : vector<1x1x16xf32> to vector<16xf32>
        %mul3A_433 = arith.constant 11.3137083 : f32
        %mul3A_434 = vector.broadcast %mul3A_433 : f32 to vector<16xf32>
        %mul3A_435 = arith.mulf %get3A_432, %mul3A_434 : vector<16xf32>
        %swap3A = arith.constant 0 : i32
        %swap3A_436 = arith.constant 0 : i32
        %swap3A_437 = arith.index_cast %swap3A : i32 to index
        %swap3A_438 = arith.index_cast %swap3A_436 : i32 to index
        %swap3A_439 = arith.index_cast %scan3A_425 : i32 to index
        %swap3A_440 = arith.constant 0 : index
        %swap3A_441 = tpu.vector_load %arg7[%swap3A_437, %swap3A_438, %swap3A_439, %swap3A_440] {strides = array<i32>} : memref<2x2x50x128xf32, #tpu.memory_space<vmem>>, vector<1x1x1x16xf32>,
        %swap3A_442 = vector.shape_cast %swap3A_441 : vector<1x1x1x16xf32> to vector<16xf32>
        %swap3A_443 = vector.shape_cast %mul3A_435 : vector<16xf32> to vector<1x1x1x16xf32>
        tpu.vector_store %arg7[%swap3A_437, %swap3A_438, %swap3A_439, %swap3A_440], %swap3A_443 {strides = array<i32>} : memref<2x2x50x128xf32, #tpu.memory_space<vmem>>, vector<1x1x1x16xf32>,
        %add3A_444 = arith.constant 0 : i32
        %add3A_445 = arith.addi %add3A_444, %scan3A_425 : i32
        %get3A_446 = arith.constant 0 : i32
        %get3A_447 = arith.index_cast %get3A_446 : i32 to index
        %get3A_448 = arith.index_cast %add3A_445 : i32 to index
        %get3A_449 = arith.constant 16 : index
        %get3A_450 = tpu.vector_load %arg6[%get3A_447, %get3A_448, %get3A_449] {strides = array<i32>} : memref<2x100x128xf32, #tpu.memory_space<vmem>>, vector<1x1x16xf32>,
        %get3A_451 = vector.shape_cast %get3A_450 : vector<1x1x16xf32> to vector<16xf32>
        %mul3A_452 = arith.constant 11.3137083 : f32
        %mul3A_453 = vector.broadcast %mul3A_452 : f32 to vector<16xf32>
        %mul3A_454 = arith.mulf %get3A_451, %mul3A_453 : vector<16xf32>
        %swap3A_455 = arith.constant 0 : i32
        %swap3A_456 = arith.constant 0 : i32
        %swap3A_457 = arith.index_cast %swap3A_455 : i32 to index
        %swap3A_458 = arith.index_cast %swap3A_456 : i32 to index
        %swap3A_459 = arith.index_cast %scan3A_425 : i32 to index
        %swap3A_460 = arith.constant 16 : index
        %swap3A_461 = tpu.vector_load %arg7[%swap3A_457, %swap3A_458, %swap3A_459, %swap3A_460] {strides = array<i32>} : memref<2x2x50x128xf32, #tpu.memory_space<vmem>>, vector<1x1x1x16xf32>,
        %swap3A_462 = vector.shape_cast %swap3A_461 : vector<1x1x1x16xf32> to vector<16xf32>
        %swap3A_463 = vector.shape_cast %mul3A_454 : vector<16xf32> to vector<1x1x1x16xf32>
        tpu.vector_store %arg7[%swap3A_457, %swap3A_458, %swap3A_459, %swap3A_460], %swap3A_463 {strides = array<i32>} : memref<2x2x50x128xf32, #tpu.memory_space<vmem>>, vector<1x1x1x16xf32>,
        %add3A_464 = arith.constant 0 : i32
        %add3A_465 = arith.addi %add3A_464, %scan3A_425 : i32
        %get3A_466 = arith.constant 0 : i32
        %get3A_467 = arith.index_cast %get3A_466 : i32 to index
        %get3A_468 = arith.index_cast %add3A_465 : i32 to index
        %get3A_469 = arith.constant 32 : index
        %get3A_470 = tpu.vector_load %arg6[%get3A_467, %get3A_468, %get3A_469] {strides = array<i32>} : memref<2x100x128xf32, #tpu.memory_space<vmem>>, vector<1x1x16xf32>,
        %get3A_471 = vector.shape_cast %get3A_470 : vector<1x1x16xf32> to vector<16xf32>
        %mul3A_472 = arith.constant 11.3137083 : f32
        %mul3A_473 = vector.broadcast %mul3A_472 : f32 to vector<16xf32>
        %mul3A_474 = arith.mulf %get3A_471, %mul3A_473 : vector<16xf32>
        %swap3A_475 = arith.constant 0 : i32
        %swap3A_476 = arith.constant 0 : i32
        %swap3A_477 = arith.index_cast %swap3A_475 : i32 to index
        %swap3A_478 = arith.index_cast %swap3A_476 : i32 to index
        %swap3A_479 = arith.index_cast %scan3A_425 : i32 to index
        %swap3A_480 = arith.constant 32 : index
        %swap3A_481 = tpu.vector_load %arg7[%swap3A_477, %swap3A_478, %swap3A_479, %swap3A_480] {strides = array<i32>} : memref<2x2x50x128xf32, #tpu.memory_space<vmem>>, vector<1x1x1x16xf32>,
        %swap3A_482 = vector.shape_cast %swap3A_481 : vector<1x1x1x16xf32> to vector<16xf32>
        %swap3A_483 = vector.shape_cast %mul3A_474 : vector<16xf32> to vector<1x1x1x16xf32>
        tpu.vector_store %arg7[%swap3A_477, %swap3A_478, %swap3A_479, %swap3A_480], %swap3A_483 {strides = array<i32>} : memref<2x2x50x128xf32, #tpu.memory_space<vmem>>, vector<1x1x1x16xf32>,
        %add3A_484 = arith.constant 0 : i32
        %add3A_485 = arith.addi %add3A_484, %scan3A_425 : i32
        %get3A_486 = arith.constant 0 : i32
        %get3A_487 = arith.index_cast %get3A_486 : i32 to index
        %get3A_488 = arith.index_cast %add3A_485 : i32 to index
        %get3A_489 = arith.constant 48 : index
        %get3A_490 = tpu.vector_load %arg6[%get3A_487, %get3A_488, %get3A_489] {strides = array<i32>} : memref<2x100x128xf32, #tpu.memory_space<vmem>>, vector<1x1x16xf32>,
        %get3A_491 = vector.shape_cast %get3A_490 : vector<1x1x16xf32> to vector<16xf32>
        %mul3A_492 = arith.constant 11.3137083 : f32
        %mul3A_493 = vector.broadcast %mul3A_492 : f32 to vector<16xf32>
        %mul3A_494 = arith.mulf %get3A_491, %mul3A_493 : vector<16xf32>
        %swap3A_495 = arith.constant 0 : i32
        %swap3A_496 = arith.constant 0 : i32
        %swap3A_497 = arith.index_cast %swap3A_495 : i32 to index
        %swap3A_498 = arith.index_cast %swap3A_496 : i32 to index
        %swap3A_499 = arith.index_cast %scan3A_425 : i32 to index
        %swap3A_500 = arith.constant 48 : index
        %swap3A_501 = tpu.vector_load %arg7[%swap3A_497, %swap3A_498, %swap3A_499, %swap3A_500] {strides = array<i32>} : memref<2x2x50x128xf32, #tpu.memory_space<vmem>>, vector<1x1x1x16xf32>,
        %swap3A_502 = vector.shape_cast %swap3A_501 : vector<1x1x1x16xf32> to vector<16xf32>
        %swap3A_503 = vector.shape_cast %mul3A_494 : vector<16xf32> to vector<1x1x1x16xf32>
        tpu.vector_store %arg7[%swap3A_497, %swap3A_498, %swap3A_499, %swap3A_500], %swap3A_503 {strides = array<i32>} : memref<2x2x50x128xf32, #tpu.memory_space<vmem>>, vector<1x1x1x16xf32>,
        %add3A_504 = arith.constant 0 : i32
        %add3A_505 = arith.addi %add3A_504, %scan3A_425 : i32
        %get3A_506 = arith.constant 0 : i32
        %get3A_507 = arith.index_cast %get3A_506 : i32 to index
        %get3A_508 = arith.index_cast %add3A_505 : i32 to index
        %get3A_509 = arith.constant 64 : index
        %get3A_510 = tpu.vector_load %arg6[%get3A_507, %get3A_508, %get3A_509] {strides = array<i32>} : memref<2x100x128xf32, #tpu.memory_space<vmem>>, vector<1x1x16xf32>,
        %get3A_511 = vector.shape_cast %get3A_510 : vector<1x1x16xf32> to vector<16xf32>
        %mul3A_512 = arith.constant 11.3137083 : f32
        %mul3A_513 = vector.broadcast %mul3A_512 : f32 to vector<16xf32>
        %mul3A_514 = arith.mulf %get3A_511, %mul3A_513 : vector<16xf32>
        %swap3A_515 = arith.constant 0 : i32
        %swap3A_516 = arith.constant 0 : i32
        %swap3A_517 = arith.index_cast %swap3A_515 : i32 to index
        %swap3A_518 = arith.index_cast %swap3A_516 : i32 to index
        %swap3A_519 = arith.index_cast %scan3A_425 : i32 to index
        %swap3A_520 = arith.constant 64 : index
        %swap3A_521 = tpu.vector_load %arg7[%swap3A_517, %swap3A_518, %swap3A_519, %swap3A_520] {strides = array<i32>} : memref<2x2x50x128xf32, #tpu.memory_space<vmem>>, vector<1x1x1x16xf32>,
        %swap3A_522 = vector.shape_cast %swap3A_521 : vector<1x1x1x16xf32> to vector<16xf32>
        %swap3A_523 = vector.shape_cast %mul3A_514 : vector<16xf32> to vector<1x1x1x16xf32>
        tpu.vector_store %arg7[%swap3A_517, %swap3A_518, %swap3A_519, %swap3A_520], %swap3A_523 {strides = array<i32>} : memref<2x2x50x128xf32, #tpu.memory_space<vmem>>, vector<1x1x1x16xf32>,
        %add3A_524 = arith.constant 0 : i32
        %add3A_525 = arith.addi %add3A_524, %scan3A_425 : i32
        %get3A_526 = arith.constant 0 : i32
        %get3A_527 = arith.index_cast %get3A_526 : i32 to index
        %get3A_528 = arith.index_cast %add3A_525 : i32 to index
        %get3A_529 = arith.constant 80 : index
        %get3A_530 = tpu.vector_load %arg6[%get3A_527, %get3A_528, %get3A_529] {strides = array<i32>} : memref<2x100x128xf32, #tpu.memory_space<vmem>>, vector<1x1x16xf32>,
        %get3A_531 = vector.shape_cast %get3A_530 : vector<1x1x16xf32> to vector<16xf32>
        %mul3A_532 = arith.constant 11.3137083 : f32
        %mul3A_533 = vector.broadcast %mul3A_532 : f32 to vector<16xf32>
        %mul3A_534 = arith.mulf %get3A_531, %mul3A_533 : vector<16xf32>
        %swap3A_535 = arith.constant 0 : i32
        %swap3A_536 = arith.constant 0 : i32
        %swap3A_537 = arith.index_cast %swap3A_535 : i32 to index
        %swap3A_538 = arith.index_cast %swap3A_536 : i32 to index
        %swap3A_539 = arith.index_cast %scan3A_425 : i32 to index
        %swap3A_540 = arith.constant 80 : index
        %swap3A_541 = tpu.vector_load %arg7[%swap3A_537, %swap3A_538, %swap3A_539, %swap3A_540] {strides = array<i32>} : memref<2x2x50x128xf32, #tpu.memory_space<vmem>>, vector<1x1x1x16xf32>,
        %swap3A_542 = vector.shape_cast %swap3A_541 : vector<1x1x1x16xf32> to vector<16xf32>
        %swap3A_543 = vector.shape_cast %mul3A_534 : vector<16xf32> to vector<1x1x1x16xf32>
        tpu.vector_store %arg7[%swap3A_537, %swap3A_538, %swap3A_539, %swap3A_540], %swap3A_543 {strides = array<i32>} : memref<2x2x50x128xf32, #tpu.memory_space<vmem>>, vector<1x1x1x16xf32>,
        %add3A_544 = arith.constant 0 : i32
        %add3A_545 = arith.addi %add3A_544, %scan3A_425 : i32
        %get3A_546 = arith.constant 0 : i32
        %get3A_547 = arith.index_cast %get3A_546 : i32 to index
        %get3A_548 = arith.index_cast %add3A_545 : i32 to index
        %get3A_549 = arith.constant 96 : index
        %get3A_550 = tpu.vector_load %arg6[%get3A_547, %get3A_548, %get3A_549] {strides = array<i32>} : memref<2x100x128xf32, #tpu.memory_space<vmem>>, vector<1x1x16xf32>,
        %get3A_551 = vector.shape_cast %get3A_550 : vector<1x1x16xf32> to vector<16xf32>
        %mul3A_552 = arith.constant 11.3137083 : f32
        %mul3A_553 = vector.broadcast %mul3A_552 : f32 to vector<16xf32>
        %mul3A_554 = arith.mulf %get3A_551, %mul3A_553 : vector<16xf32>
        %swap3A_555 = arith.constant 0 : i32
        %swap3A_556 = arith.constant 0 : i32
        %swap3A_557 = arith.index_cast %swap3A_555 : i32 to index
        %swap3A_558 = arith.index_cast %swap3A_556 : i32 to index
        %swap3A_559 = arith.index_cast %scan3A_425 : i32 to index
        %swap3A_560 = arith.constant 96 : index
        %swap3A_561 = tpu.vector_load %arg7[%swap3A_557, %swap3A_558, %swap3A_559, %swap3A_560] {strides = array<i32>} : memref<2x2x50x128xf32, #tpu.memory_space<vmem>>, vector<1x1x1x16xf32>,
        %swap3A_562 = vector.shape_cast %swap3A_561 : vector<1x1x1x16xf32> to vector<16xf32>
        %swap3A_563 = vector.shape_cast %mul3A_554 : vector<16xf32> to vector<1x1x1x16xf32>
        tpu.vector_store %arg7[%swap3A_557, %swap3A_558, %swap3A_559, %swap3A_560], %swap3A_563 {strides = array<i32>} : memref<2x2x50x128xf32, #tpu.memory_space<vmem>>, vector<1x1x1x16xf32>,
        %add3A_564 = arith.constant 0 : i32
        %add3A_565 = arith.addi %add3A_564, %scan3A_425 : i32
        %get3A_566 = arith.constant 0 : i32
        %get3A_567 = arith.index_cast %get3A_566 : i32 to index
        %get3A_568 = arith.index_cast %add3A_565 : i32 to index
        %get3A_569 = arith.constant 112 : index
        %get3A_570 = tpu.vector_load %arg6[%get3A_567, %get3A_568, %get3A_569] {strides = array<i32>} : memref<2x100x128xf32, #tpu.memory_space<vmem>>, vector<1x1x16xf32>,
        %get3A_571 = vector.shape_cast %get3A_570 : vector<1x1x16xf32> to vector<16xf32>
        %mul3A_572 = arith.constant 11.3137083 : f32
        %mul3A_573 = vector.broadcast %mul3A_572 : f32 to vector<16xf32>
        %mul3A_574 = arith.mulf %get3A_571, %mul3A_573 : vector<16xf32>
        %swap3A_575 = arith.constant 0 : i32
        %swap3A_576 = arith.constant 0 : i32
        %swap3A_577 = arith.index_cast %swap3A_575 : i32 to index
        %swap3A_578 = arith.index_cast %swap3A_576 : i32 to index
        %swap3A_579 = arith.index_cast %scan3A_425 : i32 to index
        %swap3A_580 = arith.constant 112 : index
        %swap3A_581 = tpu.vector_load %arg7[%swap3A_577, %swap3A_578, %swap3A_579, %swap3A_580] {strides = array<i32>} : memref<2x2x50x128xf32, #tpu.memory_space<vmem>>, vector<1x1x1x16xf32>,
        %swap3A_582 = vector.shape_cast %swap3A_581 : vector<1x1x1x16xf32> to vector<16xf32>
        %swap3A_583 = vector.shape_cast %mul3A_574 : vector<16xf32> to vector<1x1x1x16xf32>
        tpu.vector_store %arg7[%swap3A_577, %swap3A_578, %swap3A_579, %swap3A_580], %swap3A_583 {strides = array<i32>} : memref<2x2x50x128xf32, #tpu.memory_space<vmem>>, vector<1x1x1x16xf32>,
        %add3A_584 = arith.constant 50 : i32
        %add3A_585 = arith.addi %add3A_584, %scan3A_425 : i32
        %get3A_586 = arith.constant 0 : i32
        %get3A_587 = arith.index_cast %get3A_586 : i32 to index
        %get3A_588 = arith.index_cast %add3A_585 : i32 to index
        %get3A_589 = arith.constant 0 : index
        %get3A_590 = tpu.vector_load %arg6[%get3A_587, %get3A_588, %get3A_589] {strides = array<i32>} : memref<2x100x128xf32, #tpu.memory_space<vmem>>, vector<1x1x16xf32>,
        %get3A_591 = vector.shape_cast %get3A_590 : vector<1x1x16xf32> to vector<16xf32>
        %mul3A_592 = arith.constant 11.3137083 : f32
        %mul3A_593 = vector.broadcast %mul3A_592 : f32 to vector<16xf32>
        %mul3A_594 = arith.mulf %get3A_591, %mul3A_593 : vector<16xf32>
        %swap3A_595 = arith.constant 0 : i32
        %swap3A_596 = arith.constant 1 : i32
        %swap3A_597 = arith.index_cast %swap3A_595 : i32 to index
        %swap3A_598 = arith.index_cast %swap3A_596 : i32 to index
        %swap3A_599 = arith.index_cast %scan3A_425 : i32 to index
        %swap3A_600 = arith.constant 0 : index
        %swap3A_601 = tpu.vector_load %arg7[%swap3A_597, %swap3A_598, %swap3A_599, %swap3A_600] {strides = array<i32>} : memref<2x2x50x128xf32, #tpu.memory_space<vmem>>, vector<1x1x1x16xf32>,
        %swap3A_602 = vector.shape_cast %swap3A_601 : vector<1x1x1x16xf32> to vector<16xf32>
        %swap3A_603 = vector.shape_cast %mul3A_594 : vector<16xf32> to vector<1x1x1x16xf32>
        tpu.vector_store %arg7[%swap3A_597, %swap3A_598, %swap3A_599, %swap3A_600], %swap3A_603 {strides = array<i32>} : memref<2x2x50x128xf32, #tpu.memory_space<vmem>>, vector<1x1x1x16xf32>,
        %add3A_604 = arith.constant 50 : i32
        %add3A_605 = arith.addi %add3A_604, %scan3A_425 : i32
        %get3A_606 = arith.constant 0 : i32
        %get3A_607 = arith.index_cast %get3A_606 : i32 to index
        %get3A_608 = arith.index_cast %add3A_605 : i32 to index
        %get3A_609 = arith.constant 16 : index
        %get3A_610 = tpu.vector_load %arg6[%get3A_607, %get3A_608, %get3A_609] {strides = array<i32>} : memref<2x100x128xf32, #tpu.memory_space<vmem>>, vector<1x1x16xf32>,
        %get3A_611 = vector.shape_cast %get3A_610 : vector<1x1x16xf32> to vector<16xf32>
        %mul3A_612 = arith.constant 11.3137083 : f32
        %mul3A_613 = vector.broadcast %mul3A_612 : f32 to vector<16xf32>
        %mul3A_614 = arith.mulf %get3A_611, %mul3A_613 : vector<16xf32>
        %swap3A_615 = arith.constant 0 : i32
        %swap3A_616 = arith.constant 1 : i32
        %swap3A_617 = arith.index_cast %swap3A_615 : i32 to index
        %swap3A_618 = arith.index_cast %swap3A_616 : i32 to index
        %swap3A_619 = arith.index_cast %scan3A_425 : i32 to index
        %swap3A_620 = arith.constant 16 : index
        %swap3A_621 = tpu.vector_load %arg7[%swap3A_617, %swap3A_618, %swap3A_619, %swap3A_620] {strides = array<i32>} : memref<2x2x50x128xf32, #tpu.memory_space<vmem>>, vector<1x1x1x16xf32>,
        %swap3A_622 = vector.shape_cast %swap3A_621 : vector<1x1x1x16xf32> to vector<16xf32>
        %swap3A_623 = vector.shape_cast %mul3A_614 : vector<16xf32> to vector<1x1x1x16xf32>
        tpu.vector_store %arg7[%swap3A_617, %swap3A_618, %swap3A_619, %swap3A_620], %swap3A_623 {strides = array<i32>} : memref<2x2x50x128xf32, #tpu.memory_space<vmem>>, vector<1x1x1x16xf32>,
        %add3A_624 = arith.constant 50 : i32
        %add3A_625 = arith.addi %add3A_624, %scan3A_425 : i32
        %get3A_626 = arith.constant 0 : i32
        %get3A_627 = arith.index_cast %get3A_626 : i32 to index
        %get3A_628 = arith.index_cast %add3A_625 : i32 to index
        %get3A_629 = arith.constant 32 : index
        %get3A_630 = tpu.vector_load %arg6[%get3A_627, %get3A_628, %get3A_629] {strides = array<i32>} : memref<2x100x128xf32, #tpu.memory_space<vmem>>, vector<1x1x16xf32>,
        %get3A_631 = vector.shape_cast %get3A_630 : vector<1x1x16xf32> to vector<16xf32>
        %mul3A_632 = arith.constant 11.3137083 : f32
        %mul3A_633 = vector.broadcast %mul3A_632 : f32 to vector<16xf32>
        %mul3A_634 = arith.mulf %get3A_631, %mul3A_633 : vector<16xf32>
        %swap3A_635 = arith.constant 0 : i32
        %swap3A_636 = arith.constant 1 : i32
        %swap3A_637 = arith.index_cast %swap3A_635 : i32 to index
        %swap3A_638 = arith.index_cast %swap3A_636 : i32 to index
        %swap3A_639 = arith.index_cast %scan3A_425 : i32 to index
        %swap3A_640 = arith.constant 32 : index
        %swap3A_641 = tpu.vector_load %arg7[%swap3A_637, %swap3A_638, %swap3A_639, %swap3A_640] {strides = array<i32>} : memref<2x2x50x128xf32, #tpu.memory_space<vmem>>, vector<1x1x1x16xf32>,
        %swap3A_642 = vector.shape_cast %swap3A_641 : vector<1x1x1x16xf32> to vector<16xf32>
        %swap3A_643 = vector.shape_cast %mul3A_634 : vector<16xf32> to vector<1x1x1x16xf32>
        tpu.vector_store %arg7[%swap3A_637, %swap3A_638, %swap3A_639, %swap3A_640], %swap3A_643 {strides = array<i32>} : memref<2x2x50x128xf32, #tpu.memory_space<vmem>>, vector<1x1x1x16xf32>,
        %add3A_644 = arith.constant 50 : i32
        %add3A_645 = arith.addi %add3A_644, %scan3A_425 : i32
        %get3A_646 = arith.constant 0 : i32
        %get3A_647 = arith.index_cast %get3A_646 : i32 to index
        %get3A_648 = arith.index_cast %add3A_645 : i32 to index
        %get3A_649 = arith.constant 48 : index
        %get3A_650 = tpu.vector_load %arg6[%get3A_647, %get3A_648, %get3A_649] {strides = array<i32>} : memref<2x100x128xf32, #tpu.memory_space<vmem>>, vector<1x1x16xf32>,
        %get3A_651 = vector.shape_cast %get3A_650 : vector<1x1x16xf32> to vector<16xf32>
        %mul3A_652 = arith.constant 11.3137083 : f32
        %mul3A_653 = vector.broadcast %mul3A_652 : f32 to vector<16xf32>
        %mul3A_654 = arith.mulf %get3A_651, %mul3A_653 : vector<16xf32>
        %swap3A_655 = arith.constant 0 : i32
        %swap3A_656 = arith.constant 1 : i32
        %swap3A_657 = arith.index_cast %swap3A_655 : i32 to index
        %swap3A_658 = arith.index_cast %swap3A_656 : i32 to index
        %swap3A_659 = arith.index_cast %scan3A_425 : i32 to index
        %swap3A_660 = arith.constant 48 : index
        %swap3A_661 = tpu.vector_load %arg7[%swap3A_657, %swap3A_658, %swap3A_659, %swap3A_660] {strides = array<i32>} : memref<2x2x50x128xf32, #tpu.memory_space<vmem>>, vector<1x1x1x16xf32>,
        %swap3A_662 = vector.shape_cast %swap3A_661 : vector<1x1x1x16xf32> to vector<16xf32>
        %swap3A_663 = vector.shape_cast %mul3A_654 : vector<16xf32> to vector<1x1x1x16xf32>
        tpu.vector_store %arg7[%swap3A_657, %swap3A_658, %swap3A_659, %swap3A_660], %swap3A_663 {strides = array<i32>} : memref<2x2x50x128xf32, #tpu.memory_space<vmem>>, vector<1x1x1x16xf32>,
        %add3A_664 = arith.constant 50 : i32
        %add3A_665 = arith.addi %add3A_664, %scan3A_425 : i32
        %get3A_666 = arith.constant 0 : i32
        %get3A_667 = arith.index_cast %get3A_666 : i32 to index
        %get3A_668 = arith.index_cast %add3A_665 : i32 to index
        %get3A_669 = arith.constant 64 : index
        %get3A_670 = tpu.vector_load %arg6[%get3A_667, %get3A_668, %get3A_669] {strides = array<i32>} : memref<2x100x128xf32, #tpu.memory_space<vmem>>, vector<1x1x16xf32>,
        %get3A_671 = vector.shape_cast %get3A_670 : vector<1x1x16xf32> to vector<16xf32>
        %mul3A_672 = arith.constant 11.3137083 : f32
        %mul3A_673 = vector.broadcast %mul3A_672 : f32 to vector<16xf32>
        %mul3A_674 = arith.mulf %get3A_671, %mul3A_673 : vector<16xf32>
        %swap3A_675 = arith.constant 0 : i32
        %swap3A_676 = arith.constant 1 : i32
        %swap3A_677 = arith.index_cast %swap3A_675 : i32 to index
        %swap3A_678 = arith.index_cast %swap3A_676 : i32 to index
        %swap3A_679 = arith.index_cast %scan3A_425 : i32 to index
        %swap3A_680 = arith.constant 64 : index
        %swap3A_681 = tpu.vector_load %arg7[%swap3A_677, %swap3A_678, %swap3A_679, %swap3A_680] {strides = array<i32>} : memref<2x2x50x128xf32, #tpu.memory_space<vmem>>, vector<1x1x1x16xf32>,
        %swap3A_682 = vector.shape_cast %swap3A_681 : vector<1x1x1x16xf32> to vector<16xf32>
        %swap3A_683 = vector.shape_cast %mul3A_674 : vector<16xf32> to vector<1x1x1x16xf32>
        tpu.vector_store %arg7[%swap3A_677, %swap3A_678, %swap3A_679, %swap3A_680], %swap3A_683 {strides = array<i32>} : memref<2x2x50x128xf32, #tpu.memory_space<vmem>>, vector<1x1x1x16xf32>,
        %add3A_684 = arith.constant 50 : i32
        %add3A_685 = arith.addi %add3A_684, %scan3A_425 : i32
        %get3A_686 = arith.constant 0 : i32
        %get3A_687 = arith.index_cast %get3A_686 : i32 to index
        %get3A_688 = arith.index_cast %add3A_685 : i32 to index
        %get3A_689 = arith.constant 80 : index
        %get3A_690 = tpu.vector_load %arg6[%get3A_687, %get3A_688, %get3A_689] {strides = array<i32>} : memref<2x100x128xf32, #tpu.memory_space<vmem>>, vector<1x1x16xf32>,
        %get3A_691 = vector.shape_cast %get3A_690 : vector<1x1x16xf32> to vector<16xf32>
        %mul3A_692 = arith.constant 11.3137083 : f32
        %mul3A_693 = vector.broadcast %mul3A_692 : f32 to vector<16xf32>
        %mul3A_694 = arith.mulf %get3A_691, %mul3A_693 : vector<16xf32>
        %swap3A_695 = arith.constant 0 : i32
        %swap3A_696 = arith.constant 1 : i32
        %swap3A_697 = arith.index_cast %swap3A_695 : i32 to index
        %swap3A_698 = arith.index_cast %swap3A_696 : i32 to index
        %swap3A_699 = arith.index_cast %scan3A_425 : i32 to index
        %swap3A_700 = arith.constant 80 : index
        %swap3A_701 = tpu.vector_load %arg7[%swap3A_697, %swap3A_698, %swap3A_699, %swap3A_700] {strides = array<i32>} : memref<2x2x50x128xf32, #tpu.memory_space<vmem>>, vector<1x1x1x16xf32>,
        %swap3A_702 = vector.shape_cast %swap3A_701 : vector<1x1x1x16xf32> to vector<16xf32>
        %swap3A_703 = vector.shape_cast %mul3A_694 : vector<16xf32> to vector<1x1x1x16xf32>
        tpu.vector_store %arg7[%swap3A_697, %swap3A_698, %swap3A_699, %swap3A_700], %swap3A_703 {strides = array<i32>} : memref<2x2x50x128xf32, #tpu.memory_space<vmem>>, vector<1x1x1x16xf32>,
        %add3A_704 = arith.constant 50 : i32
        %add3A_705 = arith.addi %add3A_704, %scan3A_425 : i32
        %get3A_706 = arith.constant 0 : i32
        %get3A_707 = arith.index_cast %get3A_706 : i32 to index
        %get3A_708 = arith.index_cast %add3A_705 : i32 to index
        %get3A_709 = arith.constant 96 : index
        %get3A_710 = tpu.vector_load %arg6[%get3A_707, %get3A_708, %get3A_709] {strides = array<i32>} : memref<2x100x128xf32, #tpu.memory_space<vmem>>, vector<1x1x16xf32>,
        %get3A_711 = vector.shape_cast %get3A_710 : vector<1x1x16xf32> to vector<16xf32>
        %mul3A_712 = arith.constant 11.3137083 : f32
        %mul3A_713 = vector.broadcast %mul3A_712 : f32 to vector<16xf32>
        %mul3A_714 = arith.mulf %get3A_711, %mul3A_713 : vector<16xf32>
        %swap3A_715 = arith.constant 0 : i32
        %swap3A_716 = arith.constant 1 : i32
        %swap3A_717 = arith.index_cast %swap3A_715 : i32 to index
        %swap3A_718 = arith.index_cast %swap3A_716 : i32 to index
        %swap3A_719 = arith.index_cast %scan3A_425 : i32 to index
        %swap3A_720 = arith.constant 96 : index
        %swap3A_721 = tpu.vector_load %arg7[%swap3A_717, %swap3A_718, %swap3A_719, %swap3A_720] {strides = array<i32>} : memref<2x2x50x128xf32, #tpu.memory_space<vmem>>, vector<1x1x1x16xf32>,
        %swap3A_722 = vector.shape_cast %swap3A_721 : vector<1x1x1x16xf32> to vector<16xf32>
        %swap3A_723 = vector.shape_cast %mul3A_714 : vector<16xf32> to vector<1x1x1x16xf32>
        tpu.vector_store %arg7[%swap3A_717, %swap3A_718, %swap3A_719, %swap3A_720], %swap3A_723 {strides = array<i32>} : memref<2x2x50x128xf32, #tpu.memory_space<vmem>>, vector<1x1x1x16xf32>,
        %add3A_724 = arith.constant 50 : i32
        %add3A_725 = arith.addi %add3A_724, %scan3A_425 : i32
        %get3A_726 = arith.constant 0 : i32
        %get3A_727 = arith.index_cast %get3A_726 : i32 to index
        %get3A_728 = arith.index_cast %add3A_725 : i32 to index
        %get3A_729 = arith.constant 112 : index
        %get3A_730 = tpu.vector_load %arg6[%get3A_727, %get3A_728, %get3A_729] {strides = array<i32>} : memref<2x100x128xf32, #tpu.memory_space<vmem>>, vector<1x1x16xf32>,
        %get3A_731 = vector.shape_cast %get3A_730 : vector<1x1x16xf32> to vector<16xf32>
        %mul3A_732 = arith.constant 11.3137083 : f32
        %mul3A_733 = vector.broadcast %mul3A_732 : f32 to vector<16xf32>
        %mul3A_734 = arith.mulf %get3A_731, %mul3A_733 : vector<16xf32>
        %swap3A_735 = arith.constant 0 : i32
        %swap3A_736 = arith.constant 1 : i32
        %swap3A_737 = arith.index_cast %swap3A_735 : i32 to index
        %swap3A_738 = arith.index_cast %swap3A_736 : i32 to index
        %swap3A_739 = arith.index_cast %scan3A_425 : i32 to index
        %swap3A_740 = arith.constant 112 : index
        %swap3A_741 = tpu.vector_load %arg7[%swap3A_737, %swap3A_738, %swap3A_739, %swap3A_740] {strides = array<i32>} : memref<2x2x50x128xf32, #tpu.memory_space<vmem>>, vector<1x1x1x16xf32>,
        %swap3A_742 = vector.shape_cast %swap3A_741 : vector<1x1x1x16xf32> to vector<16xf32>
        %swap3A_743 = vector.shape_cast %mul3A_734 : vector<16xf32> to vector<1x1x1x16xf32>
        tpu.vector_store %arg7[%swap3A_737, %swap3A_738, %swap3A_739, %swap3A_740], %swap3A_743 {strides = array<i32>} : memref<2x2x50x128xf32, #tpu.memory_space<vmem>>, vector<1x1x1x16xf32>,
      }
      %scan3A_318 = arith.constant 50 : i32
      %mul3A_319 = arith.constant 2 : i32
      %mul3A_320 = arith.muli %add3A_282, %mul3A_319 : i32
      %add3A_321 = arith.addi %mul3A_2, %mul3A_320 : i32
      %dma_start3A_322 = arith.constant 0 : i32
      %dma_start3A_323 = arith.constant 0 : i32
      %dma_start3A_324 = arith.constant 0 : i32
      %dma_start3A_325 = arith.constant 0 : i32
      %dma_start3A_326 = tpu.memref_slice %arg7[%dma_start3A_322, %dma_start3A_323, %dma_start3A_324, %dma_start3A_325] : memref<2x2x50x128xf32, #tpu.memory_space<vmem>> -> memref<1x2x50x128xf32, #tpu.memory_space<vmem>>
      %dma_start3A_327 = tpu.memref_squeeze %dma_start3A_326 : memref<1x2x50x128xf32, #tpu.memory_space<vmem>> -> memref<2x50x128xf32, #tpu.memory_space<vmem>>
      %dma_start3A_328 = arith.constant 0 : i32
      %dma_start3A_329 = arith.constant 0 : i32
      %dma_start3A_330 = tpu.memref_slice %arg4[%add3A_321, %dma_start3A_328, %dma_start3A_329] : memref<4096x56x128xf32, #tpu.memory_space<hbm>> -> memref<2x50x128xf32, #tpu.memory_space<hbm>>
      %dma_start3A_331 = arith.constant 0 : i32
      %dma_start3A_332 = arith.constant 0 : i32
      %dma_start3A_333 = tpu.memref_slice %arg4[%add3A_321, %dma_start3A_331, %dma_start3A_332] : memref<4096x56x128xf32, #tpu.memory_space<hbm>> -> memref<2x50x128xf32, #tpu.memory_space<hbm>>
      %dma_start3A_334 = arith.constant 0 : i32
      %dma_start3A_335 = arith.constant 0 : i32
      %dma_start3A_336 = arith.constant 0 : i32
      %dma_start3A_337 = tpu.memref_slice %arg7[%dma_start3A_322, %dma_start3A_334, %dma_start3A_335, %dma_start3A_336] : memref<2x2x50x128xf32, #tpu.memory_space<vmem>> -> memref<1x2x50x128xf32, #tpu.memory_space<vmem>>
      %dma_start3A_338 = tpu.memref_squeeze %dma_start3A_337 : memref<1x2x50x128xf32, #tpu.memory_space<vmem>> -> memref<2x50x128xf32, #tpu.memory_space<vmem>>
      tpu.enqueue_dma source(%dma_start3A_338 : memref<2x50x128xf32, #tpu.memory_space<vmem>>) target(%dma_start3A_333 : memref<2x50x128xf32, #tpu.memory_space<hbm>>) target_semaphore(%arg10 : memref<!tpu.dma_semaphore, #tpu.memory_space<semaphore_mem>>)
      %add3A_339 = arith.constant 2 : i32
      %add3A_340 = arith.addi %add3A_282, %add3A_339 : i32
      %dma_start3A_341 = arith.constant 0 : i32
      %dma_start3A_342 = arith.constant 0 : i32
      %dma_start3A_343 = arith.constant 0 : i32
      %dma_start3A_344 = tpu.memref_slice %arg6[%dma_start3A_341, %dma_start3A_342, %dma_start3A_343] : memref<2x100x128xf32, #tpu.memory_space<vmem>> -> memref<1x100x128xf32, #tpu.memory_space<vmem>>
      %dma_start3A_345 = tpu.memref_squeeze %dma_start3A_344 : memref<1x100x128xf32, #tpu.memory_space<vmem>> -> memref<100x128xf32, #tpu.memory_space<vmem>>
      %dma_start3A_346 = arith.constant 0 : i32
      %dma_start3A_347 = tpu.memref_slice %arg5[%add3A_340, %dma_start3A_346] : memref<64x100xi32, #tpu.memory_space<vmem>> -> memref<1x100xi32, #tpu.memory_space<vmem>>
      %dma_start3A_348 = tpu.memref_squeeze %dma_start3A_347 : memref<1x100xi32, #tpu.memory_space<vmem>> -> memref<100xi32, #tpu.memory_space<vmem>>
      %dma_start3A_349 = arith.constant 0 : i32
      %dma_start3A_350 = arith.constant 0 : i32
      %dma_start3A_351 = tpu.memref_slice %arg3[%dma_start3A_349, %dma_start3A_350] : memref<100000x128xf32, #tpu.memory_space<hbm>> -> memref<100000x128xf32, #tpu.memory_space<hbm>>
      tpu.enqueue_indirect_dma source(%dma_start3A_351 : memref<100000x128xf32, #tpu.memory_space<hbm>>) target(%dma_start3A_345 : memref<100x128xf32, #tpu.memory_space<vmem>>) offsets(%dma_start3A_348 : memref<100xi32, #tpu.memory_space<vmem>>) semaphore(%arg8 : memref<!tpu.dma_semaphore, #tpu.memory_space<semaphore_mem>>)
      %mul3A_352 = arith.constant 2 : i32
      %mul3A_353 = arith.muli %mul3A_352, %scan3A_278 : i32
      %add3A_354 = arith.constant 1 : i32
      %add3A_355 = arith.addi %mul3A_353, %add3A_354 : i32
      %dma_wait3A_356 = arith.constant 1 : i32
      %dma_wait3A_357 = arith.constant 0 : i32
      %dma_wait3A_358 = arith.constant 0 : i32
      %dma_wait3A_359 = tpu.memref_slice %arg6[%dma_wait3A_356, %dma_wait3A_357, %dma_wait3A_358] : memref<2x100x128xf32, #tpu.memory_space<vmem>> -> memref<1x100x128xf32, #tpu.memory_space<vmem>>
      %dma_wait3A_360 = tpu.memref_squeeze %dma_wait3A_359 : memref<1x100x128xf32, #tpu.memory_space<vmem>> -> memref<100x128xf32, #tpu.memory_space<vmem>>
      %dma_wait3A_361 = arith.constant 0 : i32
      %dma_wait3A_362 = tpu.memref_slice %arg5[%add3A_355, %dma_wait3A_361] : memref<64x100xi32, #tpu.memory_space<vmem>> -> memref<1x100xi32, #tpu.memory_space<vmem>>
      %dma_wait3A_363 = tpu.memref_squeeze %dma_wait3A_362 : memref<1x100xi32, #tpu.memory_space<vmem>> -> memref<100xi32, #tpu.memory_space<vmem>>
      %dma_wait3A_364 = arith.constant 0 : i32
      %dma_wait3A_365 = arith.constant 0 : i32
      %dma_wait3A_366 = tpu.memref_slice %arg3[%dma_wait3A_364, %dma_wait3A_365] : memref<100000x128xf32, #tpu.memory_space<hbm>> -> memref<100000x128xf32, #tpu.memory_space<hbm>>
      tpu.wait_indirect_dma semaphore(%arg9 : memref<!tpu.dma_semaphore, #tpu.memory_space<semaphore_mem>>) src(%dma_wait3A_366 : memref<100000x128xf32, #tpu.memory_space<hbm>>) dst(%dma_wait3A_360 : memref<100x128xf32, #tpu.memory_space<vmem>>)
      %dma_wait3A_367 = arith.constant 1 : i32
      %dma_wait3A_368 = arith.constant 0 : i32
      %dma_wait3A_369 = arith.constant 0 : i32
      %dma_wait3A_370 = arith.constant 0 : i32
      %dma_wait3A_371 = tpu.memref_slice %arg7[%dma_wait3A_367, %dma_wait3A_368, %dma_wait3A_369, %dma_wait3A_370] : memref<2x2x50x128xf32, #tpu.memory_space<vmem>> -> memref<1x2x50x128xf32, #tpu.memory_space<vmem>>
      %dma_wait3A_372 = tpu.memref_squeeze %dma_wait3A_371 : memref<1x2x50x128xf32, #tpu.memory_space<vmem>> -> memref<2x50x128xf32, #tpu.memory_space<vmem>>
      %dma_wait3A_373 = arith.constant 0 : i32
      %dma_wait3A_374 = arith.constant 0 : i32
      %dma_wait3A_375 = arith.constant 0 : i32
      %dma_wait3A_376 = tpu.memref_slice %arg4[%dma_wait3A_373, %dma_wait3A_374, %dma_wait3A_375] : memref<4096x56x128xf32, #tpu.memory_space<hbm>> -> memref<2x50x128xf32, #tpu.memory_space<hbm>>
      %dma_wait3A_377 = arith.constant 0 : i32
      %dma_wait3A_378 = arith.constant 0 : i32
      %dma_wait3A_379 = arith.constant 0 : i32
      %dma_wait3A_380 = tpu.memref_slice %arg4[%dma_wait3A_377, %dma_wait3A_378, %dma_wait3A_379] : memref<4096x56x128xf32, #tpu.memory_space<hbm>> -> memref<2x50x128xf32, #tpu.memory_space<hbm>>
      %dma_wait3A_381 = arith.constant 0 : i32
      %dma_wait3A_382 = arith.constant 0 : i32
      %dma_wait3A_383 = arith.constant 0 : i32
      %dma_wait3A_384 = tpu.memref_slice %arg7[%dma_wait3A_367, %dma_wait3A_381, %dma_wait3A_382, %dma_wait3A_383] : memref<2x2x50x128xf32, #tpu.memory_space<vmem>> -> memref<1x2x50x128xf32, #tpu.memory_space<vmem>>
      %dma_wait3A_385 = tpu.memref_squeeze %dma_wait3A_384 : memref<1x2x50x128xf32, #tpu.memory_space<vmem>> -> memref<2x50x128xf32, #tpu.memory_space<vmem>>
      tpu.wait_dma2 semaphore(%arg11 : memref<!tpu.dma_semaphore, #tpu.memory_space<semaphore_mem>>) src(%dma_wait3A_385 : memref<2x50x128xf32, #tpu.memory_space<vmem>>) dst(%dma_wait3A_380 : memref<2x50x128xf32, #tpu.memory_space<hbm>>)
      %scan3A_386 = arith.constant 0 : i32
      %scan3A_387 = arith.constant 0 : i32
      %scan3A_388 = arith.constant 50 : i32
      %scan3A_389 = arith.addi %scan3A_387, %scan3A_388 : i32
      %scan3A_390 = arith.constant 1 : i32
      scf.for %scan3A_425 = %scan3A_387 to %scan3A_389 step %scan3A_390  : i32 {
        %add3A_426 = arith.constant 0 : i32
        %add3A_427 = arith.addi %add3A_426, %scan3A_425 : i32
        %get3A = arith.constant 1 : i32
        %get3A_428 = arith.index_cast %get3A : i32 to index
        %get3A_429 = arith.index_cast %add3A_427 : i32 to index
        %get3A_430 = arith.constant 0 : index
        %get3A_431 = tpu.vector_load %arg6[%get3A_428, %get3A_429, %get3A_430] {strides = array<i32>} : memref<2x100x128xf32, #tpu.memory_space<vmem>>, vector<1x1x16xf32>,
        %get3A_432 = vector.shape_cast %get3A_431 : vector<1x1x16xf32> to vector<16xf32>
        %mul3A_433 = arith.constant 11.3137083 : f32
        %mul3A_434 = vector.broadcast %mul3A_433 : f32 to vector<16xf32>
        %mul3A_435 = arith.mulf %get3A_432, %mul3A_434 : vector<16xf32>
        %swap3A = arith.constant 1 : i32
        %swap3A_436 = arith.constant 0 : i32
        %swap3A_437 = arith.index_cast %swap3A : i32 to index
        %swap3A_438 = arith.index_cast %swap3A_436 : i32 to index
        %swap3A_439 = arith.index_cast %scan3A_425 : i32 to index
        %swap3A_440 = arith.constant 0 : index
        %swap3A_441 = tpu.vector_load %arg7[%swap3A_437, %swap3A_438, %swap3A_439, %swap3A_440] {strides = array<i32>} : memref<2x2x50x128xf32, #tpu.memory_space<vmem>>, vector<1x1x1x16xf32>,
        %swap3A_442 = vector.shape_cast %swap3A_441 : vector<1x1x1x16xf32> to vector<16xf32>
        %swap3A_443 = vector.shape_cast %mul3A_435 : vector<16xf32> to vector<1x1x1x16xf32>
        tpu.vector_store %arg7[%swap3A_437, %swap3A_438, %swap3A_439, %swap3A_440], %swap3A_443 {strides = array<i32>} : memref<2x2x50x128xf32, #tpu.memory_space<vmem>>, vector<1x1x1x16xf32>,
        %add3A_444 = arith.constant 0 : i32
        %add3A_445 = arith.addi %add3A_444, %scan3A_425 : i32
        %get3A_446 = arith.constant 1 : i32
        %get3A_447 = arith.index_cast %get3A_446 : i32 to index
        %get3A_448 = arith.index_cast %add3A_445 : i32 to index
        %get3A_449 = arith.constant 16 : index
        %get3A_450 = tpu.vector_load %arg6[%get3A_447, %get3A_448, %get3A_449] {strides = array<i32>} : memref<2x100x128xf32, #tpu.memory_space<vmem>>, vector<1x1x16xf32>,
        %get3A_451 = vector.shape_cast %get3A_450 : vector<1x1x16xf32> to vector<16xf32>
        %mul3A_452 = arith.constant 11.3137083 : f32
        %mul3A_453 = vector.broadcast %mul3A_452 : f32 to vector<16xf32>
        %mul3A_454 = arith.mulf %get3A_451, %mul3A_453 : vector<16xf32>
        %swap3A_455 = arith.constant 1 : i32
        %swap3A_456 = arith.constant 0 : i32
        %swap3A_457 = arith.index_cast %swap3A_455 : i32 to index
        %swap3A_458 = arith.index_cast %swap3A_456 : i32 to index
        %swap3A_459 = arith.index_cast %scan3A_425 : i32 to index
        %swap3A_460 = arith.constant 16 : index
        %swap3A_461 = tpu.vector_load %arg7[%swap3A_457, %swap3A_458, %swap3A_459, %swap3A_460] {strides = array<i32>} : memref<2x2x50x128xf32, #tpu.memory_space<vmem>>, vector<1x1x1x16xf32>,
        %swap3A_462 = vector.shape_cast %swap3A_461 : vector<1x1x1x16xf32> to vector<16xf32>
        %swap3A_463 = vector.shape_cast %mul3A_454 : vector<16xf32> to vector<1x1x1x16xf32>
        tpu.vector_store %arg7[%swap3A_457, %swap3A_458, %swap3A_459, %swap3A_460], %swap3A_463 {strides = array<i32>} : memref<2x2x50x128xf32, #tpu.memory_space<vmem>>, vector<1x1x1x16xf32>,
        %add3A_464 = arith.constant 0 : i32
        %add3A_465 = arith.addi %add3A_464, %scan3A_425 : i32
        %get3A_466 = arith.constant 1 : i32
        %get3A_467 = arith.index_cast %get3A_466 : i32 to index
        %get3A_468 = arith.index_cast %add3A_465 : i32 to index
        %get3A_469 = arith.constant 32 : index
        %get3A_470 = tpu.vector_load %arg6[%get3A_467, %get3A_468, %get3A_469] {strides = array<i32>} : memref<2x100x128xf32, #tpu.memory_space<vmem>>, vector<1x1x16xf32>,
        %get3A_471 = vector.shape_cast %get3A_470 : vector<1x1x16xf32> to vector<16xf32>
        %mul3A_472 = arith.constant 11.3137083 : f32
        %mul3A_473 = vector.broadcast %mul3A_472 : f32 to vector<16xf32>
        %mul3A_474 = arith.mulf %get3A_471, %mul3A_473 : vector<16xf32>
        %swap3A_475 = arith.constant 1 : i32
        %swap3A_476 = arith.constant 0 : i32
        %swap3A_477 = arith.index_cast %swap3A_475 : i32 to index
        %swap3A_478 = arith.index_cast %swap3A_476 : i32 to index
        %swap3A_479 = arith.index_cast %scan3A_425 : i32 to index
        %swap3A_480 = arith.constant 32 : index
        %swap3A_481 = tpu.vector_load %arg7[%swap3A_477, %swap3A_478, %swap3A_479, %swap3A_480] {strides = array<i32>} : memref<2x2x50x128xf32, #tpu.memory_space<vmem>>, vector<1x1x1x16xf32>,
        %swap3A_482 = vector.shape_cast %swap3A_481 : vector<1x1x1x16xf32> to vector<16xf32>
        %swap3A_483 = vector.shape_cast %mul3A_474 : vector<16xf32> to vector<1x1x1x16xf32>
        tpu.vector_store %arg7[%swap3A_477, %swap3A_478, %swap3A_479, %swap3A_480], %swap3A_483 {strides = array<i32>} : memref<2x2x50x128xf32, #tpu.memory_space<vmem>>, vector<1x1x1x16xf32>,
        %add3A_484 = arith.constant 0 : i32
        %add3A_485 = arith.addi %add3A_484, %scan3A_425 : i32
        %get3A_486 = arith.constant 1 : i32
        %get3A_487 = arith.index_cast %get3A_486 : i32 to index
        %get3A_488 = arith.index_cast %add3A_485 : i32 to index
        %get3A_489 = arith.constant 48 : index
        %get3A_490 = tpu.vector_load %arg6[%get3A_487, %get3A_488, %get3A_489] {strides = array<i32>} : memref<2x100x128xf32, #tpu.memory_space<vmem>>, vector<1x1x16xf32>,
        %get3A_491 = vector.shape_cast %get3A_490 : vector<1x1x16xf32> to vector<16xf32>
        %mul3A_492 = arith.constant 11.3137083 : f32
        %mul3A_493 = vector.broadcast %mul3A_492 : f32 to vector<16xf32>
        %mul3A_494 = arith.mulf %get3A_491, %mul3A_493 : vector<16xf32>
        %swap3A_495 = arith.constant 1 : i32
        %swap3A_496 = arith.constant 0 : i32
        %swap3A_497 = arith.index_cast %swap3A_495 : i32 to index
        %swap3A_498 = arith.index_cast %swap3A_496 : i32 to index
        %swap3A_499 = arith.index_cast %scan3A_425 : i32 to index
        %swap3A_500 = arith.constant 48 : index
        %swap3A_501 = tpu.vector_load %arg7[%swap3A_497, %swap3A_498, %swap3A_499, %swap3A_500] {strides = array<i32>} : memref<2x2x50x128xf32, #tpu.memory_space<vmem>>, vector<1x1x1x16xf32>,
        %swap3A_502 = vector.shape_cast %swap3A_501 : vector<1x1x1x16xf32> to vector<16xf32>
        %swap3A_503 = vector.shape_cast %mul3A_494 : vector<16xf32> to vector<1x1x1x16xf32>
        tpu.vector_store %arg7[%swap3A_497, %swap3A_498, %swap3A_499, %swap3A_500], %swap3A_503 {strides = array<i32>} : memref<2x2x50x128xf32, #tpu.memory_space<vmem>>, vector<1x1x1x16xf32>,
        %add3A_504 = arith.constant 0 : i32
        %add3A_505 = arith.addi %add3A_504, %scan3A_425 : i32
        %get3A_506 = arith.constant 1 : i32
        %get3A_507 = arith.index_cast %get3A_506 : i32 to index
        %get3A_508 = arith.index_cast %add3A_505 : i32 to index
        %get3A_509 = arith.constant 64 : index
        %get3A_510 = tpu.vector_load %arg6[%get3A_507, %get3A_508, %get3A_509] {strides = array<i32>} : memref<2x100x128xf32, #tpu.memory_space<vmem>>, vector<1x1x16xf32>,
        %get3A_511 = vector.shape_cast %get3A_510 : vector<1x1x16xf32> to vector<16xf32>
        %mul3A_512 = arith.constant 11.3137083 : f32
        %mul3A_513 = vector.broadcast %mul3A_512 : f32 to vector<16xf32>
        %mul3A_514 = arith.mulf %get3A_511, %mul3A_513 : vector<16xf32>
        %swap3A_515 = arith.constant 1 : i32
        %swap3A_516 = arith.constant 0 : i32
        %swap3A_517 = arith.index_cast %swap3A_515 : i32 to index
        %swap3A_518 = arith.index_cast %swap3A_516 : i32 to index
        %swap3A_519 = arith.index_cast %scan3A_425 : i32 to index
        %swap3A_520 = arith.constant 64 : index
        %swap3A_521 = tpu.vector_load %arg7[%swap3A_517, %swap3A_518, %swap3A_519, %swap3A_520] {strides = array<i32>} : memref<2x2x50x128xf32, #tpu.memory_space<vmem>>, vector<1x1x1x16xf32>,
        %swap3A_522 = vector.shape_cast %swap3A_521 : vector<1x1x1x16xf32> to vector<16xf32>
        %swap3A_523 = vector.shape_cast %mul3A_514 : vector<16xf32> to vector<1x1x1x16xf32>
        tpu.vector_store %arg7[%swap3A_517, %swap3A_518, %swap3A_519, %swap3A_520], %swap3A_523 {strides = array<i32>} : memref<2x2x50x128xf32, #tpu.memory_space<vmem>>, vector<1x1x1x16xf32>,
        %add3A_524 = arith.constant 0 : i32
        %add3A_525 = arith.addi %add3A_524, %scan3A_425 : i32
        %get3A_526 = arith.constant 1 : i32
        %get3A_527 = arith.index_cast %get3A_526 : i32 to index
        %get3A_528 = arith.index_cast %add3A_525 : i32 to index
        %get3A_529 = arith.constant 80 : index
        %get3A_530 = tpu.vector_load %arg6[%get3A_527, %get3A_528, %get3A_529] {strides = array<i32>} : memref<2x100x128xf32, #tpu.memory_space<vmem>>, vector<1x1x16xf32>,
        %get3A_531 = vector.shape_cast %get3A_530 : vector<1x1x16xf32> to vector<16xf32>
        %mul3A_532 = arith.constant 11.3137083 : f32
        %mul3A_533 = vector.broadcast %mul3A_532 : f32 to vector<16xf32>
        %mul3A_534 = arith.mulf %get3A_531, %mul3A_533 : vector<16xf32>
        %swap3A_535 = arith.constant 1 : i32
        %swap3A_536 = arith.constant 0 : i32
        %swap3A_537 = arith.index_cast %swap3A_535 : i32 to index
        %swap3A_538 = arith.index_cast %swap3A_536 : i32 to index
        %swap3A_539 = arith.index_cast %scan3A_425 : i32 to index
        %swap3A_540 = arith.constant 80 : index
        %swap3A_541 = tpu.vector_load %arg7[%swap3A_537, %swap3A_538, %swap3A_539, %swap3A_540] {strides = array<i32>} : memref<2x2x50x128xf32, #tpu.memory_space<vmem>>, vector<1x1x1x16xf32>,
        %swap3A_542 = vector.shape_cast %swap3A_541 : vector<1x1x1x16xf32> to vector<16xf32>
        %swap3A_543 = vector.shape_cast %mul3A_534 : vector<16xf32> to vector<1x1x1x16xf32>
        tpu.vector_store %arg7[%swap3A_537, %swap3A_538, %swap3A_539, %swap3A_540], %swap3A_543 {strides = array<i32>} : memref<2x2x50x128xf32, #tpu.memory_space<vmem>>, vector<1x1x1x16xf32>,
        %add3A_544 = arith.constant 0 : i32
        %add3A_545 = arith.addi %add3A_544, %scan3A_425 : i32
        %get3A_546 = arith.constant 1 : i32
        %get3A_547 = arith.index_cast %get3A_546 : i32 to index
        %get3A_548 = arith.index_cast %add3A_545 : i32 to index
        %get3A_549 = arith.constant 96 : index
        %get3A_550 = tpu.vector_load %arg6[%get3A_547, %get3A_548, %get3A_549] {strides = array<i32>} : memref<2x100x128xf32, #tpu.memory_space<vmem>>, vector<1x1x16xf32>,
        %get3A_551 = vector.shape_cast %get3A_550 : vector<1x1x16xf32> to vector<16xf32>
        %mul3A_552 = arith.constant 11.3137083 : f32
        %mul3A_553 = vector.broadcast %mul3A_552 : f32 to vector<16xf32>
        %mul3A_554 = arith.mulf %get3A_551, %mul3A_553 : vector<16xf32>
        %swap3A_555 = arith.constant 1 : i32
        %swap3A_556 = arith.constant 0 : i32
        %swap3A_557 = arith.index_cast %swap3A_555 : i32 to index
        %swap3A_558 = arith.index_cast %swap3A_556 : i32 to index
        %swap3A_559 = arith.index_cast %scan3A_425 : i32 to index
        %swap3A_560 = arith.constant 96 : index
        %swap3A_561 = tpu.vector_load %arg7[%swap3A_557, %swap3A_558, %swap3A_559, %swap3A_560] {strides = array<i32>} : memref<2x2x50x128xf32, #tpu.memory_space<vmem>>, vector<1x1x1x16xf32>,
        %swap3A_562 = vector.shape_cast %swap3A_561 : vector<1x1x1x16xf32> to vector<16xf32>
        %swap3A_563 = vector.shape_cast %mul3A_554 : vector<16xf32> to vector<1x1x1x16xf32>
        tpu.vector_store %arg7[%swap3A_557, %swap3A_558, %swap3A_559, %swap3A_560], %swap3A_563 {strides = array<i32>} : memref<2x2x50x128xf32, #tpu.memory_space<vmem>>, vector<1x1x1x16xf32>,
        %add3A_564 = arith.constant 0 : i32
        %add3A_565 = arith.addi %add3A_564, %scan3A_425 : i32
        %get3A_566 = arith.constant 1 : i32
        %get3A_567 = arith.index_cast %get3A_566 : i32 to index
        %get3A_568 = arith.index_cast %add3A_565 : i32 to index
        %get3A_569 = arith.constant 112 : index
        %get3A_570 = tpu.vector_load %arg6[%get3A_567, %get3A_568, %get3A_569] {strides = array<i32>} : memref<2x100x128xf32, #tpu.memory_space<vmem>>, vector<1x1x16xf32>,
        %get3A_571 = vector.shape_cast %get3A_570 : vector<1x1x16xf32> to vector<16xf32>
        %mul3A_572 = arith.constant 11.3137083 : f32
        %mul3A_573 = vector.broadcast %mul3A_572 : f32 to vector<16xf32>
        %mul3A_574 = arith.mulf %get3A_571, %mul3A_573 : vector<16xf32>
        %swap3A_575 = arith.constant 1 : i32
        %swap3A_576 = arith.constant 0 : i32
        %swap3A_577 = arith.index_cast %swap3A_575 : i32 to index
        %swap3A_578 = arith.index_cast %swap3A_576 : i32 to index
        %swap3A_579 = arith.index_cast %scan3A_425 : i32 to index
        %swap3A_580 = arith.constant 112 : index
        %swap3A_581 = tpu.vector_load %arg7[%swap3A_577, %swap3A_578, %swap3A_579, %swap3A_580] {strides = array<i32>} : memref<2x2x50x128xf32, #tpu.memory_space<vmem>>, vector<1x1x1x16xf32>,
        %swap3A_582 = vector.shape_cast %swap3A_581 : vector<1x1x1x16xf32> to vector<16xf32>
        %swap3A_583 = vector.shape_cast %mul3A_574 : vector<16xf32> to vector<1x1x1x16xf32>
        tpu.vector_store %arg7[%swap3A_577, %swap3A_578, %swap3A_579, %swap3A_580], %swap3A_583 {strides = array<i32>} : memref<2x2x50x128xf32, #tpu.memory_space<vmem>>, vector<1x1x1x16xf32>,
        %add3A_584 = arith.constant 50 : i32
        %add3A_585 = arith.addi %add3A_584, %scan3A_425 : i32
        %get3A_586 = arith.constant 1 : i32
        %get3A_587 = arith.index_cast %get3A_586 : i32 to index
        %get3A_588 = arith.index_cast %add3A_585 : i32 to index
        %get3A_589 = arith.constant 0 : index
        %get3A_590 = tpu.vector_load %arg6[%get3A_587, %get3A_588, %get3A_589] {strides = array<i32>} : memref<2x100x128xf32, #tpu.memory_space<vmem>>, vector<1x1x16xf32>,
        %get3A_591 = vector.shape_cast %get3A_590 : vector<1x1x16xf32> to vector<16xf32>
        %mul3A_592 = arith.constant 11.3137083 : f32
        %mul3A_593 = vector.broadcast %mul3A_592 : f32 to vector<16xf32>
        %mul3A_594 = arith.mulf %get3A_591, %mul3A_593 : vector<16xf32>
        %swap3A_595 = arith.constant 1 : i32
        %swap3A_596 = arith.constant 1 : i32
        %swap3A_597 = arith.index_cast %swap3A_595 : i32 to index
        %swap3A_598 = arith.index_cast %swap3A_596 : i32 to index
        %swap3A_599 = arith.index_cast %scan3A_425 : i32 to index
        %swap3A_600 = arith.constant 0 : index
        %swap3A_601 = tpu.vector_load %arg7[%swap3A_597, %swap3A_598, %swap3A_599, %swap3A_600] {strides = array<i32>} : memref<2x2x50x128xf32, #tpu.memory_space<vmem>>, vector<1x1x1x16xf32>,
        %swap3A_602 = vector.shape_cast %swap3A_601 : vector<1x1x1x16xf32> to vector<16xf32>
        %swap3A_603 = vector.shape_cast %mul3A_594 : vector<16xf32> to vector<1x1x1x16xf32>
        tpu.vector_store %arg7[%swap3A_597, %swap3A_598, %swap3A_599, %swap3A_600], %swap3A_603 {strides = array<i32>} : memref<2x2x50x128xf32, #tpu.memory_space<vmem>>, vector<1x1x1x16xf32>,
        %add3A_604 = arith.constant 50 : i32
        %add3A_605 = arith.addi %add3A_604, %scan3A_425 : i32
        %get3A_606 = arith.constant 1 : i32
        %get3A_607 = arith.index_cast %get3A_606 : i32 to index
        %get3A_608 = arith.index_cast %add3A_605 : i32 to index
        %get3A_609 = arith.constant 16 : index
        %get3A_610 = tpu.vector_load %arg6[%get3A_607, %get3A_608, %get3A_609] {strides = array<i32>} : memref<2x100x128xf32, #tpu.memory_space<vmem>>, vector<1x1x16xf32>,
        %get3A_611 = vector.shape_cast %get3A_610 : vector<1x1x16xf32> to vector<16xf32>
        %mul3A_612 = arith.constant 11.3137083 : f32
        %mul3A_613 = vector.broadcast %mul3A_612 : f32 to vector<16xf32>
        %mul3A_614 = arith.mulf %get3A_611, %mul3A_613 : vector<16xf32>
        %swap3A_615 = arith.constant 1 : i32
        %swap3A_616 = arith.constant 1 : i32
        %swap3A_617 = arith.index_cast %swap3A_615 : i32 to index
        %swap3A_618 = arith.index_cast %swap3A_616 : i32 to index
        %swap3A_619 = arith.index_cast %scan3A_425 : i32 to index
        %swap3A_620 = arith.constant 16 : index
        %swap3A_621 = tpu.vector_load %arg7[%swap3A_617, %swap3A_618, %swap3A_619, %swap3A_620] {strides = array<i32>} : memref<2x2x50x128xf32, #tpu.memory_space<vmem>>, vector<1x1x1x16xf32>,
        %swap3A_622 = vector.shape_cast %swap3A_621 : vector<1x1x1x16xf32> to vector<16xf32>
        %swap3A_623 = vector.shape_cast %mul3A_614 : vector<16xf32> to vector<1x1x1x16xf32>
        tpu.vector_store %arg7[%swap3A_617, %swap3A_618, %swap3A_619, %swap3A_620], %swap3A_623 {strides = array<i32>} : memref<2x2x50x128xf32, #tpu.memory_space<vmem>>, vector<1x1x1x16xf32>,
        %add3A_624 = arith.constant 50 : i32
        %add3A_625 = arith.addi %add3A_624, %scan3A_425 : i32
        %get3A_626 = arith.constant 1 : i32
        %get3A_627 = arith.index_cast %get3A_626 : i32 to index
        %get3A_628 = arith.index_cast %add3A_625 : i32 to index
        %get3A_629 = arith.constant 32 : index
        %get3A_630 = tpu.vector_load %arg6[%get3A_627, %get3A_628, %get3A_629] {strides = array<i32>} : memref<2x100x128xf32, #tpu.memory_space<vmem>>, vector<1x1x16xf32>,
        %get3A_631 = vector.shape_cast %get3A_630 : vector<1x1x16xf32> to vector<16xf32>
        %mul3A_632 = arith.constant 11.3137083 : f32
        %mul3A_633 = vector.broadcast %mul3A_632 : f32 to vector<16xf32>
        %mul3A_634 = arith.mulf %get3A_631, %mul3A_633 : vector<16xf32>
        %swap3A_635 = arith.constant 1 : i32
        %swap3A_636 = arith.constant 1 : i32
        %swap3A_637 = arith.index_cast %swap3A_635 : i32 to index
        %swap3A_638 = arith.index_cast %swap3A_636 : i32 to index
        %swap3A_639 = arith.index_cast %scan3A_425 : i32 to index
        %swap3A_640 = arith.constant 32 : index
        %swap3A_641 = tpu.vector_load %arg7[%swap3A_637, %swap3A_638, %swap3A_639, %swap3A_640] {strides = array<i32>} : memref<2x2x50x128xf32, #tpu.memory_space<vmem>>, vector<1x1x1x16xf32>,
        %swap3A_642 = vector.shape_cast %swap3A_641 : vector<1x1x1x16xf32> to vector<16xf32>
        %swap3A_643 = vector.shape_cast %mul3A_634 : vector<16xf32> to vector<1x1x1x16xf32>
        tpu.vector_store %arg7[%swap3A_637, %swap3A_638, %swap3A_639, %swap3A_640], %swap3A_643 {strides = array<i32>} : memref<2x2x50x128xf32, #tpu.memory_space<vmem>>, vector<1x1x1x16xf32>,
        %add3A_644 = arith.constant 50 : i32
        %add3A_645 = arith.addi %add3A_644, %scan3A_425 : i32
        %get3A_646 = arith.constant 1 : i32
        %get3A_647 = arith.index_cast %get3A_646 : i32 to index
        %get3A_648 = arith.index_cast %add3A_645 : i32 to index
        %get3A_649 = arith.constant 48 : index
        %get3A_650 = tpu.vector_load %arg6[%get3A_647, %get3A_648, %get3A_649] {strides = array<i32>} : memref<2x100x128xf32, #tpu.memory_space<vmem>>, vector<1x1x16xf32>,
        %get3A_651 = vector.shape_cast %get3A_650 : vector<1x1x16xf32> to vector<16xf32>
        %mul3A_652 = arith.constant 11.3137083 : f32
        %mul3A_653 = vector.broadcast %mul3A_652 : f32 to vector<16xf32>
        %mul3A_654 = arith.mulf %get3A_651, %mul3A_653 : vector<16xf32>
        %swap3A_655 = arith.constant 1 : i32
        %swap3A_656 = arith.constant 1 : i32
        %swap3A_657 = arith.index_cast %swap3A_655 : i32 to index
        %swap3A_658 = arith.index_cast %swap3A_656 : i32 to index
        %swap3A_659 = arith.index_cast %scan3A_425 : i32 to index
        %swap3A_660 = arith.constant 48 : index
        %swap3A_661 = tpu.vector_load %arg7[%swap3A_657, %swap3A_658, %swap3A_659, %swap3A_660] {strides = array<i32>} : memref<2x2x50x128xf32, #tpu.memory_space<vmem>>, vector<1x1x1x16xf32>,
        %swap3A_662 = vector.shape_cast %swap3A_661 : vector<1x1x1x16xf32> to vector<16xf32>
        %swap3A_663 = vector.shape_cast %mul3A_654 : vector<16xf32> to vector<1x1x1x16xf32>
        tpu.vector_store %arg7[%swap3A_657, %swap3A_658, %swap3A_659, %swap3A_660], %swap3A_663 {strides = array<i32>} : memref<2x2x50x128xf32, #tpu.memory_space<vmem>>, vector<1x1x1x16xf32>,
        %add3A_664 = arith.constant 50 : i32
        %add3A_665 = arith.addi %add3A_664, %scan3A_425 : i32
        %get3A_666 = arith.constant 1 : i32
        %get3A_667 = arith.index_cast %get3A_666 : i32 to index
        %get3A_668 = arith.index_cast %add3A_665 : i32 to index
        %get3A_669 = arith.constant 64 : index
        %get3A_670 = tpu.vector_load %arg6[%get3A_667, %get3A_668, %get3A_669] {strides = array<i32>} : memref<2x100x128xf32, #tpu.memory_space<vmem>>, vector<1x1x16xf32>,
        %get3A_671 = vector.shape_cast %get3A_670 : vector<1x1x16xf32> to vector<16xf32>
        %mul3A_672 = arith.constant 11.3137083 : f32
        %mul3A_673 = vector.broadcast %mul3A_672 : f32 to vector<16xf32>
        %mul3A_674 = arith.mulf %get3A_671, %mul3A_673 : vector<16xf32>
        %swap3A_675 = arith.constant 1 : i32
        %swap3A_676 = arith.constant 1 : i32
        %swap3A_677 = arith.index_cast %swap3A_675 : i32 to index
        %swap3A_678 = arith.index_cast %swap3A_676 : i32 to index
        %swap3A_679 = arith.index_cast %scan3A_425 : i32 to index
        %swap3A_680 = arith.constant 64 : index
        %swap3A_681 = tpu.vector_load %arg7[%swap3A_677, %swap3A_678, %swap3A_679, %swap3A_680] {strides = array<i32>} : memref<2x2x50x128xf32, #tpu.memory_space<vmem>>, vector<1x1x1x16xf32>,
        %swap3A_682 = vector.shape_cast %swap3A_681 : vector<1x1x1x16xf32> to vector<16xf32>
        %swap3A_683 = vector.shape_cast %mul3A_674 : vector<16xf32> to vector<1x1x1x16xf32>
        tpu.vector_store %arg7[%swap3A_677, %swap3A_678, %swap3A_679, %swap3A_680], %swap3A_683 {strides = array<i32>} : memref<2x2x50x128xf32, #tpu.memory_space<vmem>>, vector<1x1x1x16xf32>,
        %add3A_684 = arith.constant 50 : i32
        %add3A_685 = arith.addi %add3A_684, %scan3A_425 : i32
        %get3A_686 = arith.constant 1 : i32
        %get3A_687 = arith.index_cast %get3A_686 : i32 to index
        %get3A_688 = arith.index_cast %add3A_685 : i32 to index
        %get3A_689 = arith.constant 80 : index
        %get3A_690 = tpu.vector_load %arg6[%get3A_687, %get3A_688, %get3A_689] {strides = array<i32>} : memref<2x100x128xf32, #tpu.memory_space<vmem>>, vector<1x1x16xf32>,
        %get3A_691 = vector.shape_cast %get3A_690 : vector<1x1x16xf32> to vector<16xf32>
        %mul3A_692 = arith.constant 11.3137083 : f32
        %mul3A_693 = vector.broadcast %mul3A_692 : f32 to vector<16xf32>
        %mul3A_694 = arith.mulf %get3A_691, %mul3A_693 : vector<16xf32>
        %swap3A_695 = arith.constant 1 : i32
        %swap3A_696 = arith.constant 1 : i32
        %swap3A_697 = arith.index_cast %swap3A_695 : i32 to index
        %swap3A_698 = arith.index_cast %swap3A_696 : i32 to index
        %swap3A_699 = arith.index_cast %scan3A_425 : i32 to index
        %swap3A_700 = arith.constant 80 : index
        %swap3A_701 = tpu.vector_load %arg7[%swap3A_697, %swap3A_698, %swap3A_699, %swap3A_700] {strides = array<i32>} : memref<2x2x50x128xf32, #tpu.memory_space<vmem>>, vector<1x1x1x16xf32>,
        %swap3A_702 = vector.shape_cast %swap3A_701 : vector<1x1x1x16xf32> to vector<16xf32>
        %swap3A_703 = vector.shape_cast %mul3A_694 : vector<16xf32> to vector<1x1x1x16xf32>
        tpu.vector_store %arg7[%swap3A_697, %swap3A_698, %swap3A_699, %swap3A_700], %swap3A_703 {strides = array<i32>} : memref<2x2x50x128xf32, #tpu.memory_space<vmem>>, vector<1x1x1x16xf32>,
        %add3A_704 = arith.constant 50 : i32
        %add3A_705 = arith.addi %add3A_704, %scan3A_425 : i32
        %get3A_706 = arith.constant 1 : i32
        %get3A_707 = arith.index_cast %get3A_706 : i32 to index
        %get3A_708 = arith.index_cast %add3A_705 : i32 to index
        %get3A_709 = arith.constant 96 : index
        %get3A_710 = tpu.vector_load %arg6[%get3A_707, %get3A_708, %get3A_709] {strides = array<i32>} : memref<2x100x128xf32, #tpu.memory_space<vmem>>, vector<1x1x16xf32>,
        %get3A_711 = vector.shape_cast %get3A_710 : vector<1x1x16xf32> to vector<16xf32>
        %mul3A_712 = arith.constant 11.3137083 : f32
        %mul3A_713 = vector.broadcast %mul3A_712 : f32 to vector<16xf32>
        %mul3A_714 = arith.mulf %get3A_711, %mul3A_713 : vector<16xf32>
        %swap3A_715 = arith.constant 1 : i32
        %swap3A_716 = arith.constant 1 : i32
        %swap3A_717 = arith.index_cast %swap3A_715 : i32 to index
        %swap3A_718 = arith.index_cast %swap3A_716 : i32 to index
        %swap3A_719 = arith.index_cast %scan3A_425 : i32 to index
        %swap3A_720 = arith.constant 96 : index
        %swap3A_721 = tpu.vector_load %arg7[%swap3A_717, %swap3A_718, %swap3A_719, %swap3A_720] {strides = array<i32>} : memref<2x2x50x128xf32, #tpu.memory_space<vmem>>, vector<1x1x1x16xf32>,
        %swap3A_722 = vector.shape_cast %swap3A_721 : vector<1x1x1x16xf32> to vector<16xf32>
        %swap3A_723 = vector.shape_cast %mul3A_714 : vector<16xf32> to vector<1x1x1x16xf32>
        tpu.vector_store %arg7[%swap3A_717, %swap3A_718, %swap3A_719, %swap3A_720], %swap3A_723 {strides = array<i32>} : memref<2x2x50x128xf32, #tpu.memory_space<vmem>>, vector<1x1x1x16xf32>,
        %add3A_724 = arith.constant 50 : i32
        %add3A_725 = arith.addi %add3A_724, %scan3A_425 : i32
        %get3A_726 = arith.constant 1 : i32
        %get3A_727 = arith.index_cast %get3A_726 : i32 to index
        %get3A_728 = arith.index_cast %add3A_725 : i32 to index
        %get3A_729 = arith.constant 112 : index
        %get3A_730 = tpu.vector_load %arg6[%get3A_727, %get3A_728, %get3A_729] {strides = array<i32>} : memref<2x100x128xf32, #tpu.memory_space<vmem>>, vector<1x1x16xf32>,
        %get3A_731 = vector.shape_cast %get3A_730 : vector<1x1x16xf32> to vector<16xf32>
        %mul3A_732 = arith.constant 11.3137083 : f32
        %mul3A_733 = vector.broadcast %mul3A_732 : f32 to vector<16xf32>
        %mul3A_734 = arith.mulf %get3A_731, %mul3A_733 : vector<16xf32>
        %swap3A_735 = arith.constant 1 : i32
        %swap3A_736 = arith.constant 1 : i32
        %swap3A_737 = arith.index_cast %swap3A_735 : i32 to index
        %swap3A_738 = arith.index_cast %swap3A_736 : i32 to index
        %swap3A_739 = arith.index_cast %scan3A_425 : i32 to index
        %swap3A_740 = arith.constant 112 : index
        %swap3A_741 = tpu.vector_load %arg7[%swap3A_737, %swap3A_738, %swap3A_739, %swap3A_740] {strides = array<i32>} : memref<2x2x50x128xf32, #tpu.memory_space<vmem>>, vector<1x1x1x16xf32>,
        %swap3A_742 = vector.shape_cast %swap3A_741 : vector<1x1x1x16xf32> to vector<16xf32>
        %swap3A_743 = vector.shape_cast %mul3A_734 : vector<16xf32> to vector<1x1x1x16xf32>
        tpu.vector_store %arg7[%swap3A_737, %swap3A_738, %swap3A_739, %swap3A_740], %swap3A_743 {strides = array<i32>} : memref<2x2x50x128xf32, #tpu.memory_space<vmem>>, vector<1x1x1x16xf32>,
      }
      %scan3A_391 = arith.constant 50 : i32
      %mul3A_392 = arith.constant 2 : i32
      %mul3A_393 = arith.muli %add3A_355, %mul3A_392 : i32
      %add3A_394 = arith.addi %mul3A_2, %mul3A_393 : i32
      %dma_start3A_395 = arith.constant 1 : i32
      %dma_start3A_396 = arith.constant 0 : i32
      %dma_start3A_397 = arith.constant 0 : i32
      %dma_start3A_398 = arith.constant 0 : i32
      %dma_start3A_399 = tpu.memref_slice %arg7[%dma_start3A_395, %dma_start3A_396, %dma_start3A_397, %dma_start3A_398] : memref<2x2x50x128xf32, #tpu.memory_space<vmem>> -> memref<1x2x50x128xf32, #tpu.memory_space<vmem>>
      %dma_start3A_400 = tpu.memref_squeeze %dma_start3A_399 : memref<1x2x50x128xf32, #tpu.memory_space<vmem>> -> memref<2x50x128xf32, #tpu.memory_space<vmem>>
      %dma_start3A_401 = arith.constant 0 : i32
      %dma_start3A_402 = arith.constant 0 : i32
      %dma_start3A_403 = tpu.memref_slice %arg4[%add3A_394, %dma_start3A_401, %dma_start3A_402] : memref<4096x56x128xf32, #tpu.memory_space<hbm>> -> memref<2x50x128xf32, #tpu.memory_space<hbm>>
      %dma_start3A_404 = arith.constant 0 : i32
      %dma_start3A_405 = arith.constant 0 : i32
      %dma_start3A_406 = tpu.memref_slice %arg4[%add3A_394, %dma_start3A_404, %dma_start3A_405] : memref<4096x56x128xf32, #tpu.memory_space<hbm>> -> memref<2x50x128xf32, #tpu.memory_space<hbm>>
      %dma_start3A_407 = arith.constant 0 : i32
      %dma_start3A_408 = arith.constant 0 : i32
      %dma_start3A_409 = arith.constant 0 : i32
      %dma_start3A_410 = tpu.memref_slice %arg7[%dma_start3A_395, %dma_start3A_407, %dma_start3A_408, %dma_start3A_409] : memref<2x2x50x128xf32, #tpu.memory_space<vmem>> -> memref<1x2x50x128xf32, #tpu.memory_space<vmem>>
      %dma_start3A_411 = tpu.memref_squeeze %dma_start3A_410 : memref<1x2x50x128xf32, #tpu.memory_space<vmem>> -> memref<2x50x128xf32, #tpu.memory_space<vmem>>
      tpu.enqueue_dma source(%dma_start3A_411 : memref<2x50x128xf32, #tpu.memory_space<vmem>>) target(%dma_start3A_406 : memref<2x50x128xf32, #tpu.memory_space<hbm>>) target_semaphore(%arg11 : memref<!tpu.dma_semaphore, #tpu.memory_space<semaphore_mem>>)
      %add3A_412 = arith.constant 2 : i32
      %add3A_413 = arith.addi %add3A_355, %add3A_412 : i32
      %dma_start3A_414 = arith.constant 1 : i32
      %dma_start3A_415 = arith.constant 0 : i32
      %dma_start3A_416 = arith.constant 0 : i32
      %dma_start3A_417 = tpu.memref_slice %arg6[%dma_start3A_414, %dma_start3A_415, %dma_start3A_416] : memref<2x100x128xf32, #tpu.memory_space<vmem>> -> memref<1x100x128xf32, #tpu.memory_space<vmem>>
      %dma_start3A_418 = tpu.memref_squeeze %dma_start3A_417 : memref<1x100x128xf32, #tpu.memory_space<vmem>> -> memref<100x128xf32, #tpu.memory_space<vmem>>
      %dma_start3A_419 = arith.constant 0 : i32
      %dma_start3A_420 = tpu.memref_slice %arg5[%add3A_413, %dma_start3A_419] : memref<64x100xi32, #tpu.memory_space<vmem>> -> memref<1x100xi32, #tpu.memory_space<vmem>>
      %dma_start3A_421 = tpu.memref_squeeze %dma_start3A_420 : memref<1x100xi32, #tpu.memory_space<vmem>> -> memref<100xi32, #tpu.memory_space<vmem>>
      %dma_start3A_422 = arith.constant 0 : i32
      %dma_start3A_423 = arith.constant 0 : i32
      %dma_start3A_424 = tpu.memref_slice %arg3[%dma_start3A_422, %dma_start3A_423] : memref<100000x128xf32, #tpu.memory_space<hbm>> -> memref<100000x128xf32, #tpu.memory_space<hbm>>
      tpu.enqueue_indirect_dma source(%dma_start3A_424 : memref<100000x128xf32, #tpu.memory_space<hbm>>) target(%dma_start3A_418 : memref<100x128xf32, #tpu.memory_space<vmem>>) offsets(%dma_start3A_421 : memref<100xi32, #tpu.memory_space<vmem>>) semaphore(%arg9 : memref<!tpu.dma_semaphore, #tpu.memory_space<semaphore_mem>>)
    }
    %scan3A_127 = arith.constant 30 : i32
    %dma_wait3A_128 = arith.constant 62 : i32
    %dma_wait3A_129 = arith.constant 0 : i32
    %dma_wait3A_130 = arith.constant 0 : i32
    %dma_wait3A_131 = arith.constant 0 : i32
    %dma_wait3A_132 = tpu.memref_slice %arg6[%dma_wait3A_129, %dma_wait3A_130, %dma_wait3A_131] : memref<2x100x128xf32, #tpu.memory_space<vmem>> -> memref<1x100x128xf32, #tpu.memory_space<vmem>>
    %dma_wait3A_133 = tpu.memref_squeeze %dma_wait3A_132 : memref<1x100x128xf32, #tpu.memory_space<vmem>> -> memref<100x128xf32, #tpu.memory_space<vmem>>
    %dma_wait3A_134 = arith.constant 0 : i32
    %dma_wait3A_135 = tpu.memref_slice %arg5[%dma_wait3A_128, %dma_wait3A_134] : memref<64x100xi32, #tpu.memory_space<vmem>> -> memref<1x100xi32, #tpu.memory_space<vmem>>
    %dma_wait3A_136 = tpu.memref_squeeze %dma_wait3A_135 : memref<1x100xi32, #tpu.memory_space<vmem>> -> memref<100xi32, #tpu.memory_space<vmem>>
    %dma_wait3A_137 = arith.constant 0 : i32
    %dma_wait3A_138 = arith.constant 0 : i32
    %dma_wait3A_139 = tpu.memref_slice %arg3[%dma_wait3A_137, %dma_wait3A_138] : memref<100000x128xf32, #tpu.memory_space<hbm>> -> memref<100000x128xf32, #tpu.memory_space<hbm>>
    tpu.wait_indirect_dma semaphore(%arg8 : memref<!tpu.dma_semaphore, #tpu.memory_space<semaphore_mem>>) src(%dma_wait3A_139 : memref<100000x128xf32, #tpu.memory_space<hbm>>) dst(%dma_wait3A_133 : memref<100x128xf32, #tpu.memory_space<vmem>>)
    %dma_wait3A_140 = arith.constant 0 : i32
    %dma_wait3A_141 = arith.constant 0 : i32
    %dma_wait3A_142 = arith.constant 0 : i32
    %dma_wait3A_143 = arith.constant 0 : i32
    %dma_wait3A_144 = tpu.memref_slice %arg7[%dma_wait3A_140, %dma_wait3A_141, %dma_wait3A_142, %dma_wait3A_143] : memref<2x2x50x128xf32, #tpu.memory_space<vmem>> -> memref<1x2x50x128xf32, #tpu.memory_space<vmem>>
    %dma_wait3A_145 = tpu.memref_squeeze %dma_wait3A_144 : memref<1x2x50x128xf32, #tpu.memory_space<vmem>> -> memref<2x50x128xf32, #tpu.memory_space<vmem>>
    %dma_wait3A_146 = arith.constant 0 : i32
    %dma_wait3A_147 = arith.constant 0 : i32
    %dma_wait3A_148 = arith.constant 0 : i32
    %dma_wait3A_149 = tpu.memref_slice %arg4[%dma_wait3A_146, %dma_wait3A_147, %dma_wait3A_148] : memref<4096x56x128xf32, #tpu.memory_space<hbm>> -> memref<2x50x128xf32, #tpu.memory_space<hbm>>
    %dma_wait3A_150 = arith.constant 0 : i32
    %dma_wait3A_151 = arith.constant 0 : i32
    %dma_wait3A_152 = arith.constant 0 : i32
    %dma_wait3A_153 = tpu.memref_slice %arg4[%dma_wait3A_150, %dma_wait3A_151, %dma_wait3A_152] : memref<4096x56x128xf32, #tpu.memory_space<hbm>> -> memref<2x50x128xf32, #tpu.memory_space<hbm>>
    %dma_wait3A_154 = arith.constant 0 : i32
    %dma_wait3A_155 = arith.constant 0 : i32
    %dma_wait3A_156 = arith.constant 0 : i32
    %dma_wait3A_157 = tpu.memref_slice %arg7[%dma_wait3A_140, %dma_wait3A_154, %dma_wait3A_155, %dma_wait3A_156] : memref<2x2x50x128xf32, #tpu.memory_space<vmem>> -> memref<1x2x50x128xf32, #tpu.memory_space<vmem>>
    %dma_wait3A_158 = tpu.memref_squeeze %dma_wait3A_157 : memref<1x2x50x128xf32, #tpu.memory_space<vmem>> -> memref<2x50x128xf32, #tpu.memory_space<vmem>>
    tpu.wait_dma2 semaphore(%arg10 : memref<!tpu.dma_semaphore, #tpu.memory_space<semaphore_mem>>) src(%dma_wait3A_158 : memref<2x50x128xf32, #tpu.memory_space<vmem>>) dst(%dma_wait3A_153 : memref<2x50x128xf32, #tpu.memory_space<hbm>>)
    %scan3A_159 = arith.constant 0 : i32
    %scan3A_160 = arith.constant 0 : i32
    %scan3A_161 = arith.constant 50 : i32
    %scan3A_162 = arith.addi %scan3A_160, %scan3A_161 : i32
    %scan3A_163 = arith.constant 1 : i32
    scf.for %scan3A_278 = %scan3A_160 to %scan3A_162 step %scan3A_163  : i32 {
      %add3A_279 = arith.constant 0 : i32
      %add3A_280 = arith.addi %add3A_279, %scan3A_278 : i32
      %get3A = arith.constant 0 : i32
      %get3A_281 = arith.index_cast %get3A : i32 to index
      %get3A_282 = arith.index_cast %add3A_280 : i32 to index
      %get3A_283 = arith.constant 0 : index
      %get3A_284 = tpu.vector_load %arg6[%get3A_281, %get3A_282, %get3A_283] {strides = array<i32>} : memref<2x100x128xf32, #tpu.memory_space<vmem>>, vector<1x1x16xf32>,
      %get3A_285 = vector.shape_cast %get3A_284 : vector<1x1x16xf32> to vector<16xf32>
      %mul3A_286 = arith.constant 11.3137083 : f32
      %mul3A_287 = vector.broadcast %mul3A_286 : f32 to vector<16xf32>
      %mul3A_288 = arith.mulf %get3A_285, %mul3A_287 : vector<16xf32>
      %swap3A = arith.constant 0 : i32
      %swap3A_289 = arith.constant 0 : i32
      %swap3A_290 = arith.index_cast %swap3A : i32 to index
      %swap3A_291 = arith.index_cast %swap3A_289 : i32 to index
      %swap3A_292 = arith.index_cast %scan3A_278 : i32 to index
      %swap3A_293 = arith.constant 0 : index
      %swap3A_294 = tpu.vector_load %arg7[%swap3A_290, %swap3A_291, %swap3A_292, %swap3A_293] {strides = array<i32>} : memref<2x2x50x128xf32, #tpu.memory_space<vmem>>, vector<1x1x1x16xf32>,
      %swap3A_295 = vector.shape_cast %swap3A_294 : vector<1x1x1x16xf32> to vector<16xf32>
      %swap3A_296 = vector.shape_cast %mul3A_288 : vector<16xf32> to vector<1x1x1x16xf32>
      tpu.vector_store %arg7[%swap3A_290, %swap3A_291, %swap3A_292, %swap3A_293], %swap3A_296 {strides = array<i32>} : memref<2x2x50x128xf32, #tpu.memory_space<vmem>>, vector<1x1x1x16xf32>,
      %add3A_297 = arith.constant 0 : i32
      %add3A_298 = arith.addi %add3A_297, %scan3A_278 : i32
      %get3A_299 = arith.constant 0 : i32
      %get3A_300 = arith.index_cast %get3A_299 : i32 to index
      %get3A_301 = arith.index_cast %add3A_298 : i32 to index
      %get3A_302 = arith.constant 16 : index
      %get3A_303 = tpu.vector_load %arg6[%get3A_300, %get3A_301, %get3A_302] {strides = array<i32>} : memref<2x100x128xf32, #tpu.memory_space<vmem>>, vector<1x1x16xf32>,
      %get3A_304 = vector.shape_cast %get3A_303 : vector<1x1x16xf32> to vector<16xf32>
      %mul3A_305 = arith.constant 11.3137083 : f32
      %mul3A_306 = vector.broadcast %mul3A_305 : f32 to vector<16xf32>
      %mul3A_307 = arith.mulf %get3A_304, %mul3A_306 : vector<16xf32>
      %swap3A_308 = arith.constant 0 : i32
      %swap3A_309 = arith.constant 0 : i32
      %swap3A_310 = arith.index_cast %swap3A_308 : i32 to index
      %swap3A_311 = arith.index_cast %swap3A_309 : i32 to index
      %swap3A_312 = arith.index_cast %scan3A_278 : i32 to index
      %swap3A_313 = arith.constant 16 : index
      %swap3A_314 = tpu.vector_load %arg7[%swap3A_310, %swap3A_311, %swap3A_312, %swap3A_313] {strides = array<i32>} : memref<2x2x50x128xf32, #tpu.memory_space<vmem>>, vector<1x1x1x16xf32>,
      %swap3A_315 = vector.shape_cast %swap3A_314 : vector<1x1x1x16xf32> to vector<16xf32>
      %swap3A_316 = vector.shape_cast %mul3A_307 : vector<16xf32> to vector<1x1x1x16xf32>
      tpu.vector_store %arg7[%swap3A_310, %swap3A_311, %swap3A_312, %swap3A_313], %swap3A_316 {strides = array<i32>} : memref<2x2x50x128xf32, #tpu.memory_space<vmem>>, vector<1x1x1x16xf32>,
      %add3A_317 = arith.constant 0 : i32
      %add3A_318 = arith.addi %add3A_317, %scan3A_278 : i32
      %get3A_319 = arith.constant 0 : i32
      %get3A_320 = arith.index_cast %get3A_319 : i32 to index
      %get3A_321 = arith.index_cast %add3A_318 : i32 to index
      %get3A_322 = arith.constant 32 : index
      %get3A_323 = tpu.vector_load %arg6[%get3A_320, %get3A_321, %get3A_322] {strides = array<i32>} : memref<2x100x128xf32, #tpu.memory_space<vmem>>, vector<1x1x16xf32>,
      %get3A_324 = vector.shape_cast %get3A_323 : vector<1x1x16xf32> to vector<16xf32>
      %mul3A_325 = arith.constant 11.3137083 : f32
      %mul3A_326 = vector.broadcast %mul3A_325 : f32 to vector<16xf32>
      %mul3A_327 = arith.mulf %get3A_324, %mul3A_326 : vector<16xf32>
      %swap3A_328 = arith.constant 0 : i32
      %swap3A_329 = arith.constant 0 : i32
      %swap3A_330 = arith.index_cast %swap3A_328 : i32 to index
      %swap3A_331 = arith.index_cast %swap3A_329 : i32 to index
      %swap3A_332 = arith.index_cast %scan3A_278 : i32 to index
      %swap3A_333 = arith.constant 32 : index
      %swap3A_334 = tpu.vector_load %arg7[%swap3A_330, %swap3A_331, %swap3A_332, %swap3A_333] {strides = array<i32>} : memref<2x2x50x128xf32, #tpu.memory_space<vmem>>, vector<1x1x1x16xf32>,
      %swap3A_335 = vector.shape_cast %swap3A_334 : vector<1x1x1x16xf32> to vector<16xf32>
      %swap3A_336 = vector.shape_cast %mul3A_327 : vector<16xf32> to vector<1x1x1x16xf32>
      tpu.vector_store %arg7[%swap3A_330, %swap3A_331, %swap3A_332, %swap3A_333], %swap3A_336 {strides = array<i32>} : memref<2x2x50x128xf32, #tpu.memory_space<vmem>>, vector<1x1x1x16xf32>,
      %add3A_337 = arith.constant 0 : i32
      %add3A_338 = arith.addi %add3A_337, %scan3A_278 : i32
      %get3A_339 = arith.constant 0 : i32
      %get3A_340 = arith.index_cast %get3A_339 : i32 to index
      %get3A_341 = arith.index_cast %add3A_338 : i32 to index
      %get3A_342 = arith.constant 48 : index
      %get3A_343 = tpu.vector_load %arg6[%get3A_340, %get3A_341, %get3A_342] {strides = array<i32>} : memref<2x100x128xf32, #tpu.memory_space<vmem>>, vector<1x1x16xf32>,
      %get3A_344 = vector.shape_cast %get3A_343 : vector<1x1x16xf32> to vector<16xf32>
      %mul3A_345 = arith.constant 11.3137083 : f32
      %mul3A_346 = vector.broadcast %mul3A_345 : f32 to vector<16xf32>
      %mul3A_347 = arith.mulf %get3A_344, %mul3A_346 : vector<16xf32>
      %swap3A_348 = arith.constant 0 : i32
      %swap3A_349 = arith.constant 0 : i32
      %swap3A_350 = arith.index_cast %swap3A_348 : i32 to index
      %swap3A_351 = arith.index_cast %swap3A_349 : i32 to index
      %swap3A_352 = arith.index_cast %scan3A_278 : i32 to index
      %swap3A_353 = arith.constant 48 : index
      %swap3A_354 = tpu.vector_load %arg7[%swap3A_350, %swap3A_351, %swap3A_352, %swap3A_353] {strides = array<i32>} : memref<2x2x50x128xf32, #tpu.memory_space<vmem>>, vector<1x1x1x16xf32>,
      %swap3A_355 = vector.shape_cast %swap3A_354 : vector<1x1x1x16xf32> to vector<16xf32>
      %swap3A_356 = vector.shape_cast %mul3A_347 : vector<16xf32> to vector<1x1x1x16xf32>
      tpu.vector_store %arg7[%swap3A_350, %swap3A_351, %swap3A_352, %swap3A_353], %swap3A_356 {strides = array<i32>} : memref<2x2x50x128xf32, #tpu.memory_space<vmem>>, vector<1x1x1x16xf32>,
      %add3A_357 = arith.constant 0 : i32
      %add3A_358 = arith.addi %add3A_357, %scan3A_278 : i32
      %get3A_359 = arith.constant 0 : i32
      %get3A_360 = arith.index_cast %get3A_359 : i32 to index
      %get3A_361 = arith.index_cast %add3A_358 : i32 to index
      %get3A_362 = arith.constant 64 : index
      %get3A_363 = tpu.vector_load %arg6[%get3A_360, %get3A_361, %get3A_362] {strides = array<i32>} : memref<2x100x128xf32, #tpu.memory_space<vmem>>, vector<1x1x16xf32>,
      %get3A_364 = vector.shape_cast %get3A_363 : vector<1x1x16xf32> to vector<16xf32>
      %mul3A_365 = arith.constant 11.3137083 : f32
      %mul3A_366 = vector.broadcast %mul3A_365 : f32 to vector<16xf32>
      %mul3A_367 = arith.mulf %get3A_364, %mul3A_366 : vector<16xf32>
      %swap3A_368 = arith.constant 0 : i32
      %swap3A_369 = arith.constant 0 : i32
      %swap3A_370 = arith.index_cast %swap3A_368 : i32 to index
      %swap3A_371 = arith.index_cast %swap3A_369 : i32 to index
      %swap3A_372 = arith.index_cast %scan3A_278 : i32 to index
      %swap3A_373 = arith.constant 64 : index
      %swap3A_374 = tpu.vector_load %arg7[%swap3A_370, %swap3A_371, %swap3A_372, %swap3A_373] {strides = array<i32>} : memref<2x2x50x128xf32, #tpu.memory_space<vmem>>, vector<1x1x1x16xf32>,
      %swap3A_375 = vector.shape_cast %swap3A_374 : vector<1x1x1x16xf32> to vector<16xf32>
      %swap3A_376 = vector.shape_cast %mul3A_367 : vector<16xf32> to vector<1x1x1x16xf32>
      tpu.vector_store %arg7[%swap3A_370, %swap3A_371, %swap3A_372, %swap3A_373], %swap3A_376 {strides = array<i32>} : memref<2x2x50x128xf32, #tpu.memory_space<vmem>>, vector<1x1x1x16xf32>,
      %add3A_377 = arith.constant 0 : i32
      %add3A_378 = arith.addi %add3A_377, %scan3A_278 : i32
      %get3A_379 = arith.constant 0 : i32
      %get3A_380 = arith.index_cast %get3A_379 : i32 to index
      %get3A_381 = arith.index_cast %add3A_378 : i32 to index
      %get3A_382 = arith.constant 80 : index
      %get3A_383 = tpu.vector_load %arg6[%get3A_380, %get3A_381, %get3A_382] {strides = array<i32>} : memref<2x100x128xf32, #tpu.memory_space<vmem>>, vector<1x1x16xf32>,
      %get3A_384 = vector.shape_cast %get3A_383 : vector<1x1x16xf32> to vector<16xf32>
      %mul3A_385 = arith.constant 11.3137083 : f32
      %mul3A_386 = vector.broadcast %mul3A_385 : f32 to vector<16xf32>
      %mul3A_387 = arith.mulf %get3A_384, %mul3A_386 : vector<16xf32>
      %swap3A_388 = arith.constant 0 : i32
      %swap3A_389 = arith.constant 0 : i32
      %swap3A_390 = arith.index_cast %swap3A_388 : i32 to index
      %swap3A_391 = arith.index_cast %swap3A_389 : i32 to index
      %swap3A_392 = arith.index_cast %scan3A_278 : i32 to index
      %swap3A_393 = arith.constant 80 : index
      %swap3A_394 = tpu.vector_load %arg7[%swap3A_390, %swap3A_391, %swap3A_392, %swap3A_393] {strides = array<i32>} : memref<2x2x50x128xf32, #tpu.memory_space<vmem>>, vector<1x1x1x16xf32>,
      %swap3A_395 = vector.shape_cast %swap3A_394 : vector<1x1x1x16xf32> to vector<16xf32>
      %swap3A_396 = vector.shape_cast %mul3A_387 : vector<16xf32> to vector<1x1x1x16xf32>
      tpu.vector_store %arg7[%swap3A_390, %swap3A_391, %swap3A_392, %swap3A_393], %swap3A_396 {strides = array<i32>} : memref<2x2x50x128xf32, #tpu.memory_space<vmem>>, vector<1x1x1x16xf32>,
      %add3A_397 = arith.constant 0 : i32
      %add3A_398 = arith.addi %add3A_397, %scan3A_278 : i32
      %get3A_399 = arith.constant 0 : i32
      %get3A_400 = arith.index_cast %get3A_399 : i32 to index
      %get3A_401 = arith.index_cast %add3A_398 : i32 to index
      %get3A_402 = arith.constant 96 : index
      %get3A_403 = tpu.vector_load %arg6[%get3A_400, %get3A_401, %get3A_402] {strides = array<i32>} : memref<2x100x128xf32, #tpu.memory_space<vmem>>, vector<1x1x16xf32>,
      %get3A_404 = vector.shape_cast %get3A_403 : vector<1x1x16xf32> to vector<16xf32>
      %mul3A_405 = arith.constant 11.3137083 : f32
      %mul3A_406 = vector.broadcast %mul3A_405 : f32 to vector<16xf32>
      %mul3A_407 = arith.mulf %get3A_404, %mul3A_406 : vector<16xf32>
      %swap3A_408 = arith.constant 0 : i32
      %swap3A_409 = arith.constant 0 : i32
      %swap3A_410 = arith.index_cast %swap3A_408 : i32 to index
      %swap3A_411 = arith.index_cast %swap3A_409 : i32 to index
      %swap3A_412 = arith.index_cast %scan3A_278 : i32 to index
      %swap3A_413 = arith.constant 96 : index
      %swap3A_414 = tpu.vector_load %arg7[%swap3A_410, %swap3A_411, %swap3A_412, %swap3A_413] {strides = array<i32>} : memref<2x2x50x128xf32, #tpu.memory_space<vmem>>, vector<1x1x1x16xf32>,
      %swap3A_415 = vector.shape_cast %swap3A_414 : vector<1x1x1x16xf32> to vector<16xf32>
      %swap3A_416 = vector.shape_cast %mul3A_407 : vector<16xf32> to vector<1x1x1x16xf32>
      tpu.vector_store %arg7[%swap3A_410, %swap3A_411, %swap3A_412, %swap3A_413], %swap3A_416 {strides = array<i32>} : memref<2x2x50x128xf32, #tpu.memory_space<vmem>>, vector<1x1x1x16xf32>,
      %add3A_417 = arith.constant 0 : i32
      %add3A_418 = arith.addi %add3A_417, %scan3A_278 : i32
      %get3A_419 = arith.constant 0 : i32
      %get3A_420 = arith.index_cast %get3A_419 : i32 to index
      %get3A_421 = arith.index_cast %add3A_418 : i32 to index
      %get3A_422 = arith.constant 112 : index
      %get3A_423 = tpu.vector_load %arg6[%get3A_420, %get3A_421, %get3A_422] {strides = array<i32>} : memref<2x100x128xf32, #tpu.memory_space<vmem>>, vector<1x1x16xf32>,
      %get3A_424 = vector.shape_cast %get3A_423 : vector<1x1x16xf32> to vector<16xf32>
      %mul3A_425 = arith.constant 11.3137083 : f32
      %mul3A_426 = vector.broadcast %mul3A_425 : f32 to vector<16xf32>
      %mul3A_427 = arith.mulf %get3A_424, %mul3A_426 : vector<16xf32>
      %swap3A_428 = arith.constant 0 : i32
      %swap3A_429 = arith.constant 0 : i32
      %swap3A_430 = arith.index_cast %swap3A_428 : i32 to index
      %swap3A_431 = arith.index_cast %swap3A_429 : i32 to index
      %swap3A_432 = arith.index_cast %scan3A_278 : i32 to index
      %swap3A_433 = arith.constant 112 : index
      %swap3A_434 = tpu.vector_load %arg7[%swap3A_430, %swap3A_431, %swap3A_432, %swap3A_433] {strides = array<i32>} : memref<2x2x50x128xf32, #tpu.memory_space<vmem>>, vector<1x1x1x16xf32>,
      %swap3A_435 = vector.shape_cast %swap3A_434 : vector<1x1x1x16xf32> to vector<16xf32>
      %swap3A_436 = vector.shape_cast %mul3A_427 : vector<16xf32> to vector<1x1x1x16xf32>
      tpu.vector_store %arg7[%swap3A_430, %swap3A_431, %swap3A_432, %swap3A_433], %swap3A_436 {strides = array<i32>} : memref<2x2x50x128xf32, #tpu.memory_space<vmem>>, vector<1x1x1x16xf32>,
      %add3A_437 = arith.constant 50 : i32
      %add3A_438 = arith.addi %add3A_437, %scan3A_278 : i32
      %get3A_439 = arith.constant 0 : i32
      %get3A_440 = arith.index_cast %get3A_439 : i32 to index
      %get3A_441 = arith.index_cast %add3A_438 : i32 to index
      %get3A_442 = arith.constant 0 : index
      %get3A_443 = tpu.vector_load %arg6[%get3A_440, %get3A_441, %get3A_442] {strides = array<i32>} : memref<2x100x128xf32, #tpu.memory_space<vmem>>, vector<1x1x16xf32>,
      %get3A_444 = vector.shape_cast %get3A_443 : vector<1x1x16xf32> to vector<16xf32>
      %mul3A_445 = arith.constant 11.3137083 : f32
      %mul3A_446 = vector.broadcast %mul3A_445 : f32 to vector<16xf32>
      %mul3A_447 = arith.mulf %get3A_444, %mul3A_446 : vector<16xf32>
      %swap3A_448 = arith.constant 0 : i32
      %swap3A_449 = arith.constant 1 : i32
      %swap3A_450 = arith.index_cast %swap3A_448 : i32 to index
      %swap3A_451 = arith.index_cast %swap3A_449 : i32 to index
      %swap3A_452 = arith.index_cast %scan3A_278 : i32 to index
      %swap3A_453 = arith.constant 0 : index
      %swap3A_454 = tpu.vector_load %arg7[%swap3A_450, %swap3A_451, %swap3A_452, %swap3A_453] {strides = array<i32>} : memref<2x2x50x128xf32, #tpu.memory_space<vmem>>, vector<1x1x1x16xf32>,
      %swap3A_455 = vector.shape_cast %swap3A_454 : vector<1x1x1x16xf32> to vector<16xf32>
      %swap3A_456 = vector.shape_cast %mul3A_447 : vector<16xf32> to vector<1x1x1x16xf32>
      tpu.vector_store %arg7[%swap3A_450, %swap3A_451, %swap3A_452, %swap3A_453], %swap3A_456 {strides = array<i32>} : memref<2x2x50x128xf32, #tpu.memory_space<vmem>>, vector<1x1x1x16xf32>,
      %add3A_457 = arith.constant 50 : i32
      %add3A_458 = arith.addi %add3A_457, %scan3A_278 : i32
      %get3A_459 = arith.constant 0 : i32
      %get3A_460 = arith.index_cast %get3A_459 : i32 to index
      %get3A_461 = arith.index_cast %add3A_458 : i32 to index
      %get3A_462 = arith.constant 16 : index
      %get3A_463 = tpu.vector_load %arg6[%get3A_460, %get3A_461, %get3A_462] {strides = array<i32>} : memref<2x100x128xf32, #tpu.memory_space<vmem>>, vector<1x1x16xf32>,
      %get3A_464 = vector.shape_cast %get3A_463 : vector<1x1x16xf32> to vector<16xf32>
      %mul3A_465 = arith.constant 11.3137083 : f32
      %mul3A_466 = vector.broadcast %mul3A_465 : f32 to vector<16xf32>
      %mul3A_467 = arith.mulf %get3A_464, %mul3A_466 : vector<16xf32>
      %swap3A_468 = arith.constant 0 : i32
      %swap3A_469 = arith.constant 1 : i32
      %swap3A_470 = arith.index_cast %swap3A_468 : i32 to index
      %swap3A_471 = arith.index_cast %swap3A_469 : i32 to index
      %swap3A_472 = arith.index_cast %scan3A_278 : i32 to index
      %swap3A_473 = arith.constant 16 : index
      %swap3A_474 = tpu.vector_load %arg7[%swap3A_470, %swap3A_471, %swap3A_472, %swap3A_473] {strides = array<i32>} : memref<2x2x50x128xf32, #tpu.memory_space<vmem>>, vector<1x1x1x16xf32>,
      %swap3A_475 = vector.shape_cast %swap3A_474 : vector<1x1x1x16xf32> to vector<16xf32>
      %swap3A_476 = vector.shape_cast %mul3A_467 : vector<16xf32> to vector<1x1x1x16xf32>
      tpu.vector_store %arg7[%swap3A_470, %swap3A_471, %swap3A_472, %swap3A_473], %swap3A_476 {strides = array<i32>} : memref<2x2x50x128xf32, #tpu.memory_space<vmem>>, vector<1x1x1x16xf32>,
      %add3A_477 = arith.constant 50 : i32
      %add3A_478 = arith.addi %add3A_477, %scan3A_278 : i32
      %get3A_479 = arith.constant 0 : i32
      %get3A_480 = arith.index_cast %get3A_479 : i32 to index
      %get3A_481 = arith.index_cast %add3A_478 : i32 to index
      %get3A_482 = arith.constant 32 : index
      %get3A_483 = tpu.vector_load %arg6[%get3A_480, %get3A_481, %get3A_482] {strides = array<i32>} : memref<2x100x128xf32, #tpu.memory_space<vmem>>, vector<1x1x16xf32>,
      %get3A_484 = vector.shape_cast %get3A_483 : vector<1x1x16xf32> to vector<16xf32>
      %mul3A_485 = arith.constant 11.3137083 : f32
      %mul3A_486 = vector.broadcast %mul3A_485 : f32 to vector<16xf32>
      %mul3A_487 = arith.mulf %get3A_484, %mul3A_486 : vector<16xf32>
      %swap3A_488 = arith.constant 0 : i32
      %swap3A_489 = arith.constant 1 : i32
      %swap3A_490 = arith.index_cast %swap3A_488 : i32 to index
      %swap3A_491 = arith.index_cast %swap3A_489 : i32 to index
      %swap3A_492 = arith.index_cast %scan3A_278 : i32 to index
      %swap3A_493 = arith.constant 32 : index
      %swap3A_494 = tpu.vector_load %arg7[%swap3A_490, %swap3A_491, %swap3A_492, %swap3A_493] {strides = array<i32>} : memref<2x2x50x128xf32, #tpu.memory_space<vmem>>, vector<1x1x1x16xf32>,
      %swap3A_495 = vector.shape_cast %swap3A_494 : vector<1x1x1x16xf32> to vector<16xf32>
      %swap3A_496 = vector.shape_cast %mul3A_487 : vector<16xf32> to vector<1x1x1x16xf32>
      tpu.vector_store %arg7[%swap3A_490, %swap3A_491, %swap3A_492, %swap3A_493], %swap3A_496 {strides = array<i32>} : memref<2x2x50x128xf32, #tpu.memory_space<vmem>>, vector<1x1x1x16xf32>,
      %add3A_497 = arith.constant 50 : i32
      %add3A_498 = arith.addi %add3A_497, %scan3A_278 : i32
      %get3A_499 = arith.constant 0 : i32
      %get3A_500 = arith.index_cast %get3A_499 : i32 to index
      %get3A_501 = arith.index_cast %add3A_498 : i32 to index
      %get3A_502 = arith.constant 48 : index
      %get3A_503 = tpu.vector_load %arg6[%get3A_500, %get3A_501, %get3A_502] {strides = array<i32>} : memref<2x100x128xf32, #tpu.memory_space<vmem>>, vector<1x1x16xf32>,
      %get3A_504 = vector.shape_cast %get3A_503 : vector<1x1x16xf32> to vector<16xf32>
      %mul3A_505 = arith.constant 11.3137083 : f32
      %mul3A_506 = vector.broadcast %mul3A_505 : f32 to vector<16xf32>
      %mul3A_507 = arith.mulf %get3A_504, %mul3A_506 : vector<16xf32>
      %swap3A_508 = arith.constant 0 : i32
      %swap3A_509 = arith.constant 1 : i32
      %swap3A_510 = arith.index_cast %swap3A_508 : i32 to index
      %swap3A_511 = arith.index_cast %swap3A_509 : i32 to index
      %swap3A_512 = arith.index_cast %scan3A_278 : i32 to index
      %swap3A_513 = arith.constant 48 : index
      %swap3A_514 = tpu.vector_load %arg7[%swap3A_510, %swap3A_511, %swap3A_512, %swap3A_513] {strides = array<i32>} : memref<2x2x50x128xf32, #tpu.memory_space<vmem>>, vector<1x1x1x16xf32>,
      %swap3A_515 = vector.shape_cast %swap3A_514 : vector<1x1x1x16xf32> to vector<16xf32>
      %swap3A_516 = vector.shape_cast %mul3A_507 : vector<16xf32> to vector<1x1x1x16xf32>
      tpu.vector_store %arg7[%swap3A_510, %swap3A_511, %swap3A_512, %swap3A_513], %swap3A_516 {strides = array<i32>} : memref<2x2x50x128xf32, #tpu.memory_space<vmem>>, vector<1x1x1x16xf32>,
      %add3A_517 = arith.constant 50 : i32
      %add3A_518 = arith.addi %add3A_517, %scan3A_278 : i32
      %get3A_519 = arith.constant 0 : i32
      %get3A_520 = arith.index_cast %get3A_519 : i32 to index
      %get3A_521 = arith.index_cast %add3A_518 : i32 to index
      %get3A_522 = arith.constant 64 : index
      %get3A_523 = tpu.vector_load %arg6[%get3A_520, %get3A_521, %get3A_522] {strides = array<i32>} : memref<2x100x128xf32, #tpu.memory_space<vmem>>, vector<1x1x16xf32>,
      %get3A_524 = vector.shape_cast %get3A_523 : vector<1x1x16xf32> to vector<16xf32>
      %mul3A_525 = arith.constant 11.3137083 : f32
      %mul3A_526 = vector.broadcast %mul3A_525 : f32 to vector<16xf32>
      %mul3A_527 = arith.mulf %get3A_524, %mul3A_526 : vector<16xf32>
      %swap3A_528 = arith.constant 0 : i32
      %swap3A_529 = arith.constant 1 : i32
      %swap3A_530 = arith.index_cast %swap3A_528 : i32 to index
      %swap3A_531 = arith.index_cast %swap3A_529 : i32 to index
      %swap3A_532 = arith.index_cast %scan3A_278 : i32 to index
      %swap3A_533 = arith.constant 64 : index
      %swap3A_534 = tpu.vector_load %arg7[%swap3A_530, %swap3A_531, %swap3A_532, %swap3A_533] {strides = array<i32>} : memref<2x2x50x128xf32, #tpu.memory_space<vmem>>, vector<1x1x1x16xf32>,
      %swap3A_535 = vector.shape_cast %swap3A_534 : vector<1x1x1x16xf32> to vector<16xf32>
      %swap3A_536 = vector.shape_cast %mul3A_527 : vector<16xf32> to vector<1x1x1x16xf32>
      tpu.vector_store %arg7[%swap3A_530, %swap3A_531, %swap3A_532, %swap3A_533], %swap3A_536 {strides = array<i32>} : memref<2x2x50x128xf32, #tpu.memory_space<vmem>>, vector<1x1x1x16xf32>,
      %add3A_537 = arith.constant 50 : i32
      %add3A_538 = arith.addi %add3A_537, %scan3A_278 : i32
      %get3A_539 = arith.constant 0 : i32
      %get3A_540 = arith.index_cast %get3A_539 : i32 to index
      %get3A_541 = arith.index_cast %add3A_538 : i32 to index
      %get3A_542 = arith.constant 80 : index
      %get3A_543 = tpu.vector_load %arg6[%get3A_540, %get3A_541, %get3A_542] {strides = array<i32>} : memref<2x100x128xf32, #tpu.memory_space<vmem>>, vector<1x1x16xf32>,
      %get3A_544 = vector.shape_cast %get3A_543 : vector<1x1x16xf32> to vector<16xf32>
      %mul3A_545 = arith.constant 11.3137083 : f32
      %mul3A_546 = vector.broadcast %mul3A_545 : f32 to vector<16xf32>
      %mul3A_547 = arith.mulf %get3A_544, %mul3A_546 : vector<16xf32>
      %swap3A_548 = arith.constant 0 : i32
      %swap3A_549 = arith.constant 1 : i32
      %swap3A_550 = arith.index_cast %swap3A_548 : i32 to index
      %swap3A_551 = arith.index_cast %swap3A_549 : i32 to index
      %swap3A_552 = arith.index_cast %scan3A_278 : i32 to index
      %swap3A_553 = arith.constant 80 : index
      %swap3A_554 = tpu.vector_load %arg7[%swap3A_550, %swap3A_551, %swap3A_552, %swap3A_553] {strides = array<i32>} : memref<2x2x50x128xf32, #tpu.memory_space<vmem>>, vector<1x1x1x16xf32>,
      %swap3A_555 = vector.shape_cast %swap3A_554 : vector<1x1x1x16xf32> to vector<16xf32>
      %swap3A_556 = vector.shape_cast %mul3A_547 : vector<16xf32> to vector<1x1x1x16xf32>
      tpu.vector_store %arg7[%swap3A_550, %swap3A_551, %swap3A_552, %swap3A_553], %swap3A_556 {strides = array<i32>} : memref<2x2x50x128xf32, #tpu.memory_space<vmem>>, vector<1x1x1x16xf32>,
      %add3A_557 = arith.constant 50 : i32
      %add3A_558 = arith.addi %add3A_557, %scan3A_278 : i32
      %get3A_559 = arith.constant 0 : i32
      %get3A_560 = arith.index_cast %get3A_559 : i32 to index
      %get3A_561 = arith.index_cast %add3A_558 : i32 to index
      %get3A_562 = arith.constant 96 : index
      %get3A_563 = tpu.vector_load %arg6[%get3A_560, %get3A_561, %get3A_562] {strides = array<i32>} : memref<2x100x128xf32, #tpu.memory_space<vmem>>, vector<1x1x16xf32>,
      %get3A_564 = vector.shape_cast %get3A_563 : vector<1x1x16xf32> to vector<16xf32>
      %mul3A_565 = arith.constant 11.3137083 : f32
      %mul3A_566 = vector.broadcast %mul3A_565 : f32 to vector<16xf32>
      %mul3A_567 = arith.mulf %get3A_564, %mul3A_566 : vector<16xf32>
      %swap3A_568 = arith.constant 0 : i32
      %swap3A_569 = arith.constant 1 : i32
      %swap3A_570 = arith.index_cast %swap3A_568 : i32 to index
      %swap3A_571 = arith.index_cast %swap3A_569 : i32 to index
      %swap3A_572 = arith.index_cast %scan3A_278 : i32 to index
      %swap3A_573 = arith.constant 96 : index
      %swap3A_574 = tpu.vector_load %arg7[%swap3A_570, %swap3A_571, %swap3A_572, %swap3A_573] {strides = array<i32>} : memref<2x2x50x128xf32, #tpu.memory_space<vmem>>, vector<1x1x1x16xf32>,
      %swap3A_575 = vector.shape_cast %swap3A_574 : vector<1x1x1x16xf32> to vector<16xf32>
      %swap3A_576 = vector.shape_cast %mul3A_567 : vector<16xf32> to vector<1x1x1x16xf32>
      tpu.vector_store %arg7[%swap3A_570, %swap3A_571, %swap3A_572, %swap3A_573], %swap3A_576 {strides = array<i32>} : memref<2x2x50x128xf32, #tpu.memory_space<vmem>>, vector<1x1x1x16xf32>,
      %add3A_577 = arith.constant 50 : i32
      %add3A_578 = arith.addi %add3A_577, %scan3A_278 : i32
      %get3A_579 = arith.constant 0 : i32
      %get3A_580 = arith.index_cast %get3A_579 : i32 to index
      %get3A_581 = arith.index_cast %add3A_578 : i32 to index
      %get3A_582 = arith.constant 112 : index
      %get3A_583 = tpu.vector_load %arg6[%get3A_580, %get3A_581, %get3A_582] {strides = array<i32>} : memref<2x100x128xf32, #tpu.memory_space<vmem>>, vector<1x1x16xf32>,
      %get3A_584 = vector.shape_cast %get3A_583 : vector<1x1x16xf32> to vector<16xf32>
      %mul3A_585 = arith.constant 11.3137083 : f32
      %mul3A_586 = vector.broadcast %mul3A_585 : f32 to vector<16xf32>
      %mul3A_587 = arith.mulf %get3A_584, %mul3A_586 : vector<16xf32>
      %swap3A_588 = arith.constant 0 : i32
      %swap3A_589 = arith.constant 1 : i32
      %swap3A_590 = arith.index_cast %swap3A_588 : i32 to index
      %swap3A_591 = arith.index_cast %swap3A_589 : i32 to index
      %swap3A_592 = arith.index_cast %scan3A_278 : i32 to index
      %swap3A_593 = arith.constant 112 : index
      %swap3A_594 = tpu.vector_load %arg7[%swap3A_590, %swap3A_591, %swap3A_592, %swap3A_593] {strides = array<i32>} : memref<2x2x50x128xf32, #tpu.memory_space<vmem>>, vector<1x1x1x16xf32>,
      %swap3A_595 = vector.shape_cast %swap3A_594 : vector<1x1x1x16xf32> to vector<16xf32>
      %swap3A_596 = vector.shape_cast %mul3A_587 : vector<16xf32> to vector<1x1x1x16xf32>
      tpu.vector_store %arg7[%swap3A_590, %swap3A_591, %swap3A_592, %swap3A_593], %swap3A_596 {strides = array<i32>} : memref<2x2x50x128xf32, #tpu.memory_space<vmem>>, vector<1x1x1x16xf32>,
    }
    %scan3A_164 = arith.constant 50 : i32
    %add3A_165 = arith.constant 124 : i32
    %add3A_166 = arith.addi %mul3A_2, %add3A_165 : i32
    %dma_start3A_167 = arith.constant 0 : i32
    %dma_start3A_168 = arith.constant 0 : i32
    %dma_start3A_169 = arith.constant 0 : i32
    %dma_start3A_170 = arith.constant 0 : i32
    %dma_start3A_171 = tpu.memref_slice %arg7[%dma_start3A_167, %dma_start3A_168, %dma_start3A_169, %dma_start3A_170] : memref<2x2x50x128xf32, #tpu.memory_space<vmem>> -> memref<1x2x50x128xf32, #tpu.memory_space<vmem>>
    %dma_start3A_172 = tpu.memref_squeeze %dma_start3A_171 : memref<1x2x50x128xf32, #tpu.memory_space<vmem>> -> memref<2x50x128xf32, #tpu.memory_space<vmem>>
    %dma_start3A_173 = arith.constant 0 : i32
    %dma_start3A_174 = arith.constant 0 : i32
    %dma_start3A_175 = tpu.memref_slice %arg4[%add3A_166, %dma_start3A_173, %dma_start3A_174] : memref<4096x56x128xf32, #tpu.memory_space<hbm>> -> memref<2x50x128xf32, #tpu.memory_space<hbm>>
    %dma_start3A_176 = arith.constant 0 : i32
    %dma_start3A_177 = arith.constant 0 : i32
    %dma_start3A_178 = tpu.memref_slice %arg4[%add3A_166, %dma_start3A_176, %dma_start3A_177] : memref<4096x56x128xf32, #tpu.memory_space<hbm>> -> memref<2x50x128xf32, #tpu.memory_space<hbm>>
    %dma_start3A_179 = arith.constant 0 : i32
    %dma_start3A_180 = arith.constant 0 : i32
    %dma_start3A_181 = arith.constant 0 : i32
    %dma_start3A_182 = tpu.memref_slice %arg7[%dma_start3A_167, %dma_start3A_179, %dma_start3A_180, %dma_start3A_181] : memref<2x2x50x128xf32, #tpu.memory_space<vmem>> -> memref<1x2x50x128xf32, #tpu.memory_space<vmem>>
    %dma_start3A_183 = tpu.memref_squeeze %dma_start3A_182 : memref<1x2x50x128xf32, #tpu.memory_space<vmem>> -> memref<2x50x128xf32, #tpu.memory_space<vmem>>
    tpu.enqueue_dma source(%dma_start3A_183 : memref<2x50x128xf32, #tpu.memory_space<vmem>>) target(%dma_start3A_178 : memref<2x50x128xf32, #tpu.memory_space<hbm>>) target_semaphore(%arg10 : memref<!tpu.dma_semaphore, #tpu.memory_space<semaphore_mem>>)
    %dma_wait3A_184 = arith.constant 63 : i32
    %dma_wait3A_185 = arith.constant 1 : i32
    %dma_wait3A_186 = arith.constant 0 : i32
    %dma_wait3A_187 = arith.constant 0 : i32
    %dma_wait3A_188 = tpu.memref_slice %arg6[%dma_wait3A_185, %dma_wait3A_186, %dma_wait3A_187] : memref<2x100x128xf32, #tpu.memory_space<vmem>> -> memref<1x100x128xf32, #tpu.memory_space<vmem>>
    %dma_wait3A_189 = tpu.memref_squeeze %dma_wait3A_188 : memref<1x100x128xf32, #tpu.memory_space<vmem>> -> memref<100x128xf32, #tpu.memory_space<vmem>>
    %dma_wait3A_190 = arith.constant 0 : i32
    %dma_wait3A_191 = tpu.memref_slice %arg5[%dma_wait3A_184, %dma_wait3A_190] : memref<64x100xi32, #tpu.memory_space<vmem>> -> memref<1x100xi32, #tpu.memory_space<vmem>>
    %dma_wait3A_192 = tpu.memref_squeeze %dma_wait3A_191 : memref<1x100xi32, #tpu.memory_space<vmem>> -> memref<100xi32, #tpu.memory_space<vmem>>
    %dma_wait3A_193 = arith.constant 0 : i32
    %dma_wait3A_194 = arith.constant 0 : i32
    %dma_wait3A_195 = tpu.memref_slice %arg3[%dma_wait3A_193, %dma_wait3A_194] : memref<100000x128xf32, #tpu.memory_space<hbm>> -> memref<100000x128xf32, #tpu.memory_space<hbm>>
    tpu.wait_indirect_dma semaphore(%arg9 : memref<!tpu.dma_semaphore, #tpu.memory_space<semaphore_mem>>) src(%dma_wait3A_195 : memref<100000x128xf32, #tpu.memory_space<hbm>>) dst(%dma_wait3A_189 : memref<100x128xf32, #tpu.memory_space<vmem>>)
    %dma_wait3A_196 = arith.constant 1 : i32
    %dma_wait3A_197 = arith.constant 0 : i32
    %dma_wait3A_198 = arith.constant 0 : i32
    %dma_wait3A_199 = arith.constant 0 : i32
    %dma_wait3A_200 = tpu.memref_slice %arg7[%dma_wait3A_196, %dma_wait3A_197, %dma_wait3A_198, %dma_wait3A_199] : memref<2x2x50x128xf32, #tpu.memory_space<vmem>> -> memref<1x2x50x128xf32, #tpu.memory_space<vmem>>
    %dma_wait3A_201 = tpu.memref_squeeze %dma_wait3A_200 : memref<1x2x50x128xf32, #tpu.memory_space<vmem>> -> memref<2x50x128xf32, #tpu.memory_space<vmem>>
    %dma_wait3A_202 = arith.constant 0 : i32
    %dma_wait3A_203 = arith.constant 0 : i32
    %dma_wait3A_204 = arith.constant 0 : i32
    %dma_wait3A_205 = tpu.memref_slice %arg4[%dma_wait3A_202, %dma_wait3A_203, %dma_wait3A_204] : memref<4096x56x128xf32, #tpu.memory_space<hbm>> -> memref<2x50x128xf32, #tpu.memory_space<hbm>>
    %dma_wait3A_206 = arith.constant 0 : i32
    %dma_wait3A_207 = arith.constant 0 : i32
    %dma_wait3A_208 = arith.constant 0 : i32
    %dma_wait3A_209 = tpu.memref_slice %arg4[%dma_wait3A_206, %dma_wait3A_207, %dma_wait3A_208] : memref<4096x56x128xf32, #tpu.memory_space<hbm>> -> memref<2x50x128xf32, #tpu.memory_space<hbm>>
    %dma_wait3A_210 = arith.constant 0 : i32
    %dma_wait3A_211 = arith.constant 0 : i32
    %dma_wait3A_212 = arith.constant 0 : i32
    %dma_wait3A_213 = tpu.memref_slice %arg7[%dma_wait3A_196, %dma_wait3A_210, %dma_wait3A_211, %dma_wait3A_212] : memref<2x2x50x128xf32, #tpu.memory_space<vmem>> -> memref<1x2x50x128xf32, #tpu.memory_space<vmem>>
    %dma_wait3A_214 = tpu.memref_squeeze %dma_wait3A_213 : memref<1x2x50x128xf32, #tpu.memory_space<vmem>> -> memref<2x50x128xf32, #tpu.memory_space<vmem>>
    tpu.wait_dma2 semaphore(%arg11 : memref<!tpu.dma_semaphore, #tpu.memory_space<semaphore_mem>>) src(%dma_wait3A_214 : memref<2x50x128xf32, #tpu.memory_space<vmem>>) dst(%dma_wait3A_209 : memref<2x50x128xf32, #tpu.memory_space<hbm>>)
    %scan3A_215 = arith.constant 0 : i32
    %scan3A_216 = arith.constant 0 : i32
    %scan3A_217 = arith.constant 50 : i32
    %scan3A_218 = arith.addi %scan3A_216, %scan3A_217 : i32
    %scan3A_219 = arith.constant 1 : i32
    scf.for %scan3A_278 = %scan3A_216 to %scan3A_218 step %scan3A_219  : i32 {
      %add3A_279 = arith.constant 0 : i32
      %add3A_280 = arith.addi %add3A_279, %scan3A_278 : i32
      %get3A = arith.constant 1 : i32
      %get3A_281 = arith.index_cast %get3A : i32 to index
      %get3A_282 = arith.index_cast %add3A_280 : i32 to index
      %get3A_283 = arith.constant 0 : index
      %get3A_284 = tpu.vector_load %arg6[%get3A_281, %get3A_282, %get3A_283] {strides = array<i32>} : memref<2x100x128xf32, #tpu.memory_space<vmem>>, vector<1x1x16xf32>,
      %get3A_285 = vector.shape_cast %get3A_284 : vector<1x1x16xf32> to vector<16xf32>
      %mul3A_286 = arith.constant 11.3137083 : f32
      %mul3A_287 = vector.broadcast %mul3A_286 : f32 to vector<16xf32>
      %mul3A_288 = arith.mulf %get3A_285, %mul3A_287 : vector<16xf32>
      %swap3A = arith.constant 1 : i32
      %swap3A_289 = arith.constant 0 : i32
      %swap3A_290 = arith.index_cast %swap3A : i32 to index
      %swap3A_291 = arith.index_cast %swap3A_289 : i32 to index
      %swap3A_292 = arith.index_cast %scan3A_278 : i32 to index
      %swap3A_293 = arith.constant 0 : index
      %swap3A_294 = tpu.vector_load %arg7[%swap3A_290, %swap3A_291, %swap3A_292, %swap3A_293] {strides = array<i32>} : memref<2x2x50x128xf32, #tpu.memory_space<vmem>>, vector<1x1x1x16xf32>,
      %swap3A_295 = vector.shape_cast %swap3A_294 : vector<1x1x1x16xf32> to vector<16xf32>
      %swap3A_296 = vector.shape_cast %mul3A_288 : vector<16xf32> to vector<1x1x1x16xf32>
      tpu.vector_store %arg7[%swap3A_290, %swap3A_291, %swap3A_292, %swap3A_293], %swap3A_296 {strides = array<i32>} : memref<2x2x50x128xf32, #tpu.memory_space<vmem>>, vector<1x1x1x16xf32>,
      %add3A_297 = arith.constant 0 : i32
      %add3A_298 = arith.addi %add3A_297, %scan3A_278 : i32
      %get3A_299 = arith.constant 1 : i32
      %get3A_300 = arith.index_cast %get3A_299 : i32 to index
      %get3A_301 = arith.index_cast %add3A_298 : i32 to index
      %get3A_302 = arith.constant 16 : index
      %get3A_303 = tpu.vector_load %arg6[%get3A_300, %get3A_301, %get3A_302] {strides = array<i32>} : memref<2x100x128xf32, #tpu.memory_space<vmem>>, vector<1x1x16xf32>,
      %get3A_304 = vector.shape_cast %get3A_303 : vector<1x1x16xf32> to vector<16xf32>
      %mul3A_305 = arith.constant 11.3137083 : f32
      %mul3A_306 = vector.broadcast %mul3A_305 : f32 to vector<16xf32>
      %mul3A_307 = arith.mulf %get3A_304, %mul3A_306 : vector<16xf32>
      %swap3A_308 = arith.constant 1 : i32
      %swap3A_309 = arith.constant 0 : i32
      %swap3A_310 = arith.index_cast %swap3A_308 : i32 to index
      %swap3A_311 = arith.index_cast %swap3A_309 : i32 to index
      %swap3A_312 = arith.index_cast %scan3A_278 : i32 to index
      %swap3A_313 = arith.constant 16 : index
      %swap3A_314 = tpu.vector_load %arg7[%swap3A_310, %swap3A_311, %swap3A_312, %swap3A_313] {strides = array<i32>} : memref<2x2x50x128xf32, #tpu.memory_space<vmem>>, vector<1x1x1x16xf32>,
      %swap3A_315 = vector.shape_cast %swap3A_314 : vector<1x1x1x16xf32> to vector<16xf32>
      %swap3A_316 = vector.shape_cast %mul3A_307 : vector<16xf32> to vector<1x1x1x16xf32>
      tpu.vector_store %arg7[%swap3A_310, %swap3A_311, %swap3A_312, %swap3A_313], %swap3A_316 {strides = array<i32>} : memref<2x2x50x128xf32, #tpu.memory_space<vmem>>, vector<1x1x1x16xf32>,
      %add3A_317 = arith.constant 0 : i32
      %add3A_318 = arith.addi %add3A_317, %scan3A_278 : i32
      %get3A_319 = arith.constant 1 : i32
      %get3A_320 = arith.index_cast %get3A_319 : i32 to index
      %get3A_321 = arith.index_cast %add3A_318 : i32 to index
      %get3A_322 = arith.constant 32 : index
      %get3A_323 = tpu.vector_load %arg6[%get3A_320, %get3A_321, %get3A_322] {strides = array<i32>} : memref<2x100x128xf32, #tpu.memory_space<vmem>>, vector<1x1x16xf32>,
      %get3A_324 = vector.shape_cast %get3A_323 : vector<1x1x16xf32> to vector<16xf32>
      %mul3A_325 = arith.constant 11.3137083 : f32
      %mul3A_326 = vector.broadcast %mul3A_325 : f32 to vector<16xf32>
      %mul3A_327 = arith.mulf %get3A_324, %mul3A_326 : vector<16xf32>
      %swap3A_328 = arith.constant 1 : i32
      %swap3A_329 = arith.constant 0 : i32
      %swap3A_330 = arith.index_cast %swap3A_328 : i32 to index
      %swap3A_331 = arith.index_cast %swap3A_329 : i32 to index
      %swap3A_332 = arith.index_cast %scan3A_278 : i32 to index
      %swap3A_333 = arith.constant 32 : index
      %swap3A_334 = tpu.vector_load %arg7[%swap3A_330, %swap3A_331, %swap3A_332, %swap3A_333] {strides = array<i32>} : memref<2x2x50x128xf32, #tpu.memory_space<vmem>>, vector<1x1x1x16xf32>,
      %swap3A_335 = vector.shape_cast %swap3A_334 : vector<1x1x1x16xf32> to vector<16xf32>
      %swap3A_336 = vector.shape_cast %mul3A_327 : vector<16xf32> to vector<1x1x1x16xf32>
      tpu.vector_store %arg7[%swap3A_330, %swap3A_331, %swap3A_332, %swap3A_333], %swap3A_336 {strides = array<i32>} : memref<2x2x50x128xf32, #tpu.memory_space<vmem>>, vector<1x1x1x16xf32>,
      %add3A_337 = arith.constant 0 : i32
      %add3A_338 = arith.addi %add3A_337, %scan3A_278 : i32
      %get3A_339 = arith.constant 1 : i32
      %get3A_340 = arith.index_cast %get3A_339 : i32 to index
      %get3A_341 = arith.index_cast %add3A_338 : i32 to index
      %get3A_342 = arith.constant 48 : index
      %get3A_343 = tpu.vector_load %arg6[%get3A_340, %get3A_341, %get3A_342] {strides = array<i32>} : memref<2x100x128xf32, #tpu.memory_space<vmem>>, vector<1x1x16xf32>,
      %get3A_344 = vector.shape_cast %get3A_343 : vector<1x1x16xf32> to vector<16xf32>
      %mul3A_345 = arith.constant 11.3137083 : f32
      %mul3A_346 = vector.broadcast %mul3A_345 : f32 to vector<16xf32>
      %mul3A_347 = arith.mulf %get3A_344, %mul3A_346 : vector<16xf32>
      %swap3A_348 = arith.constant 1 : i32
      %swap3A_349 = arith.constant 0 : i32
      %swap3A_350 = arith.index_cast %swap3A_348 : i32 to index
      %swap3A_351 = arith.index_cast %swap3A_349 : i32 to index
      %swap3A_352 = arith.index_cast %scan3A_278 : i32 to index
      %swap3A_353 = arith.constant 48 : index
      %swap3A_354 = tpu.vector_load %arg7[%swap3A_350, %swap3A_351, %swap3A_352, %swap3A_353] {strides = array<i32>} : memref<2x2x50x128xf32, #tpu.memory_space<vmem>>, vector<1x1x1x16xf32>,
      %swap3A_355 = vector.shape_cast %swap3A_354 : vector<1x1x1x16xf32> to vector<16xf32>
      %swap3A_356 = vector.shape_cast %mul3A_347 : vector<16xf32> to vector<1x1x1x16xf32>
      tpu.vector_store %arg7[%swap3A_350, %swap3A_351, %swap3A_352, %swap3A_353], %swap3A_356 {strides = array<i32>} : memref<2x2x50x128xf32, #tpu.memory_space<vmem>>, vector<1x1x1x16xf32>,
      %add3A_357 = arith.constant 0 : i32
      %add3A_358 = arith.addi %add3A_357, %scan3A_278 : i32
      %get3A_359 = arith.constant 1 : i32
      %get3A_360 = arith.index_cast %get3A_359 : i32 to index
      %get3A_361 = arith.index_cast %add3A_358 : i32 to index
      %get3A_362 = arith.constant 64 : index
      %get3A_363 = tpu.vector_load %arg6[%get3A_360, %get3A_361, %get3A_362] {strides = array<i32>} : memref<2x100x128xf32, #tpu.memory_space<vmem>>, vector<1x1x16xf32>,
      %get3A_364 = vector.shape_cast %get3A_363 : vector<1x1x16xf32> to vector<16xf32>
      %mul3A_365 = arith.constant 11.3137083 : f32
      %mul3A_366 = vector.broadcast %mul3A_365 : f32 to vector<16xf32>
      %mul3A_367 = arith.mulf %get3A_364, %mul3A_366 : vector<16xf32>
      %swap3A_368 = arith.constant 1 : i32
      %swap3A_369 = arith.constant 0 : i32
      %swap3A_370 = arith.index_cast %swap3A_368 : i32 to index
      %swap3A_371 = arith.index_cast %swap3A_369 : i32 to index
      %swap3A_372 = arith.index_cast %scan3A_278 : i32 to index
      %swap3A_373 = arith.constant 64 : index
      %swap3A_374 = tpu.vector_load %arg7[%swap3A_370, %swap3A_371, %swap3A_372, %swap3A_373] {strides = array<i32>} : memref<2x2x50x128xf32, #tpu.memory_space<vmem>>, vector<1x1x1x16xf32>,
      %swap3A_375 = vector.shape_cast %swap3A_374 : vector<1x1x1x16xf32> to vector<16xf32>
      %swap3A_376 = vector.shape_cast %mul3A_367 : vector<16xf32> to vector<1x1x1x16xf32>
      tpu.vector_store %arg7[%swap3A_370, %swap3A_371, %swap3A_372, %swap3A_373], %swap3A_376 {strides = array<i32>} : memref<2x2x50x128xf32, #tpu.memory_space<vmem>>, vector<1x1x1x16xf32>,
      %add3A_377 = arith.constant 0 : i32
      %add3A_378 = arith.addi %add3A_377, %scan3A_278 : i32
      %get3A_379 = arith.constant 1 : i32
      %get3A_380 = arith.index_cast %get3A_379 : i32 to index
      %get3A_381 = arith.index_cast %add3A_378 : i32 to index
      %get3A_382 = arith.constant 80 : index
      %get3A_383 = tpu.vector_load %arg6[%get3A_380, %get3A_381, %get3A_382] {strides = array<i32>} : memref<2x100x128xf32, #tpu.memory_space<vmem>>, vector<1x1x16xf32>,
      %get3A_384 = vector.shape_cast %get3A_383 : vector<1x1x16xf32> to vector<16xf32>
      %mul3A_385 = arith.constant 11.3137083 : f32
      %mul3A_386 = vector.broadcast %mul3A_385 : f32 to vector<16xf32>
      %mul3A_387 = arith.mulf %get3A_384, %mul3A_386 : vector<16xf32>
      %swap3A_388 = arith.constant 1 : i32
      %swap3A_389 = arith.constant 0 : i32
      %swap3A_390 = arith.index_cast %swap3A_388 : i32 to index
      %swap3A_391 = arith.index_cast %swap3A_389 : i32 to index
      %swap3A_392 = arith.index_cast %scan3A_278 : i32 to index
      %swap3A_393 = arith.constant 80 : index
      %swap3A_394 = tpu.vector_load %arg7[%swap3A_390, %swap3A_391, %swap3A_392, %swap3A_393] {strides = array<i32>} : memref<2x2x50x128xf32, #tpu.memory_space<vmem>>, vector<1x1x1x16xf32>,
      %swap3A_395 = vector.shape_cast %swap3A_394 : vector<1x1x1x16xf32> to vector<16xf32>
      %swap3A_396 = vector.shape_cast %mul3A_387 : vector<16xf32> to vector<1x1x1x16xf32>
      tpu.vector_store %arg7[%swap3A_390, %swap3A_391, %swap3A_392, %swap3A_393], %swap3A_396 {strides = array<i32>} : memref<2x2x50x128xf32, #tpu.memory_space<vmem>>, vector<1x1x1x16xf32>,
      %add3A_397 = arith.constant 0 : i32
      %add3A_398 = arith.addi %add3A_397, %scan3A_278 : i32
      %get3A_399 = arith.constant 1 : i32
      %get3A_400 = arith.index_cast %get3A_399 : i32 to index
      %get3A_401 = arith.index_cast %add3A_398 : i32 to index
      %get3A_402 = arith.constant 96 : index
      %get3A_403 = tpu.vector_load %arg6[%get3A_400, %get3A_401, %get3A_402] {strides = array<i32>} : memref<2x100x128xf32, #tpu.memory_space<vmem>>, vector<1x1x16xf32>,
      %get3A_404 = vector.shape_cast %get3A_403 : vector<1x1x16xf32> to vector<16xf32>
      %mul3A_405 = arith.constant 11.3137083 : f32
      %mul3A_406 = vector.broadcast %mul3A_405 : f32 to vector<16xf32>
      %mul3A_407 = arith.mulf %get3A_404, %mul3A_406 : vector<16xf32>
      %swap3A_408 = arith.constant 1 : i32
      %swap3A_409 = arith.constant 0 : i32
      %swap3A_410 = arith.index_cast %swap3A_408 : i32 to index
      %swap3A_411 = arith.index_cast %swap3A_409 : i32 to index
      %swap3A_412 = arith.index_cast %scan3A_278 : i32 to index
      %swap3A_413 = arith.constant 96 : index
      %swap3A_414 = tpu.vector_load %arg7[%swap3A_410, %swap3A_411, %swap3A_412, %swap3A_413] {strides = array<i32>} : memref<2x2x50x128xf32, #tpu.memory_space<vmem>>, vector<1x1x1x16xf32>,
      %swap3A_415 = vector.shape_cast %swap3A_414 : vector<1x1x1x16xf32> to vector<16xf32>
      %swap3A_416 = vector.shape_cast %mul3A_407 : vector<16xf32> to vector<1x1x1x16xf32>
      tpu.vector_store %arg7[%swap3A_410, %swap3A_411, %swap3A_412, %swap3A_413], %swap3A_416 {strides = array<i32>} : memref<2x2x50x128xf32, #tpu.memory_space<vmem>>, vector<1x1x1x16xf32>,
      %add3A_417 = arith.constant 0 : i32
      %add3A_418 = arith.addi %add3A_417, %scan3A_278 : i32
      %get3A_419 = arith.constant 1 : i32
      %get3A_420 = arith.index_cast %get3A_419 : i32 to index
      %get3A_421 = arith.index_cast %add3A_418 : i32 to index
      %get3A_422 = arith.constant 112 : index
      %get3A_423 = tpu.vector_load %arg6[%get3A_420, %get3A_421, %get3A_422] {strides = array<i32>} : memref<2x100x128xf32, #tpu.memory_space<vmem>>, vector<1x1x16xf32>,
      %get3A_424 = vector.shape_cast %get3A_423 : vector<1x1x16xf32> to vector<16xf32>
      %mul3A_425 = arith.constant 11.3137083 : f32
      %mul3A_426 = vector.broadcast %mul3A_425 : f32 to vector<16xf32>
      %mul3A_427 = arith.mulf %get3A_424, %mul3A_426 : vector<16xf32>
      %swap3A_428 = arith.constant 1 : i32
      %swap3A_429 = arith.constant 0 : i32
      %swap3A_430 = arith.index_cast %swap3A_428 : i32 to index
      %swap3A_431 = arith.index_cast %swap3A_429 : i32 to index
      %swap3A_432 = arith.index_cast %scan3A_278 : i32 to index
      %swap3A_433 = arith.constant 112 : index
      %swap3A_434 = tpu.vector_load %arg7[%swap3A_430, %swap3A_431, %swap3A_432, %swap3A_433] {strides = array<i32>} : memref<2x2x50x128xf32, #tpu.memory_space<vmem>>, vector<1x1x1x16xf32>,
      %swap3A_435 = vector.shape_cast %swap3A_434 : vector<1x1x1x16xf32> to vector<16xf32>
      %swap3A_436 = vector.shape_cast %mul3A_427 : vector<16xf32> to vector<1x1x1x16xf32>
      tpu.vector_store %arg7[%swap3A_430, %swap3A_431, %swap3A_432, %swap3A_433], %swap3A_436 {strides = array<i32>} : memref<2x2x50x128xf32, #tpu.memory_space<vmem>>, vector<1x1x1x16xf32>,
      %add3A_437 = arith.constant 50 : i32
      %add3A_438 = arith.addi %add3A_437, %scan3A_278 : i32
      %get3A_439 = arith.constant 1 : i32
      %get3A_440 = arith.index_cast %get3A_439 : i32 to index
      %get3A_441 = arith.index_cast %add3A_438 : i32 to index
      %get3A_442 = arith.constant 0 : index
      %get3A_443 = tpu.vector_load %arg6[%get3A_440, %get3A_441, %get3A_442] {strides = array<i32>} : memref<2x100x128xf32, #tpu.memory_space<vmem>>, vector<1x1x16xf32>,
      %get3A_444 = vector.shape_cast %get3A_443 : vector<1x1x16xf32> to vector<16xf32>
      %mul3A_445 = arith.constant 11.3137083 : f32
      %mul3A_446 = vector.broadcast %mul3A_445 : f32 to vector<16xf32>
      %mul3A_447 = arith.mulf %get3A_444, %mul3A_446 : vector<16xf32>
      %swap3A_448 = arith.constant 1 : i32
      %swap3A_449 = arith.constant 1 : i32
      %swap3A_450 = arith.index_cast %swap3A_448 : i32 to index
      %swap3A_451 = arith.index_cast %swap3A_449 : i32 to index
      %swap3A_452 = arith.index_cast %scan3A_278 : i32 to index
      %swap3A_453 = arith.constant 0 : index
      %swap3A_454 = tpu.vector_load %arg7[%swap3A_450, %swap3A_451, %swap3A_452, %swap3A_453] {strides = array<i32>} : memref<2x2x50x128xf32, #tpu.memory_space<vmem>>, vector<1x1x1x16xf32>,
      %swap3A_455 = vector.shape_cast %swap3A_454 : vector<1x1x1x16xf32> to vector<16xf32>
      %swap3A_456 = vector.shape_cast %mul3A_447 : vector<16xf32> to vector<1x1x1x16xf32>
      tpu.vector_store %arg7[%swap3A_450, %swap3A_451, %swap3A_452, %swap3A_453], %swap3A_456 {strides = array<i32>} : memref<2x2x50x128xf32, #tpu.memory_space<vmem>>, vector<1x1x1x16xf32>,
      %add3A_457 = arith.constant 50 : i32
      %add3A_458 = arith.addi %add3A_457, %scan3A_278 : i32
      %get3A_459 = arith.constant 1 : i32
      %get3A_460 = arith.index_cast %get3A_459 : i32 to index
      %get3A_461 = arith.index_cast %add3A_458 : i32 to index
      %get3A_462 = arith.constant 16 : index
      %get3A_463 = tpu.vector_load %arg6[%get3A_460, %get3A_461, %get3A_462] {strides = array<i32>} : memref<2x100x128xf32, #tpu.memory_space<vmem>>, vector<1x1x16xf32>,
      %get3A_464 = vector.shape_cast %get3A_463 : vector<1x1x16xf32> to vector<16xf32>
      %mul3A_465 = arith.constant 11.3137083 : f32
      %mul3A_466 = vector.broadcast %mul3A_465 : f32 to vector<16xf32>
      %mul3A_467 = arith.mulf %get3A_464, %mul3A_466 : vector<16xf32>
      %swap3A_468 = arith.constant 1 : i32
      %swap3A_469 = arith.constant 1 : i32
      %swap3A_470 = arith.index_cast %swap3A_468 : i32 to index
      %swap3A_471 = arith.index_cast %swap3A_469 : i32 to index
      %swap3A_472 = arith.index_cast %scan3A_278 : i32 to index
      %swap3A_473 = arith.constant 16 : index
      %swap3A_474 = tpu.vector_load %arg7[%swap3A_470, %swap3A_471, %swap3A_472, %swap3A_473] {strides = array<i32>} : memref<2x2x50x128xf32, #tpu.memory_space<vmem>>, vector<1x1x1x16xf32>,
      %swap3A_475 = vector.shape_cast %swap3A_474 : vector<1x1x1x16xf32> to vector<16xf32>
      %swap3A_476 = vector.shape_cast %mul3A_467 : vector<16xf32> to vector<1x1x1x16xf32>
      tpu.vector_store %arg7[%swap3A_470, %swap3A_471, %swap3A_472, %swap3A_473], %swap3A_476 {strides = array<i32>} : memref<2x2x50x128xf32, #tpu.memory_space<vmem>>, vector<1x1x1x16xf32>,
      %add3A_477 = arith.constant 50 : i32
      %add3A_478 = arith.addi %add3A_477, %scan3A_278 : i32
      %get3A_479 = arith.constant 1 : i32
      %get3A_480 = arith.index_cast %get3A_479 : i32 to index
      %get3A_481 = arith.index_cast %add3A_478 : i32 to index
      %get3A_482 = arith.constant 32 : index
      %get3A_483 = tpu.vector_load %arg6[%get3A_480, %get3A_481, %get3A_482] {strides = array<i32>} : memref<2x100x128xf32, #tpu.memory_space<vmem>>, vector<1x1x16xf32>,
      %get3A_484 = vector.shape_cast %get3A_483 : vector<1x1x16xf32> to vector<16xf32>
      %mul3A_485 = arith.constant 11.3137083 : f32
      %mul3A_486 = vector.broadcast %mul3A_485 : f32 to vector<16xf32>
      %mul3A_487 = arith.mulf %get3A_484, %mul3A_486 : vector<16xf32>
      %swap3A_488 = arith.constant 1 : i32
      %swap3A_489 = arith.constant 1 : i32
      %swap3A_490 = arith.index_cast %swap3A_488 : i32 to index
      %swap3A_491 = arith.index_cast %swap3A_489 : i32 to index
      %swap3A_492 = arith.index_cast %scan3A_278 : i32 to index
      %swap3A_493 = arith.constant 32 : index
      %swap3A_494 = tpu.vector_load %arg7[%swap3A_490, %swap3A_491, %swap3A_492, %swap3A_493] {strides = array<i32>} : memref<2x2x50x128xf32, #tpu.memory_space<vmem>>, vector<1x1x1x16xf32>,
      %swap3A_495 = vector.shape_cast %swap3A_494 : vector<1x1x1x16xf32> to vector<16xf32>
      %swap3A_496 = vector.shape_cast %mul3A_487 : vector<16xf32> to vector<1x1x1x16xf32>
      tpu.vector_store %arg7[%swap3A_490, %swap3A_491, %swap3A_492, %swap3A_493], %swap3A_496 {strides = array<i32>} : memref<2x2x50x128xf32, #tpu.memory_space<vmem>>, vector<1x1x1x16xf32>,
      %add3A_497 = arith.constant 50 : i32
      %add3A_498 = arith.addi %add3A_497, %scan3A_278 : i32
      %get3A_499 = arith.constant 1 : i32
      %get3A_500 = arith.index_cast %get3A_499 : i32 to index
      %get3A_501 = arith.index_cast %add3A_498 : i32 to index
      %get3A_502 = arith.constant 48 : index
      %get3A_503 = tpu.vector_load %arg6[%get3A_500, %get3A_501, %get3A_502] {strides = array<i32>} : memref<2x100x128xf32, #tpu.memory_space<vmem>>, vector<1x1x16xf32>,
      %get3A_504 = vector.shape_cast %get3A_503 : vector<1x1x16xf32> to vector<16xf32>
      %mul3A_505 = arith.constant 11.3137083 : f32
      %mul3A_506 = vector.broadcast %mul3A_505 : f32 to vector<16xf32>
      %mul3A_507 = arith.mulf %get3A_504, %mul3A_506 : vector<16xf32>
      %swap3A_508 = arith.constant 1 : i32
      %swap3A_509 = arith.constant 1 : i32
      %swap3A_510 = arith.index_cast %swap3A_508 : i32 to index
      %swap3A_511 = arith.index_cast %swap3A_509 : i32 to index
      %swap3A_512 = arith.index_cast %scan3A_278 : i32 to index
      %swap3A_513 = arith.constant 48 : index
      %swap3A_514 = tpu.vector_load %arg7[%swap3A_510, %swap3A_511, %swap3A_512, %swap3A_513] {strides = array<i32>} : memref<2x2x50x128xf32, #tpu.memory_space<vmem>>, vector<1x1x1x16xf32>,
      %swap3A_515 = vector.shape_cast %swap3A_514 : vector<1x1x1x16xf32> to vector<16xf32>
      %swap3A_516 = vector.shape_cast %mul3A_507 : vector<16xf32> to vector<1x1x1x16xf32>
      tpu.vector_store %arg7[%swap3A_510, %swap3A_511, %swap3A_512, %swap3A_513], %swap3A_516 {strides = array<i32>} : memref<2x2x50x128xf32, #tpu.memory_space<vmem>>, vector<1x1x1x16xf32>,
      %add3A_517 = arith.constant 50 : i32
      %add3A_518 = arith.addi %add3A_517, %scan3A_278 : i32
      %get3A_519 = arith.constant 1 : i32
      %get3A_520 = arith.index_cast %get3A_519 : i32 to index
      %get3A_521 = arith.index_cast %add3A_518 : i32 to index
      %get3A_522 = arith.constant 64 : index
      %get3A_523 = tpu.vector_load %arg6[%get3A_520, %get3A_521, %get3A_522] {strides = array<i32>} : memref<2x100x128xf32, #tpu.memory_space<vmem>>, vector<1x1x16xf32>,
      %get3A_524 = vector.shape_cast %get3A_523 : vector<1x1x16xf32> to vector<16xf32>
      %mul3A_525 = arith.constant 11.3137083 : f32
      %mul3A_526 = vector.broadcast %mul3A_525 : f32 to vector<16xf32>
      %mul3A_527 = arith.mulf %get3A_524, %mul3A_526 : vector<16xf32>
      %swap3A_528 = arith.constant 1 : i32
      %swap3A_529 = arith.constant 1 : i32
      %swap3A_530 = arith.index_cast %swap3A_528 : i32 to index
      %swap3A_531 = arith.index_cast %swap3A_529 : i32 to index
      %swap3A_532 = arith.index_cast %scan3A_278 : i32 to index
      %swap3A_533 = arith.constant 64 : index
      %swap3A_534 = tpu.vector_load %arg7[%swap3A_530, %swap3A_531, %swap3A_532, %swap3A_533] {strides = array<i32>} : memref<2x2x50x128xf32, #tpu.memory_space<vmem>>, vector<1x1x1x16xf32>,
      %swap3A_535 = vector.shape_cast %swap3A_534 : vector<1x1x1x16xf32> to vector<16xf32>
      %swap3A_536 = vector.shape_cast %mul3A_527 : vector<16xf32> to vector<1x1x1x16xf32>
      tpu.vector_store %arg7[%swap3A_530, %swap3A_531, %swap3A_532, %swap3A_533], %swap3A_536 {strides = array<i32>} : memref<2x2x50x128xf32, #tpu.memory_space<vmem>>, vector<1x1x1x16xf32>,
      %add3A_537 = arith.constant 50 : i32
      %add3A_538 = arith.addi %add3A_537, %scan3A_278 : i32
      %get3A_539 = arith.constant 1 : i32
      %get3A_540 = arith.index_cast %get3A_539 : i32 to index
      %get3A_541 = arith.index_cast %add3A_538 : i32 to index
      %get3A_542 = arith.constant 80 : index
      %get3A_543 = tpu.vector_load %arg6[%get3A_540, %get3A_541, %get3A_542] {strides = array<i32>} : memref<2x100x128xf32, #tpu.memory_space<vmem>>, vector<1x1x16xf32>,
      %get3A_544 = vector.shape_cast %get3A_543 : vector<1x1x16xf32> to vector<16xf32>
      %mul3A_545 = arith.constant 11.3137083 : f32
      %mul3A_546 = vector.broadcast %mul3A_545 : f32 to vector<16xf32>
      %mul3A_547 = arith.mulf %get3A_544, %mul3A_546 : vector<16xf32>
      %swap3A_548 = arith.constant 1 : i32
      %swap3A_549 = arith.constant 1 : i32
      %swap3A_550 = arith.index_cast %swap3A_548 : i32 to index
      %swap3A_551 = arith.index_cast %swap3A_549 : i32 to index
      %swap3A_552 = arith.index_cast %scan3A_278 : i32 to index
      %swap3A_553 = arith.constant 80 : index
      %swap3A_554 = tpu.vector_load %arg7[%swap3A_550, %swap3A_551, %swap3A_552, %swap3A_553] {strides = array<i32>} : memref<2x2x50x128xf32, #tpu.memory_space<vmem>>, vector<1x1x1x16xf32>,
      %swap3A_555 = vector.shape_cast %swap3A_554 : vector<1x1x1x16xf32> to vector<16xf32>
      %swap3A_556 = vector.shape_cast %mul3A_547 : vector<16xf32> to vector<1x1x1x16xf32>
      tpu.vector_store %arg7[%swap3A_550, %swap3A_551, %swap3A_552, %swap3A_553], %swap3A_556 {strides = array<i32>} : memref<2x2x50x128xf32, #tpu.memory_space<vmem>>, vector<1x1x1x16xf32>,
      %add3A_557 = arith.constant 50 : i32
      %add3A_558 = arith.addi %add3A_557, %scan3A_278 : i32
      %get3A_559 = arith.constant 1 : i32
      %get3A_560 = arith.index_cast %get3A_559 : i32 to index
      %get3A_561 = arith.index_cast %add3A_558 : i32 to index
      %get3A_562 = arith.constant 96 : index
      %get3A_563 = tpu.vector_load %arg6[%get3A_560, %get3A_561, %get3A_562] {strides = array<i32>} : memref<2x100x128xf32, #tpu.memory_space<vmem>>, vector<1x1x16xf32>,
      %get3A_564 = vector.shape_cast %get3A_563 : vector<1x1x16xf32> to vector<16xf32>
      %mul3A_565 = arith.constant 11.3137083 : f32
      %mul3A_566 = vector.broadcast %mul3A_565 : f32 to vector<16xf32>
      %mul3A_567 = arith.mulf %get3A_564, %mul3A_566 : vector<16xf32>
      %swap3A_568 = arith.constant 1 : i32
      %swap3A_569 = arith.constant 1 : i32
      %swap3A_570 = arith.index_cast %swap3A_568 : i32 to index
      %swap3A_571 = arith.index_cast %swap3A_569 : i32 to index
      %swap3A_572 = arith.index_cast %scan3A_278 : i32 to index
      %swap3A_573 = arith.constant 96 : index
      %swap3A_574 = tpu.vector_load %arg7[%swap3A_570, %swap3A_571, %swap3A_572, %swap3A_573] {strides = array<i32>} : memref<2x2x50x128xf32, #tpu.memory_space<vmem>>, vector<1x1x1x16xf32>,
      %swap3A_575 = vector.shape_cast %swap3A_574 : vector<1x1x1x16xf32> to vector<16xf32>
      %swap3A_576 = vector.shape_cast %mul3A_567 : vector<16xf32> to vector<1x1x1x16xf32>
      tpu.vector_store %arg7[%swap3A_570, %swap3A_571, %swap3A_572, %swap3A_573], %swap3A_576 {strides = array<i32>} : memref<2x2x50x128xf32, #tpu.memory_space<vmem>>, vector<1x1x1x16xf32>,
      %add3A_577 = arith.constant 50 : i32
      %add3A_578 = arith.addi %add3A_577, %scan3A_278 : i32
      %get3A_579 = arith.constant 1 : i32
      %get3A_580 = arith.index_cast %get3A_579 : i32 to index
      %get3A_581 = arith.index_cast %add3A_578 : i32 to index
      %get3A_582 = arith.constant 112 : index
      %get3A_583 = tpu.vector_load %arg6[%get3A_580, %get3A_581, %get3A_582] {strides = array<i32>} : memref<2x100x128xf32, #tpu.memory_space<vmem>>, vector<1x1x16xf32>,
      %get3A_584 = vector.shape_cast %get3A_583 : vector<1x1x16xf32> to vector<16xf32>
      %mul3A_585 = arith.constant 11.3137083 : f32
      %mul3A_586 = vector.broadcast %mul3A_585 : f32 to vector<16xf32>
      %mul3A_587 = arith.mulf %get3A_584, %mul3A_586 : vector<16xf32>
      %swap3A_588 = arith.constant 1 : i32
      %swap3A_589 = arith.constant 1 : i32
      %swap3A_590 = arith.index_cast %swap3A_588 : i32 to index
      %swap3A_591 = arith.index_cast %swap3A_589 : i32 to index
      %swap3A_592 = arith.index_cast %scan3A_278 : i32 to index
      %swap3A_593 = arith.constant 112 : index
      %swap3A_594 = tpu.vector_load %arg7[%swap3A_590, %swap3A_591, %swap3A_592, %swap3A_593] {strides = array<i32>} : memref<2x2x50x128xf32, #tpu.memory_space<vmem>>, vector<1x1x1x16xf32>,
      %swap3A_595 = vector.shape_cast %swap3A_594 : vector<1x1x1x16xf32> to vector<16xf32>
      %swap3A_596 = vector.shape_cast %mul3A_587 : vector<16xf32> to vector<1x1x1x16xf32>
      tpu.vector_store %arg7[%swap3A_590, %swap3A_591, %swap3A_592, %swap3A_593], %swap3A_596 {strides = array<i32>} : memref<2x2x50x128xf32, #tpu.memory_space<vmem>>, vector<1x1x1x16xf32>,
    }
    %scan3A_220 = arith.constant 50 : i32
    %add3A_221 = arith.constant 126 : i32
    %add3A_222 = arith.addi %mul3A_2, %add3A_221 : i32
    %dma_start3A_223 = arith.constant 1 : i32
    %dma_start3A_224 = arith.constant 0 : i32
    %dma_start3A_225 = arith.constant 0 : i32
    %dma_start3A_226 = arith.constant 0 : i32
    %dma_start3A_227 = tpu.memref_slice %arg7[%dma_start3A_223, %dma_start3A_224, %dma_start3A_225, %dma_start3A_226] : memref<2x2x50x128xf32, #tpu.memory_space<vmem>> -> memref<1x2x50x128xf32, #tpu.memory_space<vmem>>
    %dma_start3A_228 = tpu.memref_squeeze %dma_start3A_227 : memref<1x2x50x128xf32, #tpu.memory_space<vmem>> -> memref<2x50x128xf32, #tpu.memory_space<vmem>>
    %dma_start3A_229 = arith.constant 0 : i32
    %dma_start3A_230 = arith.constant 0 : i32
    %dma_start3A_231 = tpu.memref_slice %arg4[%add3A_222, %dma_start3A_229, %dma_start3A_230] : memref<4096x56x128xf32, #tpu.memory_space<hbm>> -> memref<2x50x128xf32, #tpu.memory_space<hbm>>
    %dma_start3A_232 = arith.constant 0 : i32
    %dma_start3A_233 = arith.constant 0 : i32
    %dma_start3A_234 = tpu.memref_slice %arg4[%add3A_222, %dma_start3A_232, %dma_start3A_233] : memref<4096x56x128xf32, #tpu.memory_space<hbm>> -> memref<2x50x128xf32, #tpu.memory_space<hbm>>
    %dma_start3A_235 = arith.constant 0 : i32
    %dma_start3A_236 = arith.constant 0 : i32
    %dma_start3A_237 = arith.constant 0 : i32
    %dma_start3A_238 = tpu.memref_slice %arg7[%dma_start3A_223, %dma_start3A_235, %dma_start3A_236, %dma_start3A_237] : memref<2x2x50x128xf32, #tpu.memory_space<vmem>> -> memref<1x2x50x128xf32, #tpu.memory_space<vmem>>
    %dma_start3A_239 = tpu.memref_squeeze %dma_start3A_238 : memref<1x2x50x128xf32, #tpu.memory_space<vmem>> -> memref<2x50x128xf32, #tpu.memory_space<vmem>>
    tpu.enqueue_dma source(%dma_start3A_239 : memref<2x50x128xf32, #tpu.memory_space<vmem>>) target(%dma_start3A_234 : memref<2x50x128xf32, #tpu.memory_space<hbm>>) target_semaphore(%arg11 : memref<!tpu.dma_semaphore, #tpu.memory_space<semaphore_mem>>)
    %dma_wait3A_240 = arith.constant 0 : i32
    %dma_wait3A_241 = arith.constant 0 : i32
    %dma_wait3A_242 = arith.constant 0 : i32
    %dma_wait3A_243 = arith.constant 0 : i32
    %dma_wait3A_244 = tpu.memref_slice %arg7[%dma_wait3A_240, %dma_wait3A_241, %dma_wait3A_242, %dma_wait3A_243] : memref<2x2x50x128xf32, #tpu.memory_space<vmem>> -> memref<1x2x50x128xf32, #tpu.memory_space<vmem>>
    %dma_wait3A_245 = tpu.memref_squeeze %dma_wait3A_244 : memref<1x2x50x128xf32, #tpu.memory_space<vmem>> -> memref<2x50x128xf32, #tpu.memory_space<vmem>>
    %dma_wait3A_246 = arith.constant 0 : i32
    %dma_wait3A_247 = arith.constant 0 : i32
    %dma_wait3A_248 = arith.constant 0 : i32
    %dma_wait3A_249 = tpu.memref_slice %arg4[%dma_wait3A_246, %dma_wait3A_247, %dma_wait3A_248] : memref<4096x56x128xf32, #tpu.memory_space<hbm>> -> memref<2x50x128xf32, #tpu.memory_space<hbm>>
    %dma_wait3A_250 = arith.constant 0 : i32
    %dma_wait3A_251 = arith.constant 0 : i32
    %dma_wait3A_252 = arith.constant 0 : i32
    %dma_wait3A_253 = tpu.memref_slice %arg4[%dma_wait3A_250, %dma_wait3A_251, %dma_wait3A_252] : memref<4096x56x128xf32, #tpu.memory_space<hbm>> -> memref<2x50x128xf32, #tpu.memory_space<hbm>>
    %dma_wait3A_254 = arith.constant 0 : i32
    %dma_wait3A_255 = arith.constant 0 : i32
    %dma_wait3A_256 = arith.constant 0 : i32
    %dma_wait3A_257 = tpu.memref_slice %arg7[%dma_wait3A_240, %dma_wait3A_254, %dma_wait3A_255, %dma_wait3A_256] : memref<2x2x50x128xf32, #tpu.memory_space<vmem>> -> memref<1x2x50x128xf32, #tpu.memory_space<vmem>>
    %dma_wait3A_258 = tpu.memref_squeeze %dma_wait3A_257 : memref<1x2x50x128xf32, #tpu.memory_space<vmem>> -> memref<2x50x128xf32, #tpu.memory_space<vmem>>
    tpu.wait_dma2 semaphore(%arg10 : memref<!tpu.dma_semaphore, #tpu.memory_space<semaphore_mem>>) src(%dma_wait3A_258 : memref<2x50x128xf32, #tpu.memory_space<vmem>>) dst(%dma_wait3A_253 : memref<2x50x128xf32, #tpu.memory_space<hbm>>)
    %dma_wait3A_259 = arith.constant 1 : i32
    %dma_wait3A_260 = arith.constant 0 : i32
    %dma_wait3A_261 = arith.constant 0 : i32
    %dma_wait3A_262 = arith.constant 0 : i32
    %dma_wait3A_263 = tpu.memref_slice %arg7[%dma_wait3A_259, %dma_wait3A_260, %dma_wait3A_261, %dma_wait3A_262] : memref<2x2x50x128xf32, #tpu.memory_space<vmem>> -> memref<1x2x50x128xf32, #tpu.memory_space<vmem>>
    %dma_wait3A_264 = tpu.memref_squeeze %dma_wait3A_263 : memref<1x2x50x128xf32, #tpu.memory_space<vmem>> -> memref<2x50x128xf32, #tpu.memory_space<vmem>>
    %dma_wait3A_265 = arith.constant 0 : i32
    %dma_wait3A_266 = arith.constant 0 : i32
    %dma_wait3A_267 = arith.constant 0 : i32
    %dma_wait3A_268 = tpu.memref_slice %arg4[%dma_wait3A_265, %dma_wait3A_266, %dma_wait3A_267] : memref<4096x56x128xf32, #tpu.memory_space<hbm>> -> memref<2x50x128xf32, #tpu.memory_space<hbm>>
    %dma_wait3A_269 = arith.constant 0 : i32
    %dma_wait3A_270 = arith.constant 0 : i32
    %dma_wait3A_271 = arith.constant 0 : i32
    %dma_wait3A_272 = tpu.memref_slice %arg4[%dma_wait3A_269, %dma_wait3A_270, %dma_wait3A_271] : memref<4096x56x128xf32, #tpu.memory_space<hbm>> -> memref<2x50x128xf32, #tpu.memory_space<hbm>>
    %dma_wait3A_273 = arith.constant 0 : i32
    %dma_wait3A_274 = arith.constant 0 : i32
    %dma_wait3A_275 = arith.constant 0 : i32
    %dma_wait3A_276 = tpu.memref_slice %arg7[%dma_wait3A_259, %dma_wait3A_273, %dma_wait3A_274, %dma_wait3A_275] : memref<2x2x50x128xf32, #tpu.memory_space<vmem>> -> memref<1x2x50x128xf32, #tpu.memory_space<vmem>>
    %dma_wait3A_277 = tpu.memref_squeeze %dma_wait3A_276 : memref<1x2x50x128xf32, #tpu.memory_space<vmem>> -> memref<2x50x128xf32, #tpu.memory_space<vmem>>
    tpu.wait_dma2 semaphore(%arg11 : memref<!tpu.dma_semaphore, #tpu.memory_space<semaphore_mem>>) src(%dma_wait3A_277 : memref<2x50x128xf32, #tpu.memory_space<vmem>>) dst(%dma_wait3A_272 : memref<2x50x128xf32, #tpu.memory_space<hbm>>)
    return
  }
}

module attributes {stable_mosaic.version = 14 : i64} {
  func.func @body(%arg0: i32, %arg1: memref<128x56x128xf32, #tpu.memory_space<vmem>>, %arg2: memref<128x50x128xf32, #tpu.memory_space<vmem>>) attributes {dimension_semantics = [#tpu.dimension_semantics<arbitrary>], iteration_bounds = array<i64: 32>, scalar_prefetch = 0 : i64, scratch_operands = 0 : i64, tpu.core_type = #tpu.core_type<tc>, window_params = [{transform_indices = @transform_0, window_bounds = array<i64: 128, 56, 128>}, {transform_indices = @transform_1, window_bounds = array<i64: 128, 50, 128>}]} {
    %get3A = arith.constant 0 : index
    %get3A_0 = arith.constant 0 : index
    %get3A_1 = arith.constant 0 : index
    %get3A_2 = vector.load %arg1[%get3A, %get3A_0, %get3A_1] : memref<128x56x128xf32, #tpu.memory_space<vmem>>, vector<128x50x128xf32>
    %swap3A = arith.constant 0 : index
    %swap3A_3 = arith.constant 0 : index
    %swap3A_4 = arith.constant 0 : index
    %swap3A_5 = vector.load %arg2[%swap3A, %swap3A_3, %swap3A_4] : memref<128x50x128xf32, #tpu.memory_space<vmem>>, vector<128x50x128xf32>
    tpu.vector_store %arg2[%swap3A, %swap3A_3, %swap3A_4], %get3A_2 {strides = array<i32>} : memref<128x50x128xf32, #tpu.memory_space<vmem>>, vector<128x50x128xf32>,
    return
  }
  func.func @transform_0(%arg0: i32) -> (i32, i32, i32) {
    %c0_i32 = arith.constant 0 : i32
    %c0_i32_0 = arith.constant 0 : i32
    %c0_i32_1 = arith.constant 0 : i32
    return %arg0, %c0_i32, %c0_i32_0 : i32, i32, i32
  }
  func.func @transform_1(%arg0: i32) -> (i32, i32, i32) {
    %c0_i32 = arith.constant 0 : i32
    %c0_i32_0 = arith.constant 0 : i32
    %c0_i32_1 = arith.constant 0 : i32
    return %arg0, %c0_i32, %c0_i32_0 : i32, i32, i32
  }
}

</mosaic_0001>

<sc_bundles>
// kernel: kernel.4.cloned.1.call-start
scs
__scs_entry_jumppad:
0x0: {  	(pc) =	sbr.rel $0x88, $3  }
0x1: {  	(tag) =	ssettag $0x0;
	lr =	simm.s32 $0x1  }
0x2: {  	[smem:$0x3F9F] =	sst lr;
	_ =	strace $0xD0000000  }
0x3: {  	_ = 	snop  }
0x4: {  	_ = 	snop  }
0x5: {  	_ = 	snop  }
0x6: {  	_ = 	snop  }
0x7: {  	_ = 	snop  }
__scs_overlays_trampoline_lowered:
0x8: {  	[smem:$0x3FAE] =	sst s0  }
0x9: {  	[smem:$0x3FAF] =	sst s1  }
0xa: {  	[smem:$0x3FB0] =	sst s2  }
0xb: {  	[smem:$0x3FB1] =	sst s3  }
0xc: {  	[smem:$0x3FB2] =	sst s4  }
0xd: {  	[smem:$0x3FB3] =	sst s5  }
0xe: {  	[smem:$0x3FB4] =	sst s6  }
0xf: {  	[smem:$0x3FB5] =	sst s7  }
0x10: {  	[smem:$0x3FB6] =	sst s8  }
0x11: {  	[smem:$0x3FB7] =	sst s9;
	s0 =	simm.s32 @!p0 $0x0  }
0x12: {  	s1 =	sld [smem:$0x3F9D];
	s0 =	simm.s32 @p0 $0x1  }
0x13: {  	[smem:$0x3FB8] =	sst s0;
	s0 =	simm.s32 @!p1 $0x0  }
0x14: {  	s2 =	sld [smem:$0x3F9C];
	s0 =	simm.s32 @p1 $0x1  }
0x15: {  	[smem:$0x3FB9] =	sst s0;
	s0 =	simm.s32 @!p2 $0x0  }
0x16: {  	s3 =	sld [smem:$0x3FDB];
	s0 =	simm.s32 @p2 $0x1  }
0x17: {  	s4 =	simm.s32 $0x1BF5;
	[smem:$0x3FBB] =	sst s0  }
0x18: {  	s0 =	sld [smem:$0x3F9E];
	_ =	swait.ge [sflag:s4], $0x0  }
0x19: {  	s7 =	sld [smem:$0x3F9F]  }
0x1a: {  	s8 =	sadd.s32 $0xFFFFE003, lr  }
0x1b: {  	s9 =	sadd.s32 $0xFFFFFEF7, lr;
	s5 =	simm.s32 $0xFFFFFFFF;
	p2 =	slt.u32 s8, $0xFFFFF086  }
0x1c: {  	p1 =	slt.u32 s9, $0xF7A;
	s5 =	simm.s32 @!p2 $0x0  }
0x1d: {  	s5 =	simm.s32 @p1 $0x1;
	p0 =	seq.s32 s7, s2  }
0x1e: {  	s7 =	smul.u32 @!p0 $0xF7A, s2;
	p2 =	seq.s32 @!p0 s5, $0x0  }
0x1f: {  	s9 =	smul.u32 $0xF7A, s1;
	s8 =	simm.s32 @!p0 $0x1BF5;
	p2 =	por !p2, p0  }
0x20: {  	[sflag:s8] =	ssyncset.s32 @!p0 $0xFFFFF086;
	s6 =	sadd.s32 @!p0 s3, s7;
	s7 =	simm.s32 @!p0 $0x108  }
0x21: {  	s3 =	sadd.s32 s3, s9;
	s6 =	sadd.s32 @!p0 $0x88, s6;
	s7 =	simm.s32 @p2 $0x1082  }
0x22: {  	[simem:s7], [sflag:s8] =	dma.local @!p0 [hbm:s6], $0xF7A  }
0x23: {  	s9 =	sor.u32 $0xD0000000, s2;
	s6 =	simm.s32 $0x108;
	_ =	swait.ge @!p0 [sflag:s8], $0x0  }
0x24: {  	s3 =	sadd.s32 $0x88, s3;
	s6 =	simm.s32 @!p1 $0x1082;
	[sflag:s4] =	ssyncset.s32 $0xFFFFF086  }
0x25: {  	[simem:s6], [sflag:s4] =	dma.local [hbm:s3], $0xF7A  }
0x26: {  	[smem:$0x3F9F] =	sst s1;
	(tag) =	ssettag s2;
	_ =	strace s9  }
0x27: {  	s1 =	sld [smem:$0x3FAF]  }
0x28: {  	s2 =	sld [smem:$0x3FB0]  }
0x29: {  	s4 =	sld [smem:$0x3FB2]  }
0x2a: {  	p0 =	seq.s32 s5, $0x0;
	s5 =	sld [smem:$0x3FB3]  }
0x2b: {  	s6 =	sld [smem:$0x3FB4]  }
0x2c: {  	s7 =	sld [smem:$0x3FB5]  }
0x2d: {  	s3 =	simm.s32 $0x108;
	s8 =	sld [smem:$0x3FB6]  }
0x2e: {  	s3 =	simm.s32 @!p0 $0x1082;
	s9 =	sld [smem:$0x3FB7]  }
0x2f: {  	lr =	sadd.s32 s0, s3;
	s0 =	sld [smem:$0x3FAE]  }
0x30: {  	s3 =	sld [smem:$0x3FB1]  }
0x31: {  	[smem:$0x3FBA] =	sst s10  }
0x32: {  	s10 =	sld [smem:$0x3FB8];
	_ =	sdelay $0x3  }
0x33: {  	p0 =	seq.s32 s10, $0x1;
	s10 =	sld [smem:$0x3FBA];
	_ =	sdelay $0x3  }
0x34: {  	[smem:$0x3FBA] =	sst s10  }
0x35: {  	s10 =	sld [smem:$0x3FB9];
	_ =	sdelay $0x3  }
0x36: {  	p1 =	seq.s32 s10, $0x1;
	s10 =	sld [smem:$0x3FBA];
	_ =	sdelay $0x3  }
0x37: {  	[smem:$0x3FBA] =	sst s10  }
0x38: {  	s10 =	sld [smem:$0x3FBB]  }
0x39: {  	_ = 	snop;
	(pc) =	sbr.ind lr, $3  }
0x3a: {  	_ = 	snop  }
0x3b: {  	_ = 	snop  }
0x3c: {  	p2 =	seq.s32 s10, $0x1;
	s10 =	sld [smem:$0x3FBA]  }
0x3d: {  	_ =	shalt  }
0x3e: {  	_ =	shalt  }
0x3f: {  	_ =	shalt  }
0x40: {  	_ =	shalt  }
0x41: {  	_ =	shalt  }
0x42: {  	_ =	shalt  }
0x43: {  	_ =	shalt  }
0x44: {  	_ =	shalt  }
0x45: {  	_ =	shalt  }
0x46: {  	_ =	shalt  }
0x47: {  	_ =	shalt  }
0x48: {  	_ =	shalt  }
0x49: {  	_ =	shalt  }
0x4a: {  	_ =	shalt  }
0x4b: {  	_ =	shalt  }
0x4c: {  	_ =	shalt  }
0x4d: {  	_ =	shalt  }
0x4e: {  	_ =	shalt  }
0x4f: {  	_ =	shalt  }
0x50: {  	_ =	shalt  }
0x51: {  	_ =	shalt  }
0x52: {  	_ =	shalt  }
0x53: {  	_ =	shalt  }
0x54: {  	_ =	shalt  }
0x55: {  	_ =	shalt  }
0x56: {  	_ =	shalt  }
0x57: {  	_ =	shalt  }
0x58: {  	_ =	shalt  }
0x59: {  	_ =	shalt  }
0x5a: {  	_ =	shalt  }
0x5b: {  	_ =	shalt  }
0x5c: {  	_ =	shalt  }
0x5d: {  	_ =	shalt  }
0x5e: {  	_ =	shalt  }
0x5f: {  	_ =	shalt  }
0x60: {  	_ =	shalt  }
0x61: {  	_ =	shalt  }
0x62: {  	_ =	shalt  }
0x63: {  	_ =	shalt  }
0x64: {  	_ =	shalt  }
0x65: {  	_ =	shalt  }
0x66: {  	_ =	shalt  }
0x67: {  	_ =	shalt  }
0x68: {  	_ =	shalt  }
0x69: {  	_ =	shalt  }
0x6a: {  	_ =	shalt  }
0x6b: {  	_ =	shalt  }
0x6c: {  	_ =	shalt  }
0x6d: {  	_ =	shalt  }
0x6e: {  	_ =	shalt  }
0x6f: {  	_ =	shalt  }
0x70: {  	_ =	shalt  }
0x71: {  	_ =	shalt  }
0x72: {  	_ =	shalt  }
0x73: {  	_ =	shalt  }
0x74: {  	_ =	shalt  }
0x75: {  	_ =	shalt  }
0x76: {  	_ =	shalt  }
0x77: {  	_ =	shalt  }
0x78: {  	_ =	shalt  }
0x79: {  	_ =	shalt  }
0x7a: {  	_ =	shalt  }
0x7b: {  	_ =	shalt  }
0x7c: {  	_ =	shalt  }
0x7d: {  	_ =	shalt  }
0x7e: {  	_ =	shalt  }
0x7f: {  	_ =	shalt  }
0x80: {  	_ =	shalt  }
0x81: {  	_ =	shalt  }
0x82: {  	_ =	shalt  }
0x83: {  	_ =	shalt  }
0x84: {  	_ =	shalt  }
0x85: {  	_ =	shalt  }
0x86: {  	_ =	shalt  }
0x87: {  	_ =	shalt  }
.Lfunc_end0:
.L_simem_size_0:
called_computation_lowered:
.L_overlay_start_0:
0x88: {  	s2 =	sld [smem:$0x3FD9]  }
0x89: {  	s3 =	sld [smem:$0x3FFE];
	_ =	sdelay $0x1  }
0x8a: {  	s1 =	srdreg.scid  }
0x8b: {  	s0 =	sand.u32 $0x1, s1  }
0x8c: {  	s17 =	sshll.u32 s0, $0xA;
	s2 =	sadd.s32 s3, s2  }
0x8d: {  	s2 =	sadd.s32 s2, s17  }
0x8e: {  	[smem:$0x3FC6] =	sst s2  }
0x8f: {  	_ = 	snop  }
0x90: {  	s2 =	sld [smem:$0x3FC8]  }
0x91: {  	s18 =	sld [smem:$0x3FD0];
	(tm) =	ssettm $0x1  }
0x92: {  	s4 =	sld [smem:$0x3FFB];
	_ =	sdelay $0x3  }
0x93: {  	_ =	strace s4  }
0x94: {  	s4 =	sld [smem:$0x3FFC];
	_ =	sdelay $0x3  }
0x95: {  	_ =	strace s4  }
0x96: {  	s4 =	sld [smem:$0x3FFD];
	_ =	sdelay $0x3  }
0x97: {  	_ =	strace s4  }
0x98: {  	_ =	strace $0x8FFFFFFF  }
0x99: {  	s19 =	sld [smem:$0x3FDB];
	_ =	sdelay $0x1  }
0x9a: {  	s5 =	simm.s32 $_scs_section_size  }
0x9b: {  	s6 =	simm.s32 $_size__tile_overlayer_lowered;
	s7 =	simm.s32 $_tile_overlayer_lowered  }
0x9c: {  	s22 =	simm.s32 $0x1BFF;
	s21 =	sshll.u32 s7, $0x1;
	s4 =	sadd.s32 s5, s19  }
0x9d: {  	s8 =	simm.s32 $0x0;
	s20 =	sshll.u32 s6, $0x1;
	s6 =	sadd.s32 s21, s4  }
0x9e: {  	[timem:s8], [sflag:s22] =	dma.local [hbm:s6], s20  }
0x9f: {  	_ =	swait.ge [sflag:s22], s20  }
0xa0: {  	s5 =	ssub.s32 $0x0, s20;
	[sflag:s22] =	ssyncset.done $0x0  }
0xa1: {  	[sflag:s22] =	ssyncadd.s32 s5;
	_ =	sdelay $0x1  }
0xa2: {  	s23 =	simm.s32 $0x1B8B  }
0xa3: {  	_ =	swait.ge [sflag:s23], $0x1  }
0xa4: {  	[sflag:s23] =	ssyncset.done $0x0  }
0xa5: {  	s25 =	simm.s32 $0x1B8E;
	s24 =	sld [smem:$0x3FFE];
	[sflag:s23] =	ssyncadd.s32 $0xFFFFFFFF  }
0xa6: {  	s26 =	simm.s32 $execute0_lowered;
	[smem:$0x3FD2] =	sst s25  }
0xa7: {  	s6 =	sshll.u32 s26, $0x1;
	_ =	strace $0x80000046;
	[dreg:$0x1] =	wrdreg $0xFFFFFFFF  }
0xa8: {  	s28 =	simm.s32 $_size_execute0_lowered;
	s4 =	sadd.s32 s4, s6;
	[dreg:$0x0] =	wrdreg $0x0  }
0xa9: {  	s6 =	sshll.u32 s28, $0x1;
	[dreg:$0x2] =	wrdreg s4  }
0xaa: {  	[dreg:$0x3] =	wrdreg s6  }
0xab: {  	[dreg:$0x4] =	wrdreg $0xC0  }
0xac: {  	_ =	task [dreg:s8], $0x5FFFF  }
0xad: {  	[dreg:$0x1] =	wrdreg $0xFFFFFFFF  }
0xae: {  	[dreg:$0x0] =	wrdreg $0x60  }
0xaf: {  	[dreg:$0x2] =	wrdreg s18  }
0xb0: {  	[dreg:$0x3] =	wrdreg s2  }
0xb1: {  	[dreg:$0x4] =	wrdreg s24  }
0xb2: {  	[dreg:$0x5] =	wrdreg $0x9  }
0xb3: {  	_ =	task.clear_ibuf [dreg:s8], $0x6FFFF;
	_ =	strace $0x90000046  }
0xb4: {  	s29 =	simm.s32 $0x9;
	_ =	strace $0x80000048  }
0xb5: {  	_ =	swait.ge [sflag:s29], $0x1  }
0xb6: {  	[sflag:s29] =	ssyncadd.s32 $0xFFFFFFFF  }
0xb7: {  	_ =	strace $0x90000048  }
0xb8: {  	_ =	sfence  }
0xb9: {  	s30 =	sld [smem:$0x0];
	_ =	sdelay $0x2  }
0xba: {  	s31 =	sshll.u32 s1, $0xD;
	s1 =	sshrl.u32 s1, $0x2  }
0xbb: {  	s3 =	sand.u32 $0x4000, s31;
	s1 =	sadd.s32 s1, s30  }
0xbc: {  	s0 =	sor.u32 s3, s0;
	s1 =	sshll.u32 s1, $0x11  }
0xbd: {  	s0 =	sor.u32 s1, s0  }
0xbe: {  	s0 =	sadd.s32 $0x8F2B, s0  }
0xbf: {  	[sflag:s0] =	ssyncadd.remote.s32 $0x1  }
0xc0: {  	_ =	sfence.sel $0xFFFF  }
0xc1: {  	[dreg:$0x0] =	wrdreg $0xFFFFFFFF;
	(pc) =	sbr.abs _section_cstart, $3  }
0xc2: {  	[dreg:$0x1] =	wrdreg $0xFFFFFFFF  }
0xc3: {  	_ =	task.clear_ibuf [dreg:s8], $0x2FFFF;
	_ =	strace $0x9FFFFFFF  }
0xc4: {  	(tm) =	ssettm $0x7FFFFFFF  }
0xc5: {  	_ =	shalt  }
tec
execute0_lowered:
.L_overlay_start_1:
0x0: {  	(tag) =	ssettag $0x1  }
0x1: {  	s0 =	rddreg [dreg:$0x0]  }
0x2: {  	s1 =	srdreg.scid;
	s2 =	rddreg [dreg:$0x1]  }
0x3: {  	s3 =	stileid.u32;
	s4 =	rddreg [dreg:$0x2];
	s12 =	simm.s32 $0x5  }
0x4: {  	s13 =	simm.s32 $0x64;
	s14 =	simm.s32 $0x1A00;
	s16 =	simm.s32 $0x4C00  }
0x5: {  	s17 =	simm.s32 $0x1;
	s18 =	simm.s32 $0x1900;
	s19 =	simm.s32 $0x1C00  }
0x6: {  	s20 =	simm.s32 $0x7E00;
	s21 =	simm.s32 $0xD0;
	s22 =	simm.s32 $0x2  }
0x7: {  	s23 =	simm.s32 $0xB000;
	s24 =	simm.s32 $0x138;
	s25 =	simm.s32 $0x3  }
0x8: {  	s26 =	simm.s32 $0x4;
	s1 =	sand.u32 $0x1, s1;
	s3 =	sshll.u32 s3, $0x1  }
0x9: {  	s28 =	simm.s32 $0x0;
	s4 =	sadd.s32 $0x400, s4;
	s7 =	sor.u32 s1, s3  }
0xa: {  	s3 =	simm.s32 $0x0;
	s1 =	ssub.s32 $0x2, s1;
	s5 =	smul.u32 $0x340, s7  }
0xb: {  	[smem:$0x7FF] =	sst s3;
	s6 =	smul.u32 $0xE0000, s7;
	s8 =	sshrl.u32 s1, $0x1  }
0xc: {  	s9 =	smul.u32 $0x1C000, s7;
	s7 =	sshll.u32 s7, $0x7;
	_ =	strace $0x80000047  }
0xd: {  	s1 =	ssub.s32 s1, s8;
	s30 =	sshrl.u32 s6, $0x3;
	s5 =	sadd.s32 s0, s5  }
0xe: {  	s6 =	sadd.s32 s4, s9;
	s11 =	smax.u32 s1, $0x1;
	s31 =	sadd.s32 s4, s30  }
0xf: {  	s8 =	sadd.s32 $0x700, s6;
	s9 =	sadd.s32 $0x1B200, s31;
	s10 =	sadd.s32 $0x1B900, s31  }
.LBB2_1:
0x10: {  	[tilespmem:s3], [sflag:$0x5] =	stream.linear.gather [hbm4b:s5+s3], $0x1A00, $0x38;
	[tilespmem:$0xE200] =	vst v63  }
0x11: {  	_ =	swait.ge [sflag:s12], $0x1A00  }
0x12: {  	[sflag:s12] =	ssyncset.done $0x0  }
0x13: {  	[sflag:s12] =	ssyncadd.s32 $0xFFFFE600  }
0x14: {  	[tilespmem:s14], [sflag:$0x1] =	stream.indirect.gather [hbm4b:s2+s13], $0x80, s3, s13, $0xb8;
	[tilespmem:$0xE200] =	vst v63  }
0x15: {  	s0 =	simm.s32 $0x68  }
0x16: {  	[tilespmem:s16], [sflag:$0x2] =	stream.indirect.gather [hbm4b:s2+s13], $0x80, s0, s13, $0xb8;
	[tilespmem:$0xE200] =	vst v63  }
0x17: {  	_ =	swait.ge [sflag:s17], $0x3200  }
0x18: {  	[sflag:s17] =	ssyncset.done $0x0  }
0x19: {  	s29 =	simm.s32 $0xFFFFE700;
	[sflag:s17] =	ssyncadd.s32 $0xFFFFCE00  }
0x1a: {  	v0 =	vld [tilespmem:s29+$0x4C70]  }
0x1b: {  	v1 =	vld [tilespmem:s29+$0x3300]  }
0x1c: {  	v2 =	vld [tilespmem:s29+$0x3310]  }
0x1d: {  	v3 =	vld [tilespmem:s29+$0x3320]  }
0x1e: {  	v6 =	vld [tilespmem:s29+$0x3350]  }
0x1f: {  	v4 =	vld [tilespmem:s29+$0x3330];
	v0 =	vmul.f32 $1.131370830e+01, v0  }
0x20: {  	v5 =	vld [tilespmem:s29+$0x3340];
	v1 =	vmul.f32 $1.131370830e+01, v1  }
0x21: {  	v7 =	vld [tilespmem:s29+$0x3360];
	[tilespmem:s29+$0xB070] =	vst v0;
	v0 =	vmul.f32 $1.131370830e+01, v2  }
0x22: {  	v8 =	vld [tilespmem:s29+$0x3370];
	[tilespmem:s29+$0x9700] =	vst v1;
	v1 =	vmul.f32 $1.131370830e+01, v3  }
0x23: {  	v2 =	vmul.f32 $1.131370830e+01, v6;
	[tilespmem:s29+$0x9710] =	vst v0  }
0x24: {  	v9 =	vld [tilespmem:s29+$0x4C00];
	v0 =	vmul.f32 $1.131370830e+01, v4;
	[tilespmem:s29+$0x9720] =	vst v1  }
0x25: {  	v4 =	vld [tilespmem:s29+$0x4C10];
	v1 =	vmul.f32 $1.131370830e+01, v5;
	[tilespmem:s29+$0x9750] =	vst v2  }
0x26: {  	v3 =	vmul.f32 $1.131370830e+01, v7;
	[tilespmem:s29+$0x9730] =	vst v0;
	v0 =	vld [tilespmem:s29+$0x4C20]  }
0x27: {  	v5 =	vmul.f32 $1.131370830e+01, v8;
	[tilespmem:s29+$0x9740] =	vst v1;
	v1 =	vld [tilespmem:s29+$0x4C30]  }
0x28: {  	v2 =	vld [tilespmem:s29+$0x4C40];
	[tilespmem:s29+$0x9760] =	vst v3  }
0x29: {  	v3 =	vld [tilespmem:s29+$0x4C50];
	[tilespmem:s29+$0x9770] =	vst v5;
	v5 =	vmul.f32 $1.131370830e+01, v9  }
0x2a: {  	s1 =	simm.s32 $0xFFFFA000;
	s0 =	simm.s32 $0xFFFFE780;
	v6 =	vmul.f32 $1.131370830e+01, v4;
	v4 =	vld [tilespmem:s29+$0x4C60]  }
.LBB2_2:
0x2b: {  	p0 =	sne.s32 s1, $0xFFFFFE00;
	v7 =	vld [tilespmem:s0+$0x4C70];
	[tilespmem:s29+$0xB000] =	vst v5;
	v0 =	vmul.f32 $1.131370830e+01, v0  }
0x2c: {  	v5 =	vld [tilespmem:s0+$0x3300];
	[tilespmem:s29+$0xB010] =	vst v6;
	v1 =	vmul.f32 $1.131370830e+01, v1  }
0x2d: {  	v6 =	vld [tilespmem:s0+$0x3310];
	[tilespmem:s29+$0xB020] =	vst v0;
	v0 =	vmul.f32 $1.131370830e+01, v2  }
0x2e: {  	v2 =	vld [tilespmem:s0+$0x3320];
	[tilespmem:s29+$0xB030] =	vst v1;
	v1 =	vmul.f32 $1.131370830e+01, v3  }
0x2f: {  	v3 =	vld [tilespmem:s0+$0x3330];
	[tilespmem:s29+$0xB040] =	vst v0;
	v0 =	vmul.f32 $1.131370830e+01, v4  }
0x30: {  	v4 =	vld [tilespmem:s0+$0x3340];
	v7 =	vmul.f32 $1.131370830e+01, v7;
	[tilespmem:s29+$0xB050] =	vst v1  }
0x31: {  	v1 =	vmul.f32 $1.131370830e+01, v5;
	v5 =	vld [tilespmem:s0+$0x3350];
	[tilespmem:s29+$0xB060] =	vst v0;
	s29 =	smov.u32 s0  }
0x32: {  	v0 =	vmul.f32 $1.131370830e+01, v6;
	v6 =	vld [tilespmem:s29+$0x3360];
	[tilespmem:s29+$0xB070] =	vst v7  }
0x33: {  	[tilespmem:s29+$0x9700] =	vst v1;
	v1 =	vmul.f32 $1.131370830e+01, v2;
	v2 =	vld [tilespmem:s29+$0x3370]  }
0x34: {  	[tilespmem:s29+$0x9710] =	vst v0;
	v0 =	vmul.f32 $1.131370830e+01, v3;
	v3 =	vld [tilespmem:s29+$0x4C00]  }
0x35: {  	[tilespmem:s29+$0x9720] =	vst v1;
	v1 =	vmul.f32 $1.131370830e+01, v4;
	v4 =	vld [tilespmem:s29+$0x4C10]  }
.Ltmp0:
0x36: {  	[tilespmem:s29+$0x9730] =	vst v0;
	v5 =	vmul.f32 $1.131370830e+01, v5;
	v0 =	vld [tilespmem:s29+$0x4C20];
	(pc) =	sbr.rel @p0 .LBB2_2-.Ltmp0, $4  }
0x37: {  	[tilespmem:s29+$0x9740] =	vst v1;
	v6 =	vmul.f32 $1.131370830e+01, v6;
	v1 =	vld [tilespmem:s29+$0x4C30]  }
0x38: {  	[tilespmem:s29+$0x9750] =	vst v5;
	v7 =	vmul.f32 $1.131370830e+01, v2;
	v2 =	vld [tilespmem:s29+$0x4C40]  }
0x39: {  	[tilespmem:s29+$0x9760] =	vst v6;
	v5 =	vmul.f32 $1.131370830e+01, v3;
	v3 =	vld [tilespmem:s29+$0x4C50]  }
0x3a: {  	s0 =	sshra.s32 s1, $0x2;
	s1 =	sadd.s32 $0x200, s1;
	[tilespmem:s29+$0x9770] =	vst v7;
	v6 =	vmul.f32 $1.131370830e+01, v4;
	v4 =	vld [tilespmem:s29+$0x4C60]  }
0x3b: {  	v7 =	vld [tilespmem:s0+$0x4C70];
	[tilespmem:s29+$0xB000] =	vst v5;
	v0 =	vmul.f32 $1.131370830e+01, v0  }
0x3c: {  	v5 =	vld [tilespmem:s0+$0x3300];
	[tilespmem:s29+$0xB010] =	vst v6;
	v1 =	vmul.f32 $1.131370830e+01, v1  }
0x3d: {  	v6 =	vld [tilespmem:s0+$0x3310];
	[tilespmem:s29+$0xB020] =	vst v0;
	v2 =	vmul.f32 $1.131370830e+01, v2  }
0x3e: {  	v0 =	vld [tilespmem:s0+$0x3320];
	[tilespmem:s29+$0xB030] =	vst v1;
	v3 =	vmul.f32 $1.131370830e+01, v3  }
0x3f: {  	v1 =	vld [tilespmem:s0+$0x3330];
	[tilespmem:s29+$0xB040] =	vst v2;
	v4 =	vmul.f32 $1.131370830e+01, v4  }
0x40: {  	v2 =	vld [tilespmem:s0+$0x3340];
	[tilespmem:s29+$0xB050] =	vst v3;
	v7 =	vmul.f32 $1.131370830e+01, v7  }
0x41: {  	v3 =	vld [tilespmem:s0+$0x3350];
	[tilespmem:s29+$0xB060] =	vst v4;
	v4 =	vmul.f32 $1.131370830e+01, v5  }
0x42: {  	v5 =	vld [tilespmem:s0+$0x3360];
	[tilespmem:s0+$0xB070] =	vst v7;
	v6 =	vmul.f32 $1.131370830e+01, v6  }
0x43: {  	[tilespmem:s0+$0x9700] =	vst v4;
	v4 =	vld [tilespmem:s0+$0x3370];
	v0 =	vmul.f32 $1.131370830e+01, v0  }
0x44: {  	[tilespmem:s0+$0x9710] =	vst v6;
	v6 =	vld [tilespmem:s0+$0x4C00];
	v1 =	vmul.f32 $1.131370830e+01, v1  }
0x45: {  	[tilespmem:s0+$0x9720] =	vst v0;
	v0 =	vld [tilespmem:s0+$0x4C10];
	v2 =	vmul.f32 $1.131370830e+01, v2  }
0x46: {  	[tilespmem:s0+$0x9730] =	vst v1;
	v1 =	vld [tilespmem:s0+$0x4C20];
	v3 =	vmul.f32 $1.131370830e+01, v3  }
0x47: {  	[tilespmem:s0+$0x9740] =	vst v2;
	v2 =	vld [tilespmem:s0+$0x4C30];
	v5 =	vmul.f32 $1.131370830e+01, v5  }
0x48: {  	[tilespmem:s0+$0x9750] =	vst v3;
	v3 =	vld [tilespmem:s0+$0x4C40];
	v4 =	vmul.f32 $1.131370830e+01, v4  }
0x49: {  	[tilespmem:s0+$0x9760] =	vst v5;
	v5 =	vld [tilespmem:s0+$0x4C50];
	v6 =	vmul.f32 $1.131370830e+01, v6  }
0x4a: {  	[tilespmem:s0+$0x9770] =	vst v4;
	v0 =	vmul.f32 $1.131370830e+01, v0;
	v4 =	vld [tilespmem:s0+$0x4C60]  }
0x4b: {  	[tilespmem:s0+$0xB000] =	vst v6;
	v1 =	vmul.f32 $1.131370830e+01, v1  }
0x4c: {  	[tilespmem:s0+$0xB010] =	vst v0;
	v0 =	vmul.f32 $1.131370830e+01, v2  }
0x4d: {  	[tilespmem:s0+$0xB020] =	vst v1;
	v1 =	vmul.f32 $1.131370830e+01, v3  }
0x4e: {  	[tilespmem:s0+$0xB030] =	vst v0;
	v0 =	vmul.f32 $1.131370830e+01, v5  }
0x4f: {  	[tilespmem:s0+$0xB040] =	vst v1;
	v1 =	vmul.f32 $1.131370830e+01, v4  }
0x50: {  	[tilespmem:s0+$0xB050] =	vst v0  }
0x51: {  	[tilespmem:s0+$0xB060] =	vst v1  }
0x52: {  	[hbm4b:s6+s18] =	stream.strided.scatter [tilespmem:s20], [sflag:$0x3], $0x3200, s19, s18, $0x38;
	[tilespmem:$0xE200] =	vst v63  }
0x53: {  	_ = 	snop  }
0x54: {  	[tilespmem:s14], [sflag:$0x1] =	stream.indirect.gather [hbm4b:s2+s13], $0x80, s21, s13, $0xb8;
	[tilespmem:$0xE200] =	vst v63  }
0x55: {  	_ =	swait.ge [sflag:s22], $0x3200  }
0x56: {  	[sflag:s22] =	ssyncset.done $0x0  }
0x57: {  	s29 =	simm.s32 $0x0;
	[sflag:s22] =	ssyncadd.s32 $0xFFFFCE00  }
0x58: {  	v0 =	vld [tilespmem:s29+$0x6570]  }
0x59: {  	v1 =	vld [tilespmem:s29+$0x4C00]  }
0x5a: {  	v2 =	vld [tilespmem:s29+$0x4C10]  }
0x5b: {  	v3 =	vld [tilespmem:s29+$0x4C20]  }
0x5c: {  	v6 =	vld [tilespmem:s29+$0x4C50]  }
0x5d: {  	v4 =	vld [tilespmem:s29+$0x4C30];
	v0 =	vmul.f32 $1.131370830e+01, v0  }
0x5e: {  	v5 =	vld [tilespmem:s29+$0x4C40];
	v1 =	vmul.f32 $1.131370830e+01, v1  }
0x5f: {  	v7 =	vld [tilespmem:s29+$0x4C60];
	[tilespmem:s29+$0xC970] =	vst v0;
	v0 =	vmul.f32 $1.131370830e+01, v2  }
0x60: {  	v8 =	vld [tilespmem:s29+$0x4C70];
	[tilespmem:s29+$0xB000] =	vst v1;
	v1 =	vmul.f32 $1.131370830e+01, v3  }
0x61: {  	v2 =	vmul.f32 $1.131370830e+01, v6;
	[tilespmem:s29+$0xB010] =	vst v0  }
0x62: {  	v9 =	vld [tilespmem:s29+$0x6500];
	v0 =	vmul.f32 $1.131370830e+01, v4;
	[tilespmem:s29+$0xB020] =	vst v1  }
0x63: {  	v4 =	vld [tilespmem:s29+$0x6510];
	v1 =	vmul.f32 $1.131370830e+01, v5;
	[tilespmem:s29+$0xB050] =	vst v2  }
0x64: {  	v3 =	vmul.f32 $1.131370830e+01, v7;
	[tilespmem:s29+$0xB030] =	vst v0;
	v0 =	vld [tilespmem:s29+$0x6520]  }
0x65: {  	v5 =	vmul.f32 $1.131370830e+01, v8;
	[tilespmem:s29+$0xB040] =	vst v1;
	v1 =	vld [tilespmem:s29+$0x6530]  }
0x66: {  	v2 =	vld [tilespmem:s29+$0x6540];
	[tilespmem:s29+$0xB060] =	vst v3  }
0x67: {  	v3 =	vld [tilespmem:s29+$0x6550];
	[tilespmem:s29+$0xB070] =	vst v5;
	v5 =	vmul.f32 $1.131370830e+01, v9  }
0x68: {  	s1 =	simm.s32 $0x400;
	s0 =	simm.s32 $0x80;
	v6 =	vmul.f32 $1.131370830e+01, v4;
	v4 =	vld [tilespmem:s29+$0x6560]  }
.LBB2_4:
0x69: {  	p0 =	sne.s32 s1, $0x6200;
	v7 =	vld [tilespmem:s0+$0x6570];
	[tilespmem:s29+$0xC900] =	vst v5;
	v0 =	vmul.f32 $1.131370830e+01, v0  }
0x6a: {  	v5 =	vld [tilespmem:s0+$0x4C00];
	[tilespmem:s29+$0xC910] =	vst v6;
	v1 =	vmul.f32 $1.131370830e+01, v1  }
0x6b: {  	v6 =	vld [tilespmem:s0+$0x4C10];
	[tilespmem:s29+$0xC920] =	vst v0;
	v0 =	vmul.f32 $1.131370830e+01, v2  }
0x6c: {  	v2 =	vld [tilespmem:s0+$0x4C20];
	[tilespmem:s29+$0xC930] =	vst v1;
	v1 =	vmul.f32 $1.131370830e+01, v3  }
0x6d: {  	v3 =	vld [tilespmem:s0+$0x4C30];
	[tilespmem:s29+$0xC940] =	vst v0;
	v0 =	vmul.f32 $1.131370830e+01, v4  }
0x6e: {  	v4 =	vld [tilespmem:s0+$0x4C40];
	v7 =	vmul.f32 $1.131370830e+01, v7;
	[tilespmem:s29+$0xC950] =	vst v1  }
0x6f: {  	v1 =	vmul.f32 $1.131370830e+01, v5;
	v5 =	vld [tilespmem:s0+$0x4C50];
	[tilespmem:s29+$0xC960] =	vst v0;
	s29 =	smov.u32 s0  }
0x70: {  	v0 =	vmul.f32 $1.131370830e+01, v6;
	v6 =	vld [tilespmem:s29+$0x4C60];
	[tilespmem:s29+$0xC970] =	vst v7  }
0x71: {  	[tilespmem:s29+$0xB000] =	vst v1;
	v1 =	vmul.f32 $1.131370830e+01, v2;
	v2 =	vld [tilespmem:s29+$0x4C70]  }
0x72: {  	[tilespmem:s29+$0xB010] =	vst v0;
	v0 =	vmul.f32 $1.131370830e+01, v3;
	v3 =	vld [tilespmem:s29+$0x6500]  }
0x73: {  	[tilespmem:s29+$0xB020] =	vst v1;
	v1 =	vmul.f32 $1.131370830e+01, v4;
	v4 =	vld [tilespmem:s29+$0x6510]  }
.Ltmp1:
0x74: {  	[tilespmem:s29+$0xB030] =	vst v0;
	v5 =	vmul.f32 $1.131370830e+01, v5;
	v0 =	vld [tilespmem:s29+$0x6520];
	(pc) =	sbr.rel @p0 .LBB2_4-.Ltmp1, $4  }
0x75: {  	[tilespmem:s29+$0xB040] =	vst v1;
	v6 =	vmul.f32 $1.131370830e+01, v6;
	v1 =	vld [tilespmem:s29+$0x6530]  }
0x76: {  	[tilespmem:s29+$0xB050] =	vst v5;
	v7 =	vmul.f32 $1.131370830e+01, v2;
	v2 =	vld [tilespmem:s29+$0x6540]  }
0x77: {  	[tilespmem:s29+$0xB060] =	vst v6;
	v5 =	vmul.f32 $1.131370830e+01, v3;
	v3 =	vld [tilespmem:s29+$0x6550]  }
0x78: {  	s0 =	sshra.s32 s1, $0x2;
	s1 =	sadd.s32 $0x200, s1;
	[tilespmem:s29+$0xB070] =	vst v7;
	v6 =	vmul.f32 $1.131370830e+01, v4;
	v4 =	vld [tilespmem:s29+$0x6560]  }
0x79: {  	v7 =	vld [tilespmem:s0+$0x6570];
	[tilespmem:s29+$0xC900] =	vst v5;
	v0 =	vmul.f32 $1.131370830e+01, v0  }
0x7a: {  	v5 =	vld [tilespmem:s0+$0x4C00];
	[tilespmem:s29+$0xC910] =	vst v6;
	v1 =	vmul.f32 $1.131370830e+01, v1  }
0x7b: {  	v6 =	vld [tilespmem:s0+$0x4C10];
	[tilespmem:s29+$0xC920] =	vst v0;
	v2 =	vmul.f32 $1.131370830e+01, v2  }
0x7c: {  	v0 =	vld [tilespmem:s0+$0x4C20];
	[tilespmem:s29+$0xC930] =	vst v1;
	v3 =	vmul.f32 $1.131370830e+01, v3  }
0x7d: {  	v1 =	vld [tilespmem:s0+$0x4C30];
	[tilespmem:s29+$0xC940] =	vst v2;
	v4 =	vmul.f32 $1.131370830e+01, v4  }
0x7e: {  	v2 =	vld [tilespmem:s0+$0x4C40];
	[tilespmem:s29+$0xC950] =	vst v3;
	v7 =	vmul.f32 $1.131370830e+01, v7  }
0x7f: {  	v3 =	vld [tilespmem:s0+$0x4C50];
	[tilespmem:s29+$0xC960] =	vst v4;
	v50 =	vmul.f32 $1.131370830e+01, v5  }
0x80: {  	v51 =	vld [tilespmem:s0+$0x4C60];
	[tilespmem:s0+$0xC970] =	vst v7;
	v6 =	vmul.f32 $1.131370830e+01, v6  }
0x81: {  	v52 =	vld [tilespmem:s0+$0x4C70];
	[tilespmem:s0+$0xB000] =	vst v50;
	v0 =	vmul.f32 $1.131370830e+01, v0  }
0x82: {  	v53 =	vld [tilespmem:s0+$0x6500];
	[tilespmem:s0+$0xB010] =	vst v6;
	v1 =	vmul.f32 $1.131370830e+01, v1  }
0x83: {  	v54 =	vld [tilespmem:s0+$0x6510];
	[tilespmem:s0+$0xB020] =	vst v0;
	v2 =	vmul.f32 $1.131370830e+01, v2  }
0x84: {  	v55 =	vld [tilespmem:s0+$0x6520];
	[tilespmem:s0+$0xB030] =	vst v1;
	v3 =	vmul.f32 $1.131370830e+01, v3  }
0x85: {  	v56 =	vld [tilespmem:s0+$0x6530];
	[tilespmem:s0+$0xB040] =	vst v2;
	v5 =	vmul.f32 $1.131370830e+01, v51  }
0x86: {  	v57 =	vld [tilespmem:s0+$0x6540];
	v4 =	vmul.f32 $1.131370830e+01, v52;
	[tilespmem:s0+$0xB050] =	vst v3  }
0x87: {  	v58 =	vld [tilespmem:s0+$0x6550];
	v6 =	vmul.f32 $1.131370830e+01, v53;
	[tilespmem:s0+$0xB060] =	vst v5  }
0x88: {  	v59 =	vld [tilespmem:s0+$0x6560];
	v0 =	vmul.f32 $1.131370830e+01, v54;
	[tilespmem:s0+$0xB070] =	vst v4  }
0x89: {  	v1 =	vmul.f32 $1.131370830e+01, v55;
	[tilespmem:s0+$0xC900] =	vst v6  }
0x8a: {  	v60 =	vmul.f32 $1.131370830e+01, v56;
	[tilespmem:s0+$0xC910] =	vst v0  }
0x8b: {  	v61 =	vmul.f32 $1.131370830e+01, v57;
	[tilespmem:s0+$0xC920] =	vst v1  }
0x8c: {  	v62 =	vmul.f32 $1.131370830e+01, v58;
	[tilespmem:s0+$0xC930] =	vst v60  }
0x8d: {  	v63 =	vmul.f32 $1.131370830e+01, v59;
	[tilespmem:s0+$0xC940] =	vst v61  }
0x8e: {  	[tilespmem:s0+$0xC950] =	vst v62  }
0x8f: {  	[tilespmem:s0+$0xC960] =	vst v63  }
0x90: {  	[hbm4b:s8+s18] =	stream.strided.scatter [tilespmem:s23], [sflag:$0x4], $0x3200, s19, s18, $0x38;
	[tilespmem:$0xE200] =	vst v63  }
0x91: {  	s29 =	simm.s32 $0x1  }
0x92: {  	[tilespmem:s16], [sflag:$0x2] =	stream.indirect.gather [hbm4b:s2+s13], $0x80, s24, s13, $0xb8;
	[tilespmem:$0xE200] =	vst v63  }
.LBB2_6:
0x93: {  	_ =	swait.ge [sflag:s17], $0x3200  }
0x94: {  	[sflag:s17] =	ssyncset.done $0x0  }
0x95: {  	[sflag:s17] =	ssyncadd.s32 $0xFFFFCE00  }
0x96: {  	_ =	swait.ge [sflag:s25], $0x3200  }
0x97: {  	[sflag:s25] =	ssyncset.done $0x0  }
0x98: {  	s30 =	simm.s32 $0xFFFFE700;
	[sflag:s25] =	ssyncadd.s32 $0xFFFFCE00  }
0x99: {  	v0 =	vld [tilespmem:s30+$0x4C70]  }
0x9a: {  	v1 =	vld [tilespmem:s30+$0x3300]  }
0x9b: {  	v2 =	vld [tilespmem:s30+$0x3310]  }
0x9c: {  	v3 =	vld [tilespmem:s30+$0x3320]  }
0x9d: {  	v6 =	vld [tilespmem:s30+$0x3350]  }
0x9e: {  	v4 =	vld [tilespmem:s30+$0x3330];
	v0 =	vmul.f32 $1.131370830e+01, v0  }
0x9f: {  	v5 =	vld [tilespmem:s30+$0x3340];
	v1 =	vmul.f32 $1.131370830e+01, v1  }
0xa0: {  	v7 =	vld [tilespmem:s30+$0x3360];
	[tilespmem:s30+$0xB070] =	vst v0;
	v0 =	vmul.f32 $1.131370830e+01, v2  }
0xa1: {  	v8 =	vld [tilespmem:s30+$0x3370];
	[tilespmem:s30+$0x9700] =	vst v1;
	v1 =	vmul.f32 $1.131370830e+01, v3  }
0xa2: {  	v2 =	vmul.f32 $1.131370830e+01, v6;
	[tilespmem:s30+$0x9710] =	vst v0  }
0xa3: {  	v9 =	vld [tilespmem:s30+$0x4C00];
	v0 =	vmul.f32 $1.131370830e+01, v4;
	[tilespmem:s30+$0x9720] =	vst v1  }
0xa4: {  	v4 =	vld [tilespmem:s30+$0x4C10];
	v1 =	vmul.f32 $1.131370830e+01, v5;
	[tilespmem:s30+$0x9750] =	vst v2  }
0xa5: {  	v3 =	vmul.f32 $1.131370830e+01, v7;
	[tilespmem:s30+$0x9730] =	vst v0;
	v0 =	vld [tilespmem:s30+$0x4C20]  }
0xa6: {  	v5 =	vmul.f32 $1.131370830e+01, v8;
	[tilespmem:s30+$0x9740] =	vst v1;
	v1 =	vld [tilespmem:s30+$0x4C30]  }
0xa7: {  	v2 =	vld [tilespmem:s30+$0x4C40];
	[tilespmem:s30+$0x9760] =	vst v3  }
0xa8: {  	v3 =	vld [tilespmem:s30+$0x4C50];
	[tilespmem:s30+$0x9770] =	vst v5;
	v5 =	vmul.f32 $1.131370830e+01, v9  }
0xa9: {  	s1 =	simm.s32 $0xFFFFE780;
	s0 =	simm.s32 $0xFFFFA000;
	v6 =	vmul.f32 $1.131370830e+01, v4;
	v4 =	vld [tilespmem:s30+$0x4C60]  }
.LBB2_7:
0xaa: {  	p0 =	sne.s32 s0, $0xFFFFFE00;
	v7 =	vld [tilespmem:s1+$0x4C70];
	[tilespmem:s30+$0xB000] =	vst v5;
	v0 =	vmul.f32 $1.131370830e+01, v0  }
0xab: {  	v5 =	vld [tilespmem:s1+$0x3300];
	[tilespmem:s30+$0xB010] =	vst v6;
	v1 =	vmul.f32 $1.131370830e+01, v1  }
0xac: {  	v6 =	vld [tilespmem:s1+$0x3310];
	[tilespmem:s30+$0xB020] =	vst v0;
	v0 =	vmul.f32 $1.131370830e+01, v2  }
0xad: {  	v2 =	vld [tilespmem:s1+$0x3320];
	[tilespmem:s30+$0xB030] =	vst v1;
	v1 =	vmul.f32 $1.131370830e+01, v3  }
0xae: {  	v3 =	vld [tilespmem:s1+$0x3330];
	[tilespmem:s30+$0xB040] =	vst v0;
	v0 =	vmul.f32 $1.131370830e+01, v4  }
0xaf: {  	v4 =	vld [tilespmem:s1+$0x3340];
	v7 =	vmul.f32 $1.131370830e+01, v7;
	[tilespmem:s30+$0xB050] =	vst v1  }
0xb0: {  	v1 =	vmul.f32 $1.131370830e+01, v5;
	v5 =	vld [tilespmem:s1+$0x3350];
	[tilespmem:s30+$0xB060] =	vst v0;
	s30 =	smov.u32 s1  }
0xb1: {  	v0 =	vmul.f32 $1.131370830e+01, v6;
	v6 =	vld [tilespmem:s30+$0x3360];
	[tilespmem:s30+$0xB070] =	vst v7  }
0xb2: {  	[tilespmem:s30+$0x9700] =	vst v1;
	v1 =	vmul.f32 $1.131370830e+01, v2;
	v2 =	vld [tilespmem:s30+$0x3370]  }
0xb3: {  	[tilespmem:s30+$0x9710] =	vst v0;
	v0 =	vmul.f32 $1.131370830e+01, v3;
	v3 =	vld [tilespmem:s30+$0x4C00]  }
0xb4: {  	[tilespmem:s30+$0x9720] =	vst v1;
	v1 =	vmul.f32 $1.131370830e+01, v4;
	v4 =	vld [tilespmem:s30+$0x4C10]  }
.Ltmp2:
0xb5: {  	[tilespmem:s30+$0x9730] =	vst v0;
	v5 =	vmul.f32 $1.131370830e+01, v5;
	v0 =	vld [tilespmem:s30+$0x4C20];
	(pc) =	sbr.rel @p0 .LBB2_7-.Ltmp2, $4  }
0xb6: {  	[tilespmem:s30+$0x9740] =	vst v1;
	v6 =	vmul.f32 $1.131370830e+01, v6;
	v1 =	vld [tilespmem:s30+$0x4C30]  }
0xb7: {  	[tilespmem:s30+$0x9750] =	vst v5;
	v7 =	vmul.f32 $1.131370830e+01, v2;
	v2 =	vld [tilespmem:s30+$0x4C40]  }
0xb8: {  	[tilespmem:s30+$0x9760] =	vst v6;
	v5 =	vmul.f32 $1.131370830e+01, v3;
	v3 =	vld [tilespmem:s30+$0x4C50]  }
0xb9: {  	s1 =	sshra.s32 s0, $0x2;
	s0 =	sadd.s32 $0x200, s0;
	[tilespmem:s30+$0x9770] =	vst v7;
	v6 =	vmul.f32 $1.131370830e+01, v4;
	v4 =	vld [tilespmem:s30+$0x4C60]  }
0xba: {  	v7 =	vld [tilespmem:s1+$0x4C70];
	[tilespmem:s30+$0xB000] =	vst v5;
	v0 =	vmul.f32 $1.131370830e+01, v0  }
0xbb: {  	v5 =	vld [tilespmem:s1+$0x3300];
	[tilespmem:s30+$0xB010] =	vst v6;
	v1 =	vmul.f32 $1.131370830e+01, v1  }
0xbc: {  	v6 =	vld [tilespmem:s1+$0x3310];
	[tilespmem:s30+$0xB020] =	vst v0;
	v2 =	vmul.f32 $1.131370830e+01, v2  }
0xbd: {  	v0 =	vld [tilespmem:s1+$0x3320];
	[tilespmem:s30+$0xB030] =	vst v1;
	v3 =	vmul.f32 $1.131370830e+01, v3  }
0xbe: {  	v1 =	vld [tilespmem:s1+$0x3330];
	[tilespmem:s30+$0xB040] =	vst v2;
	v4 =	vmul.f32 $1.131370830e+01, v4  }
0xbf: {  	v2 =	vld [tilespmem:s1+$0x3340];
	[tilespmem:s30+$0xB050] =	vst v3;
	v7 =	vmul.f32 $1.131370830e+01, v7  }
0xc0: {  	v3 =	vld [tilespmem:s1+$0x3350];
	[tilespmem:s30+$0xB060] =	vst v4;
	v4 =	vmul.f32 $1.131370830e+01, v5  }
0xc1: {  	v5 =	vld [tilespmem:s1+$0x3360];
	[tilespmem:s1+$0xB070] =	vst v7;
	v6 =	vmul.f32 $1.131370830e+01, v6  }
0xc2: {  	[tilespmem:s1+$0x9700] =	vst v4;
	v4 =	vld [tilespmem:s1+$0x3370];
	v0 =	vmul.f32 $1.131370830e+01, v0  }
0xc3: {  	[tilespmem:s1+$0x9710] =	vst v6;
	v6 =	vld [tilespmem:s1+$0x4C00];
	v1 =	vmul.f32 $1.131370830e+01, v1  }
0xc4: {  	[tilespmem:s1+$0x9720] =	vst v0;
	v0 =	vld [tilespmem:s1+$0x4C10];
	v2 =	vmul.f32 $1.131370830e+01, v2  }
0xc5: {  	[tilespmem:s1+$0x9730] =	vst v1;
	v1 =	vld [tilespmem:s1+$0x4C20];
	v3 =	vmul.f32 $1.131370830e+01, v3  }
0xc6: {  	[tilespmem:s1+$0x9740] =	vst v2;
	v2 =	vld [tilespmem:s1+$0x4C30];
	v5 =	vmul.f32 $1.131370830e+01, v5  }
0xc7: {  	[tilespmem:s1+$0x9750] =	vst v3;
	v3 =	vld [tilespmem:s1+$0x4C40];
	v4 =	vmul.f32 $1.131370830e+01, v4  }
0xc8: {  	[tilespmem:s1+$0x9760] =	vst v5;
	v5 =	vld [tilespmem:s1+$0x4C50];
	v6 =	vmul.f32 $1.131370830e+01, v6  }
0xc9: {  	[tilespmem:s1+$0x9770] =	vst v4;
	v0 =	vmul.f32 $1.131370830e+01, v0;
	v4 =	vld [tilespmem:s1+$0x4C60]  }
0xca: {  	[tilespmem:s1+$0xB000] =	vst v6;
	v1 =	vmul.f32 $1.131370830e+01, v1  }
0xcb: {  	[tilespmem:s1+$0xB010] =	vst v0;
	v0 =	vmul.f32 $1.131370830e+01, v2  }
0xcc: {  	s30 =	sshll.u32 s29, $0x2;
	[tilespmem:s1+$0xB020] =	vst v1;
	v1 =	vmul.f32 $1.131370830e+01, v3  }
0xcd: {  	s15 =	smul.u32 $0x340, s29;
	s0 =	sadd.s32 s7, s30;
	[tilespmem:s1+$0xB030] =	vst v0;
	v0 =	vmul.f32 $1.131370830e+01, v5  }
0xce: {  	s0 =	smul.u32 $0x380, s0;
	[tilespmem:s1+$0xB040] =	vst v1;
	v1 =	vmul.f32 $1.131370830e+01, v4  }
0xcf: {  	[tilespmem:s1+$0xB050] =	vst v0  }
0xd0: {  	s31 =	sshra.s32 s15, $0x2;
	s0 =	sadd.s32 s4, s0;
	[tilespmem:s1+$0xB060] =	vst v1  }
0xd1: {  	[hbm4b:s0+s18] =	stream.strided.scatter [tilespmem:s20], [sflag:$0x3], $0x3200, s19, s18, $0x38;
	[tilespmem:$0xE200] =	vst v63  }
0xd2: {  	s15 =	sadd.s32 $0xD0, s31  }
0xd3: {  	[tilespmem:s14], [sflag:$0x1] =	stream.indirect.gather [hbm4b:s2+s13], $0x80, s15, s13, $0xb8;
	[tilespmem:$0xE200] =	vst v63  }
0xd4: {  	_ =	swait.ge [sflag:s22], $0x3200  }
0xd5: {  	[sflag:s22] =	ssyncset.done $0x0  }
0xd6: {  	[sflag:s22] =	ssyncadd.s32 $0xFFFFCE00  }
0xd7: {  	_ =	swait.ge [sflag:s26], $0x3200  }
0xd8: {  	[sflag:s26] =	ssyncset.done $0x0  }
0xd9: {  	s1 =	simm.s32 $0x0;
	[sflag:s26] =	ssyncadd.s32 $0xFFFFCE00  }
0xda: {  	v0 =	vld [tilespmem:s1+$0x6570]  }
0xdb: {  	v1 =	vld [tilespmem:s1+$0x4C00]  }
0xdc: {  	v2 =	vld [tilespmem:s1+$0x4C10]  }
0xdd: {  	v3 =	vld [tilespmem:s1+$0x4C20]  }
0xde: {  	v6 =	vld [tilespmem:s1+$0x4C50]  }
0xdf: {  	v4 =	vld [tilespmem:s1+$0x4C30];
	v0 =	vmul.f32 $1.131370830e+01, v0  }
0xe0: {  	v5 =	vld [tilespmem:s1+$0x4C40];
	v1 =	vmul.f32 $1.131370830e+01, v1  }
0xe1: {  	v7 =	vld [tilespmem:s1+$0x4C60];
	[tilespmem:s1+$0xC970] =	vst v0;
	v0 =	vmul.f32 $1.131370830e+01, v2  }
0xe2: {  	v8 =	vld [tilespmem:s1+$0x4C70];
	[tilespmem:s1+$0xB000] =	vst v1;
	v1 =	vmul.f32 $1.131370830e+01, v3  }
0xe3: {  	v2 =	vmul.f32 $1.131370830e+01, v6;
	[tilespmem:s1+$0xB010] =	vst v0  }
0xe4: {  	v9 =	vld [tilespmem:s1+$0x6500];
	v0 =	vmul.f32 $1.131370830e+01, v4;
	[tilespmem:s1+$0xB020] =	vst v1  }
0xe5: {  	v4 =	vld [tilespmem:s1+$0x6510];
	v1 =	vmul.f32 $1.131370830e+01, v5;
	[tilespmem:s1+$0xB050] =	vst v2  }
0xe6: {  	v3 =	vmul.f32 $1.131370830e+01, v7;
	[tilespmem:s1+$0xB030] =	vst v0;
	v0 =	vld [tilespmem:s1+$0x6520]  }
0xe7: {  	v5 =	vmul.f32 $1.131370830e+01, v8;
	[tilespmem:s1+$0xB040] =	vst v1;
	v1 =	vld [tilespmem:s1+$0x6530]  }
0xe8: {  	v2 =	vld [tilespmem:s1+$0x6540];
	[tilespmem:s1+$0xB060] =	vst v3  }
0xe9: {  	v3 =	vld [tilespmem:s1+$0x6550];
	[tilespmem:s1+$0xB070] =	vst v5;
	v5 =	vmul.f32 $1.131370830e+01, v9  }
0xea: {  	s0 =	simm.s32 $0x80;
	s15 =	simm.s32 $0x400;
	v6 =	vmul.f32 $1.131370830e+01, v4;
	v4 =	vld [tilespmem:s1+$0x6560]  }
.LBB2_9:
0xeb: {  	p0 =	sne.s32 s15, $0x6200;
	v7 =	vld [tilespmem:s0+$0x6570];
	[tilespmem:s1+$0xC900] =	vst v5;
	v0 =	vmul.f32 $1.131370830e+01, v0  }
0xec: {  	v5 =	vld [tilespmem:s0+$0x4C00];
	[tilespmem:s1+$0xC910] =	vst v6;
	v1 =	vmul.f32 $1.131370830e+01, v1  }
0xed: {  	v6 =	vld [tilespmem:s0+$0x4C10];
	[tilespmem:s1+$0xC920] =	vst v0;
	v0 =	vmul.f32 $1.131370830e+01, v2  }
0xee: {  	v2 =	vld [tilespmem:s0+$0x4C20];
	[tilespmem:s1+$0xC930] =	vst v1;
	v1 =	vmul.f32 $1.131370830e+01, v3  }
0xef: {  	v3 =	vld [tilespmem:s0+$0x4C30];
	[tilespmem:s1+$0xC940] =	vst v0;
	v0 =	vmul.f32 $1.131370830e+01, v4  }
0xf0: {  	v4 =	vld [tilespmem:s0+$0x4C40];
	v7 =	vmul.f32 $1.131370830e+01, v7;
	[tilespmem:s1+$0xC950] =	vst v1  }
0xf1: {  	v1 =	vmul.f32 $1.131370830e+01, v5;
	v5 =	vld [tilespmem:s0+$0x4C50];
	[tilespmem:s1+$0xC960] =	vst v0;
	s1 =	smov.u32 s0  }
0xf2: {  	v0 =	vmul.f32 $1.131370830e+01, v6;
	v6 =	vld [tilespmem:s1+$0x4C60];
	[tilespmem:s1+$0xC970] =	vst v7  }
0xf3: {  	[tilespmem:s1+$0xB000] =	vst v1;
	v1 =	vmul.f32 $1.131370830e+01, v2;
	v2 =	vld [tilespmem:s1+$0x4C70]  }
0xf4: {  	[tilespmem:s1+$0xB010] =	vst v0;
	v0 =	vmul.f32 $1.131370830e+01, v3;
	v3 =	vld [tilespmem:s1+$0x6500]  }
0xf5: {  	[tilespmem:s1+$0xB020] =	vst v1;
	v1 =	vmul.f32 $1.131370830e+01, v4;
	v4 =	vld [tilespmem:s1+$0x6510]  }
.Ltmp3:
0xf6: {  	[tilespmem:s1+$0xB030] =	vst v0;
	v5 =	vmul.f32 $1.131370830e+01, v5;
	v0 =	vld [tilespmem:s1+$0x6520];
	(pc) =	sbr.rel @p0 .LBB2_9-.Ltmp3, $4  }
0xf7: {  	[tilespmem:s1+$0xB040] =	vst v1;
	v6 =	vmul.f32 $1.131370830e+01, v6;
	v1 =	vld [tilespmem:s1+$0x6530]  }
0xf8: {  	[tilespmem:s1+$0xB050] =	vst v5;
	v7 =	vmul.f32 $1.131370830e+01, v2;
	v2 =	vld [tilespmem:s1+$0x6540]  }
0xf9: {  	[tilespmem:s1+$0xB060] =	vst v6;
	v5 =	vmul.f32 $1.131370830e+01, v3;
	v3 =	vld [tilespmem:s1+$0x6550]  }
0xfa: {  	s0 =	sshra.s32 s15, $0x2;
	s15 =	sadd.s32 $0x200, s15;
	[tilespmem:s1+$0xB070] =	vst v7;
	v6 =	vmul.f32 $1.131370830e+01, v4;
	v4 =	vld [tilespmem:s1+$0x6560]  }
0xfb: {  	v7 =	vld [tilespmem:s0+$0x6570];
	[tilespmem:s1+$0xC900] =	vst v5;
	v0 =	vmul.f32 $1.131370830e+01, v0  }
0xfc: {  	v5 =	vld [tilespmem:s0+$0x4C00];
	[tilespmem:s1+$0xC910] =	vst v6;
	v1 =	vmul.f32 $1.131370830e+01, v1  }
0xfd: {  	v6 =	vld [tilespmem:s0+$0x4C10];
	[tilespmem:s1+$0xC920] =	vst v0;
	v2 =	vmul.f32 $1.131370830e+01, v2  }
0xfe: {  	v0 =	vld [tilespmem:s0+$0x4C20];
	[tilespmem:s1+$0xC930] =	vst v1;
	v3 =	vmul.f32 $1.131370830e+01, v3  }
0xff: {  	v1 =	vld [tilespmem:s0+$0x4C30];
	[tilespmem:s1+$0xC940] =	vst v2;
	v4 =	vmul.f32 $1.131370830e+01, v4  }
0x100: {  	v2 =	vld [tilespmem:s0+$0x4C40];
	[tilespmem:s1+$0xC950] =	vst v3;
	v7 =	vmul.f32 $1.131370830e+01, v7  }
0x101: {  	v3 =	vld [tilespmem:s0+$0x4C50];
	[tilespmem:s1+$0xC960] =	vst v4;
	v50 =	vmul.f32 $1.131370830e+01, v5  }
0x102: {  	v51 =	vld [tilespmem:s0+$0x4C60];
	[tilespmem:s0+$0xC970] =	vst v7;
	v6 =	vmul.f32 $1.131370830e+01, v6  }
0x103: {  	v52 =	vld [tilespmem:s0+$0x4C70];
	[tilespmem:s0+$0xB000] =	vst v50;
	v0 =	vmul.f32 $1.131370830e+01, v0  }
0x104: {  	v53 =	vld [tilespmem:s0+$0x6500];
	[tilespmem:s0+$0xB010] =	vst v6;
	v1 =	vmul.f32 $1.131370830e+01, v1  }
0x105: {  	v54 =	vld [tilespmem:s0+$0x6510];
	[tilespmem:s0+$0xB020] =	vst v0;
	v2 =	vmul.f32 $1.131370830e+01, v2  }
0x106: {  	v55 =	vld [tilespmem:s0+$0x6520];
	[tilespmem:s0+$0xB030] =	vst v1;
	v3 =	vmul.f32 $1.131370830e+01, v3  }
0x107: {  	v56 =	vld [tilespmem:s0+$0x6530];
	[tilespmem:s0+$0xB040] =	vst v2;
	v5 =	vmul.f32 $1.131370830e+01, v51  }
0x108: {  	v57 =	vld [tilespmem:s0+$0x6540];
	v4 =	vmul.f32 $1.131370830e+01, v52;
	[tilespmem:s0+$0xB050] =	vst v3  }
0x109: {  	v58 =	vld [tilespmem:s0+$0x6550];
	v6 =	vmul.f32 $1.131370830e+01, v53;
	[tilespmem:s0+$0xB060] =	vst v5  }
0x10a: {  	v59 =	vld [tilespmem:s0+$0x6560];
	v0 =	vmul.f32 $1.131370830e+01, v54;
	[tilespmem:s0+$0xB070] =	vst v4  }
0x10b: {  	v1 =	vmul.f32 $1.131370830e+01, v55;
	[tilespmem:s0+$0xC900] =	vst v6  }
0x10c: {  	v60 =	vmul.f32 $1.131370830e+01, v56;
	[tilespmem:s0+$0xC910] =	vst v0  }
0x10d: {  	s15 =	sadd.s32 s30, s7;
	v61 =	vmul.f32 $1.131370830e+01, v57;
	[tilespmem:s0+$0xC920] =	vst v1  }
0x10e: {  	s29 =	sadd.s32 $0x1, s29;
	s1 =	smul.u32 $0x380, s15;
	v62 =	vmul.f32 $1.131370830e+01, v58;
	[tilespmem:s0+$0xC930] =	vst v60  }
0x10f: {  	p0 =	sne.s32 s29, $0x1F;
	v63 =	vmul.f32 $1.131370830e+01, v59;
	[tilespmem:s0+$0xC940] =	vst v61  }
.Ltmp4:
0x110: {  	s1 =	sadd.s32 s4, s1;
	[tilespmem:s0+$0xC950] =	vst v62;
	(pc) =	sbr.rel @p0 .LBB2_6-.Ltmp4, $4  }
0x111: {  	s30 =	sadd.s32 $0x700, s1;
	[tilespmem:s0+$0xC960] =	vst v63  }
0x112: {  	[hbm4b:s30+s18] =	stream.strided.scatter [tilespmem:s23], [sflag:$0x4], $0x3200, s19, s18, $0x38;
	[tilespmem:$0xE200] =	vst v63  }
0x113: {  	s31 =	sadd.s32 $0x138, s31  }
0x114: {  	[tilespmem:s16], [sflag:$0x2] =	stream.indirect.gather [hbm4b:s2+s13], $0x80, s31, s13, $0xb8;
	[tilespmem:$0xE200] =	vst v63  }
0x115: {  	_ =	swait.ge [sflag:s17], $0x3200  }
0x116: {  	[sflag:s17] =	ssyncset.done $0x0  }
0x117: {  	[sflag:s17] =	ssyncadd.s32 $0xFFFFCE00  }
0x118: {  	_ =	swait.ge [sflag:s25], $0x3200  }
0x119: {  	[sflag:s25] =	ssyncset.done $0x0  }
0x11a: {  	s1 =	simm.s32 $0xFFFFE700;
	[sflag:s25] =	ssyncadd.s32 $0xFFFFCE00  }
0x11b: {  	v0 =	vld [tilespmem:s1+$0x4C70]  }
0x11c: {  	v1 =	vld [tilespmem:s1+$0x3300]  }
0x11d: {  	v2 =	vld [tilespmem:s1+$0x3310]  }
0x11e: {  	v3 =	vld [tilespmem:s1+$0x3320]  }
0x11f: {  	v6 =	vld [tilespmem:s1+$0x3350]  }
0x120: {  	v4 =	vld [tilespmem:s1+$0x3330];
	v0 =	vmul.f32 $1.131370830e+01, v0  }
0x121: {  	v5 =	vld [tilespmem:s1+$0x3340];
	v1 =	vmul.f32 $1.131370830e+01, v1  }
0x122: {  	v7 =	vld [tilespmem:s1+$0x3360];
	[tilespmem:s1+$0xB070] =	vst v0;
	v0 =	vmul.f32 $1.131370830e+01, v2  }
0x123: {  	v8 =	vld [tilespmem:s1+$0x3370];
	[tilespmem:s1+$0x9700] =	vst v1;
	v1 =	vmul.f32 $1.131370830e+01, v3  }
0x124: {  	v2 =	vmul.f32 $1.131370830e+01, v6;
	[tilespmem:s1+$0x9710] =	vst v0  }
0x125: {  	v9 =	vld [tilespmem:s1+$0x4C00];
	v0 =	vmul.f32 $1.131370830e+01, v4;
	[tilespmem:s1+$0x9720] =	vst v1  }
0x126: {  	v4 =	vld [tilespmem:s1+$0x4C10];
	v1 =	vmul.f32 $1.131370830e+01, v5;
	[tilespmem:s1+$0x9750] =	vst v2  }
0x127: {  	v3 =	vmul.f32 $1.131370830e+01, v7;
	[tilespmem:s1+$0x9730] =	vst v0;
	v0 =	vld [tilespmem:s1+$0x4C20]  }
0x128: {  	v5 =	vmul.f32 $1.131370830e+01, v8;
	[tilespmem:s1+$0x9740] =	vst v1;
	v1 =	vld [tilespmem:s1+$0x4C30]  }
0x129: {  	v2 =	vld [tilespmem:s1+$0x4C40];
	[tilespmem:s1+$0x9760] =	vst v3  }
0x12a: {  	v3 =	vld [tilespmem:s1+$0x4C50];
	[tilespmem:s1+$0x9770] =	vst v5;
	v5 =	vmul.f32 $1.131370830e+01, v9  }
0x12b: {  	s0 =	simm.s32 $0xFFFFE780;
	s15 =	simm.s32 $0xFFFFA000;
	v6 =	vmul.f32 $1.131370830e+01, v4;
	v4 =	vld [tilespmem:s1+$0x4C60]  }
.LBB2_12:
0x12c: {  	p0 =	sne.s32 s15, $0xFFFFFE00;
	v7 =	vld [tilespmem:s0+$0x4C70];
	[tilespmem:s1+$0xB000] =	vst v5;
	v0 =	vmul.f32 $1.131370830e+01, v0  }
0x12d: {  	v5 =	vld [tilespmem:s0+$0x3300];
	[tilespmem:s1+$0xB010] =	vst v6;
	v1 =	vmul.f32 $1.131370830e+01, v1  }
0x12e: {  	v6 =	vld [tilespmem:s0+$0x3310];
	[tilespmem:s1+$0xB020] =	vst v0;
	v0 =	vmul.f32 $1.131370830e+01, v2  }
0x12f: {  	v2 =	vld [tilespmem:s0+$0x3320];
	[tilespmem:s1+$0xB030] =	vst v1;
	v1 =	vmul.f32 $1.131370830e+01, v3  }
0x130: {  	v3 =	vld [tilespmem:s0+$0x3330];
	[tilespmem:s1+$0xB040] =	vst v0;
	v0 =	vmul.f32 $1.131370830e+01, v4  }
0x131: {  	v4 =	vld [tilespmem:s0+$0x3340];
	v7 =	vmul.f32 $1.131370830e+01, v7;
	[tilespmem:s1+$0xB050] =	vst v1  }
0x132: {  	v1 =	vmul.f32 $1.131370830e+01, v5;
	v5 =	vld [tilespmem:s0+$0x3350];
	[tilespmem:s1+$0xB060] =	vst v0;
	s1 =	smov.u32 s0  }
0x133: {  	v0 =	vmul.f32 $1.131370830e+01, v6;
	v6 =	vld [tilespmem:s1+$0x3360];
	[tilespmem:s1+$0xB070] =	vst v7  }
0x134: {  	[tilespmem:s1+$0x9700] =	vst v1;
	v1 =	vmul.f32 $1.131370830e+01, v2;
	v2 =	vld [tilespmem:s1+$0x3370]  }
0x135: {  	[tilespmem:s1+$0x9710] =	vst v0;
	v0 =	vmul.f32 $1.131370830e+01, v3;
	v3 =	vld [tilespmem:s1+$0x4C00]  }
0x136: {  	[tilespmem:s1+$0x9720] =	vst v1;
	v1 =	vmul.f32 $1.131370830e+01, v4;
	v4 =	vld [tilespmem:s1+$0x4C10]  }
.Ltmp5:
0x137: {  	[tilespmem:s1+$0x9730] =	vst v0;
	v5 =	vmul.f32 $1.131370830e+01, v5;
	v0 =	vld [tilespmem:s1+$0x4C20];
	(pc) =	sbr.rel @p0 .LBB2_12-.Ltmp5, $4  }
0x138: {  	[tilespmem:s1+$0x9740] =	vst v1;
	v6 =	vmul.f32 $1.131370830e+01, v6;
	v1 =	vld [tilespmem:s1+$0x4C30]  }
0x139: {  	[tilespmem:s1+$0x9750] =	vst v5;
	v7 =	vmul.f32 $1.131370830e+01, v2;
	v2 =	vld [tilespmem:s1+$0x4C40]  }
0x13a: {  	[tilespmem:s1+$0x9760] =	vst v6;
	v5 =	vmul.f32 $1.131370830e+01, v3;
	v3 =	vld [tilespmem:s1+$0x4C50]  }
0x13b: {  	s0 =	sshra.s32 s15, $0x2;
	s15 =	sadd.s32 $0x200, s15;
	[tilespmem:s1+$0x9770] =	vst v7;
	v6 =	vmul.f32 $1.131370830e+01, v4;
	v4 =	vld [tilespmem:s1+$0x4C60]  }
0x13c: {  	v7 =	vld [tilespmem:s0+$0x4C70];
	[tilespmem:s1+$0xB000] =	vst v5;
	v0 =	vmul.f32 $1.131370830e+01, v0  }
0x13d: {  	v5 =	vld [tilespmem:s0+$0x3300];
	[tilespmem:s1+$0xB010] =	vst v6;
	v1 =	vmul.f32 $1.131370830e+01, v1  }
0x13e: {  	v6 =	vld [tilespmem:s0+$0x3310];
	[tilespmem:s1+$0xB020] =	vst v0;
	v2 =	vmul.f32 $1.131370830e+01, v2  }
0x13f: {  	v0 =	vld [tilespmem:s0+$0x3320];
	[tilespmem:s1+$0xB030] =	vst v1;
	v3 =	vmul.f32 $1.131370830e+01, v3  }
0x140: {  	v1 =	vld [tilespmem:s0+$0x3330];
	[tilespmem:s1+$0xB040] =	vst v2;
	v4 =	vmul.f32 $1.131370830e+01, v4  }
0x141: {  	v2 =	vld [tilespmem:s0+$0x3340];
	[tilespmem:s1+$0xB050] =	vst v3;
	v7 =	vmul.f32 $1.131370830e+01, v7  }
0x142: {  	v3 =	vld [tilespmem:s0+$0x3350];
	[tilespmem:s1+$0xB060] =	vst v4;
	v4 =	vmul.f32 $1.131370830e+01, v5  }
0x143: {  	v5 =	vld [tilespmem:s0+$0x3360];
	[tilespmem:s0+$0xB070] =	vst v7;
	v6 =	vmul.f32 $1.131370830e+01, v6  }
0x144: {  	[tilespmem:s0+$0x9700] =	vst v4;
	v4 =	vld [tilespmem:s0+$0x3370];
	v0 =	vmul.f32 $1.131370830e+01, v0  }
0x145: {  	[tilespmem:s0+$0x9710] =	vst v6;
	v6 =	vld [tilespmem:s0+$0x4C00];
	v1 =	vmul.f32 $1.131370830e+01, v1  }
0x146: {  	[tilespmem:s0+$0x9720] =	vst v0;
	v0 =	vld [tilespmem:s0+$0x4C10];
	v2 =	vmul.f32 $1.131370830e+01, v2  }
0x147: {  	[tilespmem:s0+$0x9730] =	vst v1;
	v1 =	vld [tilespmem:s0+$0x4C20];
	v3 =	vmul.f32 $1.131370830e+01, v3  }
0x148: {  	[tilespmem:s0+$0x9740] =	vst v2;
	v2 =	vld [tilespmem:s0+$0x4C30];
	v5 =	vmul.f32 $1.131370830e+01, v5  }
0x149: {  	[tilespmem:s0+$0x9750] =	vst v3;
	v3 =	vld [tilespmem:s0+$0x4C40];
	v4 =	vmul.f32 $1.131370830e+01, v4  }
0x14a: {  	[tilespmem:s0+$0x9760] =	vst v5;
	v5 =	vld [tilespmem:s0+$0x4C50];
	v6 =	vmul.f32 $1.131370830e+01, v6  }
0x14b: {  	[tilespmem:s0+$0x9770] =	vst v4;
	v0 =	vmul.f32 $1.131370830e+01, v0;
	v4 =	vld [tilespmem:s0+$0x4C60]  }
0x14c: {  	[tilespmem:s0+$0xB000] =	vst v6;
	v1 =	vmul.f32 $1.131370830e+01, v1  }
0x14d: {  	[tilespmem:s0+$0xB010] =	vst v0;
	v0 =	vmul.f32 $1.131370830e+01, v2  }
0x14e: {  	[tilespmem:s0+$0xB020] =	vst v1;
	v1 =	vmul.f32 $1.131370830e+01, v3  }
0x14f: {  	[tilespmem:s0+$0xB030] =	vst v0;
	v0 =	vmul.f32 $1.131370830e+01, v5  }
0x150: {  	[tilespmem:s0+$0xB040] =	vst v1;
	v1 =	vmul.f32 $1.131370830e+01, v4  }
0x151: {  	[tilespmem:s0+$0xB050] =	vst v0  }
0x152: {  	[tilespmem:s0+$0xB060] =	vst v1  }
0x153: {  	[hbm4b:s9+s18] =	stream.strided.scatter [tilespmem:s20], [sflag:$0x3], $0x3200, s19, s18, $0x38;
	[tilespmem:$0xE200] =	vst v63  }
0x154: {  	_ =	swait.ge [sflag:s22], $0x3200  }
0x155: {  	[sflag:s22] =	ssyncset.done $0x0  }
0x156: {  	[sflag:s22] =	ssyncadd.s32 $0xFFFFCE00  }
0x157: {  	_ =	swait.ge [sflag:s26], $0x3200  }
0x158: {  	[sflag:s26] =	ssyncset.done $0x0  }
0x159: {  	s1 =	simm.s32 $0x0;
	[sflag:s26] =	ssyncadd.s32 $0xFFFFCE00  }
0x15a: {  	v0 =	vld [tilespmem:s1+$0x6570]  }
0x15b: {  	v1 =	vld [tilespmem:s1+$0x4C00]  }
0x15c: {  	v2 =	vld [tilespmem:s1+$0x4C10]  }
0x15d: {  	v3 =	vld [tilespmem:s1+$0x4C20]  }
0x15e: {  	v6 =	vld [tilespmem:s1+$0x4C50]  }
0x15f: {  	v4 =	vld [tilespmem:s1+$0x4C30];
	v0 =	vmul.f32 $1.131370830e+01, v0  }
0x160: {  	v5 =	vld [tilespmem:s1+$0x4C40];
	v1 =	vmul.f32 $1.131370830e+01, v1  }
0x161: {  	v7 =	vld [tilespmem:s1+$0x4C60];
	[tilespmem:s1+$0xC970] =	vst v0;
	v0 =	vmul.f32 $1.131370830e+01, v2  }
0x162: {  	v8 =	vld [tilespmem:s1+$0x4C70];
	[tilespmem:s1+$0xB000] =	vst v1;
	v1 =	vmul.f32 $1.131370830e+01, v3  }
0x163: {  	v2 =	vmul.f32 $1.131370830e+01, v6;
	[tilespmem:s1+$0xB010] =	vst v0  }
0x164: {  	v9 =	vld [tilespmem:s1+$0x6500];
	v0 =	vmul.f32 $1.131370830e+01, v4;
	[tilespmem:s1+$0xB020] =	vst v1  }
0x165: {  	v4 =	vld [tilespmem:s1+$0x6510];
	v1 =	vmul.f32 $1.131370830e+01, v5;
	[tilespmem:s1+$0xB050] =	vst v2  }
0x166: {  	v3 =	vmul.f32 $1.131370830e+01, v7;
	[tilespmem:s1+$0xB030] =	vst v0;
	v0 =	vld [tilespmem:s1+$0x6520]  }
0x167: {  	v5 =	vmul.f32 $1.131370830e+01, v8;
	[tilespmem:s1+$0xB040] =	vst v1;
	v1 =	vld [tilespmem:s1+$0x6530]  }
0x168: {  	v2 =	vld [tilespmem:s1+$0x6540];
	[tilespmem:s1+$0xB060] =	vst v3  }
0x169: {  	v3 =	vld [tilespmem:s1+$0x6550];
	[tilespmem:s1+$0xB070] =	vst v5;
	v5 =	vmul.f32 $1.131370830e+01, v9  }
0x16a: {  	s15 =	simm.s32 $0x400;
	s0 =	simm.s32 $0x80;
	v6 =	vmul.f32 $1.131370830e+01, v4;
	v4 =	vld [tilespmem:s1+$0x6560]  }
.LBB2_14:
0x16b: {  	p0 =	sne.s32 s15, $0x6200;
	v7 =	vld [tilespmem:s0+$0x6570];
	[tilespmem:s1+$0xC900] =	vst v5;
	v0 =	vmul.f32 $1.131370830e+01, v0  }
0x16c: {  	v5 =	vld [tilespmem:s0+$0x4C00];
	[tilespmem:s1+$0xC910] =	vst v6;
	v1 =	vmul.f32 $1.131370830e+01, v1  }
0x16d: {  	v6 =	vld [tilespmem:s0+$0x4C10];
	[tilespmem:s1+$0xC920] =	vst v0;
	v0 =	vmul.f32 $1.131370830e+01, v2  }
0x16e: {  	v2 =	vld [tilespmem:s0+$0x4C20];
	[tilespmem:s1+$0xC930] =	vst v1;
	v1 =	vmul.f32 $1.131370830e+01, v3  }
0x16f: {  	v3 =	vld [tilespmem:s0+$0x4C30];
	[tilespmem:s1+$0xC940] =	vst v0;
	v0 =	vmul.f32 $1.131370830e+01, v4  }
0x170: {  	v4 =	vld [tilespmem:s0+$0x4C40];
	v7 =	vmul.f32 $1.131370830e+01, v7;
	[tilespmem:s1+$0xC950] =	vst v1  }
0x171: {  	v1 =	vmul.f32 $1.131370830e+01, v5;
	v5 =	vld [tilespmem:s0+$0x4C50];
	[tilespmem:s1+$0xC960] =	vst v0;
	s1 =	smov.u32 s0  }
0x172: {  	v0 =	vmul.f32 $1.131370830e+01, v6;
	v6 =	vld [tilespmem:s1+$0x4C60];
	[tilespmem:s1+$0xC970] =	vst v7  }
0x173: {  	[tilespmem:s1+$0xB000] =	vst v1;
	v1 =	vmul.f32 $1.131370830e+01, v2;
	v2 =	vld [tilespmem:s1+$0x4C70]  }
0x174: {  	[tilespmem:s1+$0xB010] =	vst v0;
	v0 =	vmul.f32 $1.131370830e+01, v3;
	v3 =	vld [tilespmem:s1+$0x6500]  }
0x175: {  	[tilespmem:s1+$0xB020] =	vst v1;
	v1 =	vmul.f32 $1.131370830e+01, v4;
	v4 =	vld [tilespmem:s1+$0x6510]  }
.Ltmp6:
0x176: {  	[tilespmem:s1+$0xB030] =	vst v0;
	v5 =	vmul.f32 $1.131370830e+01, v5;
	v0 =	vld [tilespmem:s1+$0x6520];
	(pc) =	sbr.rel @p0 .LBB2_14-.Ltmp6, $4  }
0x177: {  	[tilespmem:s1+$0xB040] =	vst v1;
	v6 =	vmul.f32 $1.131370830e+01, v6;
	v1 =	vld [tilespmem:s1+$0x6530]  }
0x178: {  	[tilespmem:s1+$0xB050] =	vst v5;
	v7 =	vmul.f32 $1.131370830e+01, v2;
	v2 =	vld [tilespmem:s1+$0x6540]  }
0x179: {  	[tilespmem:s1+$0xB060] =	vst v6;
	v5 =	vmul.f32 $1.131370830e+01, v3;
	v3 =	vld [tilespmem:s1+$0x6550]  }
0x17a: {  	s0 =	sshra.s32 s15, $0x2;
	s15 =	sadd.s32 $0x200, s15;
	[tilespmem:s1+$0xB070] =	vst v7;
	v6 =	vmul.f32 $1.131370830e+01, v4;
	v4 =	vld [tilespmem:s1+$0x6560]  }
0x17b: {  	v7 =	vld [tilespmem:s0+$0x6570];
	[tilespmem:s1+$0xC900] =	vst v5;
	v0 =	vmul.f32 $1.131370830e+01, v0  }
0x17c: {  	v5 =	vld [tilespmem:s0+$0x4C00];
	[tilespmem:s1+$0xC910] =	vst v6;
	v1 =	vmul.f32 $1.131370830e+01, v1  }
0x17d: {  	v6 =	vld [tilespmem:s0+$0x4C10];
	[tilespmem:s1+$0xC920] =	vst v0;
	v2 =	vmul.f32 $1.131370830e+01, v2  }
0x17e: {  	v0 =	vld [tilespmem:s0+$0x4C20];
	[tilespmem:s1+$0xC930] =	vst v1;
	v3 =	vmul.f32 $1.131370830e+01, v3  }
0x17f: {  	v1 =	vld [tilespmem:s0+$0x4C30];
	[tilespmem:s1+$0xC940] =	vst v2;
	v4 =	vmul.f32 $1.131370830e+01, v4  }
0x180: {  	v2 =	vld [tilespmem:s0+$0x4C40];
	[tilespmem:s1+$0xC950] =	vst v3;
	v7 =	vmul.f32 $1.131370830e+01, v7  }
0x181: {  	v3 =	vld [tilespmem:s0+$0x4C50];
	[tilespmem:s1+$0xC960] =	vst v4;
	v50 =	vmul.f32 $1.131370830e+01, v5  }
0x182: {  	v51 =	vld [tilespmem:s0+$0x4C60];
	[tilespmem:s0+$0xC970] =	vst v7;
	v6 =	vmul.f32 $1.131370830e+01, v6  }
0x183: {  	v52 =	vld [tilespmem:s0+$0x4C70];
	[tilespmem:s0+$0xB000] =	vst v50;
	v0 =	vmul.f32 $1.131370830e+01, v0  }
0x184: {  	v53 =	vld [tilespmem:s0+$0x6500];
	[tilespmem:s0+$0xB010] =	vst v6;
	v1 =	vmul.f32 $1.131370830e+01, v1  }
0x185: {  	v54 =	vld [tilespmem:s0+$0x6510];
	[tilespmem:s0+$0xB020] =	vst v0;
	v2 =	vmul.f32 $1.131370830e+01, v2  }
0x186: {  	v55 =	vld [tilespmem:s0+$0x6520];
	[tilespmem:s0+$0xB030] =	vst v1;
	v3 =	vmul.f32 $1.131370830e+01, v3  }
0x187: {  	v56 =	vld [tilespmem:s0+$0x6530];
	[tilespmem:s0+$0xB040] =	vst v2;
	v5 =	vmul.f32 $1.131370830e+01, v51  }
0x188: {  	v57 =	vld [tilespmem:s0+$0x6540];
	v4 =	vmul.f32 $1.131370830e+01, v52;
	[tilespmem:s0+$0xB050] =	vst v3  }
0x189: {  	v58 =	vld [tilespmem:s0+$0x6550];
	v6 =	vmul.f32 $1.131370830e+01, v53;
	[tilespmem:s0+$0xB060] =	vst v5  }
0x18a: {  	v59 =	vld [tilespmem:s0+$0x6560];
	v0 =	vmul.f32 $1.131370830e+01, v54;
	[tilespmem:s0+$0xB070] =	vst v4  }
0x18b: {  	v1 =	vmul.f32 $1.131370830e+01, v55;
	[tilespmem:s0+$0xC900] =	vst v6  }
0x18c: {  	v60 =	vmul.f32 $1.131370830e+01, v56;
	[tilespmem:s0+$0xC910] =	vst v0  }
0x18d: {  	v61 =	vmul.f32 $1.131370830e+01, v57;
	[tilespmem:s0+$0xC920] =	vst v1  }
0x18e: {  	v62 =	vmul.f32 $1.131370830e+01, v58;
	[tilespmem:s0+$0xC930] =	vst v60  }
0x18f: {  	v63 =	vmul.f32 $1.131370830e+01, v59;
	[tilespmem:s0+$0xC940] =	vst v61  }
0x190: {  	[tilespmem:s0+$0xC950] =	vst v62  }
0x191: {  	s28 =	sadd.s32 $0x1, s28;
	[tilespmem:s0+$0xC960] =	vst v63  }
0x192: {  	[hbm4b:s10+s18] =	stream.strided.scatter [tilespmem:s23], [sflag:$0x4], $0x3200, s19, s18, $0x38;
	[tilespmem:$0xE200] =	vst v63  }
0x193: {  	p0 =	sne.s32 s28, s11;
	_ =	swait.ge [sflag:s25], $0x3200  }
.Ltmp7:
0x194: {  	[sflag:s25] =	ssyncset.done $0x0;
	(pc) =	sbr.rel @p0 .LBB2_1-.Ltmp7, $4  }
0x195: {  	[sflag:s25] =	ssyncadd.s32 $0xFFFFCE00  }
0x196: {  	_ =	swait.ge [sflag:s26], $0x3200  }
0x197: {  	[sflag:s26] =	ssyncset.done $0x0  }
0x198: {  	[sflag:s26] =	ssyncadd.s32 $0xFFFFCE00  }
0x199: {  	_ =	sfence.sel $0x180000  }
0x19a: {  	[bflag:$0x0] =	sbarrier.arrive $0xFFFF  }
0x19b: {  	_ =	strace $0x90000047  }
0x19c: {  	s0 =	stileid.u32;
	[bflag:$0x2] =	sbarrier.arrive $0xFFFF  }
0x19d: {  	p0 =	sne.s32 s0, $0x0;
	s0 =	rddreg [dreg:$0x3]  }
0x19e: {  	s0 =	sadd.s32 @!p0 $0x100000, s0  }
0x19f: {  	[sflag:s0] =	ssyncadd.tile.s32 @!p0 $0x1;
	_ =	shalt  }
.Lfunc_end2:
_tile_overlayer_lowered:
.L_overlay_start_2:
0x1a0: {  	(tag) =	ssettag $0x2  }
0x1a1: {  	s0 =	rddreg [dreg:$0x0];
	s2 =	stileid.u32  }
0x1a2: {  	s1 =	rddreg [dreg:$0x1];
	p0 =	sne.s32 s2, $0x0  }
0x1a3: {  	s3 =	rddreg [dreg:$0x2];
	[bflag:$0x3] =	sbarrier.arrive $0xFFFF;
	s2 =	simm.s32 @!p0 $0x1C05  }
0x1a4: {  	[timem:s3], [sflag:s2] =	dma.local @!p0 [hbm:s0], s1  }
0x1a5: {  	s0 =	simm.s32 @!p0 $0x5  }
0x1a6: {  	_ =	swait.ge @!p0 [sflag:s0], s1  }
0x1a7: {  	s1 =	ssub.s32 @!p0 $0x0, s1;
	[sflag:s0] =	ssyncset.done @!p0 $0x0  }
0x1a8: {  	[sflag:s0] =	ssyncadd.s32 @!p0 s1  }
0x1a9: {  	[bflag:$0x3] =	sbarrier.arrive $0xFFFF  }
0x1aa: {  	_ =	shalt  }

</sc_bundles>
